<compile_context>
chip_gen: v7x
topology: tpu7x:2x2x1
jax: 0.10.2.dev20260603
libtpu: 0.0.44.dev20260713+nightly
codegen_flags: <defaults>
</compile_context>

<pallas_src>
import functools

import jax
import jax.numpy as jnp
from jax import lax
from jax.experimental import pallas as pl
from jax.experimental.pallas import tpu as pltpu
from jax.experimental.pallas import tpu_sc as plsc

_NC = 2
_NS = 16
_LANES = 16
_NW = _NC * _NS

_EPS = 1e-12


def _rsqrt_vec(x):
    i = lax.bitcast_convert_type(x, jnp.int32)
    i = jnp.full((_LANES,), 0x5F3759DF, jnp.int32) - jnp.right_shift(i, 1)
    y = lax.bitcast_convert_type(i, jnp.float32)
    for _ in range(3):
        y = y * (1.5 - 0.5 * x * y * y)
    return y


def kernel(input_ids, token_type_ids, token_table, pos_table, seg_table, gamma, beta):
    B, L = input_ids.shape
    V, H = token_table.shape
    N = B * L
    LP = L + _LANES

    C = 128
    G = C // _LANES
    per_w = N // _NW
    n_chunks = per_w // C

    ids = input_ids.reshape(N)
    tts = token_type_ids.reshape(N)

    poseg = pos_table[None, :, :] + seg_table[:, None, :]
    posegT = jnp.swapaxes(poseg, 1, 2)
    posegTp = jnp.concatenate([posegT, posegT[:, :, :_LANES]], axis=2)
    posegTp = posegTp.reshape(2 * H * LP)
    gb = jnp.broadcast_to(gamma[:, None], (H, _LANES))
    bb = jnp.broadcast_to(beta[:, None], (H, _LANES))

    mesh = plsc.VectorSubcoreMesh(
        core_axis_name="c", subcore_axis_name="s", num_cores=_NC, num_subcores=_NS
    )

    @functools.partial(
        pl.kernel,
        out_type=jax.ShapeDtypeStruct((N, H), jnp.float32),
        mesh=mesh,
        compiler_params=pltpu.CompilerParams(
            needs_layout_passes=False, use_tc_tiling_on_sc=False
        ),
        scratch_types=[
            pltpu.VMEM((2 * H * LP,), jnp.float32),
            pltpu.VMEM((H, _LANES), jnp.float32),
            pltpu.VMEM((H, _LANES), jnp.float32),
            pltpu.VMEM((C,), jnp.int32),
            pltpu.VMEM((C,), jnp.int32),
            pltpu.VMEM((C, H), jnp.float32),
            pltpu.SemaphoreType.DMA,
        ],
    )
    def sc_kernel(ids_hbm, tt_hbm, tab_hbm, ps_hbm, gb_hbm, bb_hbm,
                  out_hbm, ps_v, gb_v, bb_v, idx_v, tt_v, rows_v, sem):
        wid = lax.axis_index("s") * _NC + lax.axis_index("c")
        base = wid * per_w

        pltpu.sync_copy(ps_hbm, ps_v)
        pltpu.sync_copy(gb_hbm, gb_v)
        pltpu.sync_copy(bb_hbm, bb_v)

        iota = lax.iota(jnp.int32, _LANES)
        zero = jnp.zeros((_LANES,), jnp.float32)

        def chunk_body(c, carry):
            tok0 = base + c * C
            pltpu.sync_copy(ids_hbm.at[pl.ds(tok0, C)], idx_v)
            pltpu.sync_copy(tt_hbm.at[pl.ds(tok0, C)], tt_v)
            pltpu.async_copy(tab_hbm.at[idx_v], rows_v, sem).wait()

            def grp_body(g, carry2):
                riota = g * _LANES + iota
                ttv = tt_v[pl.ds(g * _LANES, _LANES)]
                l0 = lax.rem(c * C + g * _LANES, L)
                pvec = ttv * (H * LP) + (l0 + iota)

                sums = [zero, zero, zero, zero]
                sqs = [zero, zero, zero, zero]
                for h in range(H):
                    hsplat = jnp.full((_LANES,), h, jnp.int32)
                    v = plsc.load_gather(rows_v, [riota, hsplat])
                    p = plsc.load_gather(ps_v, [pvec + h * LP])
                    v = v + p
                    sums[h & 3] = sums[h & 3] + v
                    sqs[h & 3] = sqs[h & 3] + v * v
                    plsc.store_scatter(rows_v, [riota, hsplat], v)

                s = (sums[0] + sums[1]) + (sums[2] + sums[3])
                sq = (sqs[0] + sqs[1]) + (sqs[2] + sqs[3])
                mean = s * (1.0 / H)
                var = sq * (1.0 / H) - mean * mean
                rstd = _rsqrt_vec(var + _EPS)

                for h in range(H):
                    hsplat = jnp.full((_LANES,), h, jnp.int32)
                    v = plsc.load_gather(rows_v, [riota, hsplat])
                    gv = gb_v[h, pl.ds(0, _LANES)]
                    bv = bb_v[h, pl.ds(0, _LANES)]
                    o = (v - mean) * rstd * gv + bv
                    plsc.store_scatter(rows_v, [riota, hsplat], o)
                return carry2

            lax.fori_loop(0, G, grp_body, 0)
            pltpu.sync_copy(rows_v, out_hbm.at[pl.ds(tok0, C)])
            return carry

        lax.fori_loop(0, n_chunks, chunk_body, 0)

    out = sc_kernel(ids, tts, token_table, posegTp, gb, bb)
    return out.reshape(B, L, H)

# --- scband reference (transcript-rebuilt; emitter-appended) ---
"""Pipeline reference for scband-embeddings-55155970015616 (READ-ONLY COPY).

The authoritative reference and input builder live on the scoring server;
editing this copy changes nothing except your own understanding.
"""

import jax, jax.numpy as jnp
import numpy as np

VOCAB = 1000000
HID = 64
MAX_POS = 200
B = 4096
L = 200
EPS = 1e-12

def setup_inputs(seed: int = 0) -> dict:
    key = jax.random.key(seed)
    k1, k2, k3, k4, k5 = jax.random.split(key, 5)
    input_ids = jax.random.randint(k1, (B, L), 0, VOCAB, dtype=jnp.int64 if jax.config.jax_enable_x64 else jnp.int32).astype(jnp.int32)
    token_type_ids = jax.random.randint(k2, (B, L), 0, 2).astype(jnp.int32)
    token_table = jax.random.normal(k3, (VOCAB, HID), dtype=jnp.float32) * 0.02
    pos_table = jax.random.normal(k4, (MAX_POS, HID), dtype=jnp.float32) * 0.02
    seg_table = jax.random.normal(k5, (2, HID), dtype=jnp.float32) * 0.02
    gamma = jnp.ones((HID,), dtype=jnp.float32)
    beta = jnp.zeros((HID,), dtype=jnp.float32)
    return {"input_ids": input_ids, "token_type_ids": token_type_ids,
            "token_table": token_table, "pos_table": pos_table,
            "seg_table": seg_table, "gamma": gamma, "beta": beta}

def reference(input_ids, token_type_ids, token_table, pos_table, seg_table, gamma, beta):
    seq_length = input_ids.shape[1]
    position_ids = jnp.arange(seq_length, dtype=jnp.int32)[None, :]  # [1, L], broadcasts over B
    token_embed = jnp.take(token_table, input_ids, axis=0)           # [B, L, H] gather
    position_embed = jnp.take(pos_table, position_ids, axis=0)       # [1, L, H]
    segment_embed = jnp.take(seg_table, token_type_ids, axis=0)      # [B, L, H]
    embeddings = token_embed + position_embed + segment_embed
    mean = jnp.mean(embeddings, axis=-1, keepdims=True)
    var = jnp.mean(jnp.square(embeddings - mean), axis=-1, keepdims=True)
    normed = (embeddings - mean) / jnp.sqrt(var + EPS)
    out = normed * gamma + beta
    # dropout_prob=0.0 (eval / identity)
    return out

if __name__ == "__main__":
    import jax
    _d = setup_inputs()
    print(jax.jit(kernel)(*tuple(_d.values())))

</pallas_src>

<mosaic_0001>
#map = affine_map<(d0, d1) -> (0)>
#map1 = affine_map<(d0, d1) -> (0, 0)>
module attributes {stable_mosaic.version = 14 : i64} {
  func.func @sc_kernel(%arg0: i32, %arg1: i32, %arg2: memref<819200xi32, #tpu.memory_space<hbm>>, %arg3: memref<819200xi32, #tpu.memory_space<hbm>>, %arg4: memref<1000000x64xf32, #tpu.memory_space<hbm>>, %arg5: memref<27648xf32, #tpu.memory_space<hbm>>, %arg6: memref<64x16xf32, #tpu.memory_space<hbm>>, %arg7: memref<64x16xf32, #tpu.memory_space<hbm>>, %arg8: memref<819200x64xf32, #tpu.memory_space<hbm>>, %arg9: memref<27648xf32, #tpu.memory_space<vmem>>, %arg10: memref<64x16xf32, #tpu.memory_space<vmem>>, %arg11: memref<64x16xf32, #tpu.memory_space<vmem>>, %arg12: memref<128xi32, #tpu.memory_space<vmem>>, %arg13: memref<128xi32, #tpu.memory_space<vmem>>, %arg14: memref<128x64xf32, #tpu.memory_space<vmem>>, %arg15: memref<!tpu.dma_semaphore, #tpu.memory_space<semaphore_mem>>) attributes {dimension_semantics = [#tpu.dimension_semantics<core_parallel>, #tpu.dimension_semantics<subcore_parallel>], iteration_bounds = array<i64: 2, 16>, scalar_prefetch = 0 : i64, scratch_operands = 7 : i64, tpu.core_type = #tpu.core_type<sc_vector_subcore>, window_params = [{transform_indices = #map}, {transform_indices = #map}, {transform_indices = #map1}, {transform_indices = #map}, {transform_indices = #map1}, {transform_indices = #map1}, {transform_indices = #map1}]} {
    %mul3A = arith.constant 2 : i32
    %mul3A_0 = arith.muli %arg1, %mul3A : i32
    %add3A = arith.addi %mul3A_0, %arg0 : i32
    %mul3A_1 = arith.constant 25600 : i32
    %mul3A_2 = arith.muli %add3A, %mul3A_1 : i32
    "tpu.region"() ({
      %run_scoped3A = tpu.sem_alloc : memref<!tpu.dma_semaphore, #tpu.memory_space<semaphore_mem>>
      tpu.enqueue_dma source(%arg5 : memref<27648xf32, #tpu.memory_space<hbm>>) target(%arg9 : memref<27648xf32, #tpu.memory_space<vmem>>) target_semaphore(%run_scoped3A : memref<!tpu.dma_semaphore, #tpu.memory_space<semaphore_mem>>)
      tpu.wait_dma2 semaphore(%run_scoped3A : memref<!tpu.dma_semaphore, #tpu.memory_space<semaphore_mem>>) src(%arg5 : memref<27648xf32, #tpu.memory_space<hbm>>) dst(%arg9 : memref<27648xf32, #tpu.memory_space<vmem>>)
      tpu.yield
    }) : () -> ()
    "tpu.region"() ({
      %run_scoped3A = tpu.sem_alloc : memref<!tpu.dma_semaphore, #tpu.memory_space<semaphore_mem>>
      tpu.enqueue_dma source(%arg6 : memref<64x16xf32, #tpu.memory_space<hbm>>) target(%arg10 : memref<64x16xf32, #tpu.memory_space<vmem>>) target_semaphore(%run_scoped3A : memref<!tpu.dma_semaphore, #tpu.memory_space<semaphore_mem>>)
      tpu.wait_dma2 semaphore(%run_scoped3A : memref<!tpu.dma_semaphore, #tpu.memory_space<semaphore_mem>>) src(%arg6 : memref<64x16xf32, #tpu.memory_space<hbm>>) dst(%arg10 : memref<64x16xf32, #tpu.memory_space<vmem>>)
      tpu.yield
    }) : () -> ()
    "tpu.region"() ({
      %run_scoped3A = tpu.sem_alloc : memref<!tpu.dma_semaphore, #tpu.memory_space<semaphore_mem>>
      tpu.enqueue_dma source(%arg7 : memref<64x16xf32, #tpu.memory_space<hbm>>) target(%arg11 : memref<64x16xf32, #tpu.memory_space<vmem>>) target_semaphore(%run_scoped3A : memref<!tpu.dma_semaphore, #tpu.memory_space<semaphore_mem>>)
      tpu.wait_dma2 semaphore(%run_scoped3A : memref<!tpu.dma_semaphore, #tpu.memory_space<semaphore_mem>>) src(%arg7 : memref<64x16xf32, #tpu.memory_space<hbm>>) dst(%arg11 : memref<64x16xf32, #tpu.memory_space<vmem>>)
      tpu.yield
    }) : () -> ()
    %iota3A = tpu.iota {dimensions = array<i32: 0>} : vector<16xi32>
    %broadcast_in_dim3A = arith.constant 0.000000e+00 : f32
    %broadcast_in_dim3A_3 = vector.broadcast %broadcast_in_dim3A : f32 to vector<16xf32>
    %scan3A = arith.constant 0 : i32
    %scan3A_4 = arith.constant 0 : i32
    %scan3A_5 = arith.constant 200 : i32
    %scan3A_6 = arith.addi %scan3A_4, %scan3A_5 : i32
    %scan3A_7 = arith.constant 1 : i32
    scf.for %scan3A_9 = %scan3A_4 to %scan3A_6 step %scan3A_7  : i32 {
      %mul3A_10 = arith.constant 128 : i32
      %mul3A_11 = arith.muli %scan3A_9, %mul3A_10 : i32
      %add3A_12 = arith.addi %mul3A_2, %mul3A_11 : i32
      "tpu.region"() ({
        %run_scoped3A = tpu.sem_alloc : memref<!tpu.dma_semaphore, #tpu.memory_space<semaphore_mem>>
        %dma_start3A_23 = tpu.memref_slice %arg2[%add3A_12] : memref<819200xi32, #tpu.memory_space<hbm>> -> memref<128xi32, #tpu.memory_space<hbm>>
        %dma_start3A_24 = tpu.memref_slice %arg2[%add3A_12] : memref<819200xi32, #tpu.memory_space<hbm>> -> memref<128xi32, #tpu.memory_space<hbm>>
        tpu.enqueue_dma source(%dma_start3A_24 : memref<128xi32, #tpu.memory_space<hbm>>) target(%arg12 : memref<128xi32, #tpu.memory_space<vmem>>) target_semaphore(%run_scoped3A : memref<!tpu.dma_semaphore, #tpu.memory_space<semaphore_mem>>)
        %dma_wait3A_25 = tpu.memref_slice %arg2[%add3A_12] : memref<819200xi32, #tpu.memory_space<hbm>> -> memref<128xi32, #tpu.memory_space<hbm>>
        %dma_wait3A_26 = tpu.memref_slice %arg2[%add3A_12] : memref<819200xi32, #tpu.memory_space<hbm>> -> memref<128xi32, #tpu.memory_space<hbm>>
        tpu.wait_dma2 semaphore(%run_scoped3A : memref<!tpu.dma_semaphore, #tpu.memory_space<semaphore_mem>>) src(%dma_wait3A_26 : memref<128xi32, #tpu.memory_space<hbm>>) dst(%arg12 : memref<128xi32, #tpu.memory_space<vmem>>)
        tpu.yield
      }) : () -> ()
      "tpu.region"() ({
        %run_scoped3A = tpu.sem_alloc : memref<!tpu.dma_semaphore, #tpu.memory_space<semaphore_mem>>
        %dma_start3A_23 = tpu.memref_slice %arg3[%add3A_12] : memref<819200xi32, #tpu.memory_space<hbm>> -> memref<128xi32, #tpu.memory_space<hbm>>
        %dma_start3A_24 = tpu.memref_slice %arg3[%add3A_12] : memref<819200xi32, #tpu.memory_space<hbm>> -> memref<128xi32, #tpu.memory_space<hbm>>
        tpu.enqueue_dma source(%dma_start3A_24 : memref<128xi32, #tpu.memory_space<hbm>>) target(%arg13 : memref<128xi32, #tpu.memory_space<vmem>>) target_semaphore(%run_scoped3A : memref<!tpu.dma_semaphore, #tpu.memory_space<semaphore_mem>>)
        %dma_wait3A_25 = tpu.memref_slice %arg3[%add3A_12] : memref<819200xi32, #tpu.memory_space<hbm>> -> memref<128xi32, #tpu.memory_space<hbm>>
        %dma_wait3A_26 = tpu.memref_slice %arg3[%add3A_12] : memref<819200xi32, #tpu.memory_space<hbm>> -> memref<128xi32, #tpu.memory_space<hbm>>
        tpu.wait_dma2 semaphore(%run_scoped3A : memref<!tpu.dma_semaphore, #tpu.memory_space<semaphore_mem>>) src(%dma_wait3A_26 : memref<128xi32, #tpu.memory_space<hbm>>) dst(%arg13 : memref<128xi32, #tpu.memory_space<vmem>>)
        tpu.yield
      }) : () -> ()
      %dma_start3A = arith.constant 0 : i32
      %dma_start3A_13 = arith.constant 0 : i32
      %dma_start3A_14 = tpu.memref_slice %arg4[%dma_start3A, %dma_start3A_13] : memref<1000000x64xf32, #tpu.memory_space<hbm>> -> memref<1000000x64xf32, #tpu.memory_space<hbm>>
      tpu.enqueue_indirect_dma source(%dma_start3A_14 : memref<1000000x64xf32, #tpu.memory_space<hbm>>) target(%arg14 : memref<128x64xf32, #tpu.memory_space<vmem>>) offsets(%arg12 : memref<128xi32, #tpu.memory_space<vmem>>) semaphore(%arg15 : memref<!tpu.dma_semaphore, #tpu.memory_space<semaphore_mem>>)
      %dma_wait3A = arith.constant 0 : i32
      %dma_wait3A_15 = arith.constant 0 : i32
      %dma_wait3A_16 = tpu.memref_slice %arg4[%dma_wait3A, %dma_wait3A_15] : memref<1000000x64xf32, #tpu.memory_space<hbm>> -> memref<1000000x64xf32, #tpu.memory_space<hbm>>
      tpu.wait_indirect_dma semaphore(%arg15 : memref<!tpu.dma_semaphore, #tpu.memory_space<semaphore_mem>>) src(%dma_wait3A_16 : memref<1000000x64xf32, #tpu.memory_space<hbm>>) dst(%arg14 : memref<128x64xf32, #tpu.memory_space<vmem>>)
      %scan3A_17 = arith.constant 0 : i32
      %scan3A_18 = arith.constant 0 : i32
      %scan3A_19 = arith.constant 8 : i32
      %scan3A_20 = arith.addi %scan3A_18, %scan3A_19 : i32
      %scan3A_21 = arith.constant 1 : i32
      scf.for %scan3A_23 = %scan3A_18 to %scan3A_20 step %scan3A_21  : i32 {
        %mul3A_24 = arith.constant 16 : i32
        %mul3A_25 = arith.muli %scan3A_23, %mul3A_24 : i32
        %add3A_26 = vector.broadcast %mul3A_25 : i32 to vector<16xi32>
        %add3A_27 = arith.addi %add3A_26, %iota3A : vector<16xi32>
        %mul3A_28 = arith.constant 16 : i32
        %mul3A_29 = arith.muli %scan3A_23, %mul3A_28 : i32
        %get3A = arith.index_cast %mul3A_29 : i32 to index
        %get3A_30 = tpu.vector_load %arg13[%get3A] {strides = array<i32>} : memref<128xi32, #tpu.memory_space<vmem>>, vector<16xi32>,
        %mul3A_31 = arith.constant 128 : i32
        %mul3A_32 = arith.muli %scan3A_9, %mul3A_31 : i32
        %mul3A_33 = arith.constant 16 : i32
        %mul3A_34 = arith.muli %scan3A_23, %mul3A_33 : i32
        %add3A_35 = arith.addi %mul3A_32, %mul3A_34 : i32
        %rem3A = arith.constant 200 : i32
        %rem3A_36 = arith.remsi %add3A_35, %rem3A : i32
        %mul3A_37 = arith.constant 13824 : i32
        %mul3A_38 = vector.broadcast %mul3A_37 : i32 to vector<16xi32>
        %mul3A_39 = arith.muli %get3A_30, %mul3A_38 : vector<16xi32>
        %add3A_40 = vector.broadcast %rem3A_36 : i32 to vector<16xi32>
        %add3A_41 = arith.addi %add3A_40, %iota3A : vector<16xi32>
        %add3A_42 = arith.addi %mul3A_39, %add3A_41 : vector<16xi32>
        %broadcast_in_dim3A_43 = arith.constant 0 : i32
        %broadcast_in_dim3A_44 = vector.broadcast %broadcast_in_dim3A_43 : i32 to vector<16xi32>
        %gather3A = tpu.vector_load_idx %arg14[%add3A_27, %broadcast_in_dim3A_44] : memref<128x64xf32, #tpu.memory_space<vmem>>[vector<16xi32>, vector<16xi32>], vector<16xf32>,
        %add3A_45 = arith.constant 0 : i32
        %add3A_46 = vector.broadcast %add3A_45 : i32 to vector<16xi32>
        %add3A_47 = arith.addi %add3A_42, %add3A_46 : vector<16xi32>
        %gather3A_48 = tpu.vector_load_idx %arg9[%add3A_47] : memref<27648xf32, #tpu.memory_space<vmem>>[vector<16xi32>], vector<16xf32>,
        %add3A_49 = arith.addf %gather3A, %gather3A_48 : vector<16xf32>
        %add3A_50 = arith.addf %broadcast_in_dim3A_3, %add3A_49 : vector<16xf32>
        %mul3A_51 = arith.mulf %add3A_49, %add3A_49 : vector<16xf32>
        %add3A_52 = arith.addf %broadcast_in_dim3A_3, %mul3A_51 : vector<16xf32>
        tpu.vector_store_idx %arg14[%add3A_27, %broadcast_in_dim3A_44], %add3A_49 : memref<128x64xf32, #tpu.memory_space<vmem>>[vector<16xi32>, vector<16xi32>], vector<16xf32>,
        %broadcast_in_dim3A_53 = arith.constant 1 : i32
        %broadcast_in_dim3A_54 = vector.broadcast %broadcast_in_dim3A_53 : i32 to vector<16xi32>
        %gather3A_55 = tpu.vector_load_idx %arg14[%add3A_27, %broadcast_in_dim3A_54] : memref<128x64xf32, #tpu.memory_space<vmem>>[vector<16xi32>, vector<16xi32>], vector<16xf32>,
        %add3A_56 = arith.constant 216 : i32
        %add3A_57 = vector.broadcast %add3A_56 : i32 to vector<16xi32>
        %add3A_58 = arith.addi %add3A_42, %add3A_57 : vector<16xi32>
        %gather3A_59 = tpu.vector_load_idx %arg9[%add3A_58] : memref<27648xf32, #tpu.memory_space<vmem>>[vector<16xi32>], vector<16xf32>,
        %add3A_60 = arith.addf %gather3A_55, %gather3A_59 : vector<16xf32>
        %add3A_61 = arith.addf %broadcast_in_dim3A_3, %add3A_60 : vector<16xf32>
        %mul3A_62 = arith.mulf %add3A_60, %add3A_60 : vector<16xf32>
        %add3A_63 = arith.addf %broadcast_in_dim3A_3, %mul3A_62 : vector<16xf32>
        tpu.vector_store_idx %arg14[%add3A_27, %broadcast_in_dim3A_54], %add3A_60 : memref<128x64xf32, #tpu.memory_space<vmem>>[vector<16xi32>, vector<16xi32>], vector<16xf32>,
        %broadcast_in_dim3A_64 = arith.constant 2 : i32
        %broadcast_in_dim3A_65 = vector.broadcast %broadcast_in_dim3A_64 : i32 to vector<16xi32>
        %gather3A_66 = tpu.vector_load_idx %arg14[%add3A_27, %broadcast_in_dim3A_65] : memref<128x64xf32, #tpu.memory_space<vmem>>[vector<16xi32>, vector<16xi32>], vector<16xf32>,
        %add3A_67 = arith.constant 432 : i32
        %add3A_68 = vector.broadcast %add3A_67 : i32 to vector<16xi32>
        %add3A_69 = arith.addi %add3A_42, %add3A_68 : vector<16xi32>
        %gather3A_70 = tpu.vector_load_idx %arg9[%add3A_69] : memref<27648xf32, #tpu.memory_space<vmem>>[vector<16xi32>], vector<16xf32>,
        %add3A_71 = arith.addf %gather3A_66, %gather3A_70 : vector<16xf32>
        %add3A_72 = arith.addf %broadcast_in_dim3A_3, %add3A_71 : vector<16xf32>
        %mul3A_73 = arith.mulf %add3A_71, %add3A_71 : vector<16xf32>
        %add3A_74 = arith.addf %broadcast_in_dim3A_3, %mul3A_73 : vector<16xf32>
        tpu.vector_store_idx %arg14[%add3A_27, %broadcast_in_dim3A_65], %add3A_71 : memref<128x64xf32, #tpu.memory_space<vmem>>[vector<16xi32>, vector<16xi32>], vector<16xf32>,
        %broadcast_in_dim3A_75 = arith.constant 3 : i32
        %broadcast_in_dim3A_76 = vector.broadcast %broadcast_in_dim3A_75 : i32 to vector<16xi32>
        %gather3A_77 = tpu.vector_load_idx %arg14[%add3A_27, %broadcast_in_dim3A_76] : memref<128x64xf32, #tpu.memory_space<vmem>>[vector<16xi32>, vector<16xi32>], vector<16xf32>,
        %add3A_78 = arith.constant 648 : i32
        %add3A_79 = vector.broadcast %add3A_78 : i32 to vector<16xi32>
        %add3A_80 = arith.addi %add3A_42, %add3A_79 : vector<16xi32>
        %gather3A_81 = tpu.vector_load_idx %arg9[%add3A_80] : memref<27648xf32, #tpu.memory_space<vmem>>[vector<16xi32>], vector<16xf32>,
        %add3A_82 = arith.addf %gather3A_77, %gather3A_81 : vector<16xf32>
        %add3A_83 = arith.addf %broadcast_in_dim3A_3, %add3A_82 : vector<16xf32>
        %mul3A_84 = arith.mulf %add3A_82, %add3A_82 : vector<16xf32>
        %add3A_85 = arith.addf %broadcast_in_dim3A_3, %mul3A_84 : vector<16xf32>
        tpu.vector_store_idx %arg14[%add3A_27, %broadcast_in_dim3A_76], %add3A_82 : memref<128x64xf32, #tpu.memory_space<vmem>>[vector<16xi32>, vector<16xi32>], vector<16xf32>,
        %broadcast_in_dim3A_86 = arith.constant 4 : i32
        %broadcast_in_dim3A_87 = vector.broadcast %broadcast_in_dim3A_86 : i32 to vector<16xi32>
        %gather3A_88 = tpu.vector_load_idx %arg14[%add3A_27, %broadcast_in_dim3A_87] : memref<128x64xf32, #tpu.memory_space<vmem>>[vector<16xi32>, vector<16xi32>], vector<16xf32>,
        %add3A_89 = arith.constant 864 : i32
        %add3A_90 = vector.broadcast %add3A_89 : i32 to vector<16xi32>
        %add3A_91 = arith.addi %add3A_42, %add3A_90 : vector<16xi32>
        %gather3A_92 = tpu.vector_load_idx %arg9[%add3A_91] : memref<27648xf32, #tpu.memory_space<vmem>>[vector<16xi32>], vector<16xf32>,
        %add3A_93 = arith.addf %gather3A_88, %gather3A_92 : vector<16xf32>
        %add3A_94 = arith.addf %add3A_50, %add3A_93 : vector<16xf32>
        %mul3A_95 = arith.mulf %add3A_93, %add3A_93 : vector<16xf32>
        %add3A_96 = arith.addf %add3A_52, %mul3A_95 : vector<16xf32>
        tpu.vector_store_idx %arg14[%add3A_27, %broadcast_in_dim3A_87], %add3A_93 : memref<128x64xf32, #tpu.memory_space<vmem>>[vector<16xi32>, vector<16xi32>], vector<16xf32>,
        %broadcast_in_dim3A_97 = arith.constant 5 : i32
        %broadcast_in_dim3A_98 = vector.broadcast %broadcast_in_dim3A_97 : i32 to vector<16xi32>
        %gather3A_99 = tpu.vector_load_idx %arg14[%add3A_27, %broadcast_in_dim3A_98] : memref<128x64xf32, #tpu.memory_space<vmem>>[vector<16xi32>, vector<16xi32>], vector<16xf32>,
        %add3A_100 = arith.constant 1080 : i32
        %add3A_101 = vector.broadcast %add3A_100 : i32 to vector<16xi32>
        %add3A_102 = arith.addi %add3A_42, %add3A_101 : vector<16xi32>
        %gather3A_103 = tpu.vector_load_idx %arg9[%add3A_102] : memref<27648xf32, #tpu.memory_space<vmem>>[vector<16xi32>], vector<16xf32>,
        %add3A_104 = arith.addf %gather3A_99, %gather3A_103 : vector<16xf32>
        %add3A_105 = arith.addf %add3A_61, %add3A_104 : vector<16xf32>
        %mul3A_106 = arith.mulf %add3A_104, %add3A_104 : vector<16xf32>
        %add3A_107 = arith.addf %add3A_63, %mul3A_106 : vector<16xf32>
        tpu.vector_store_idx %arg14[%add3A_27, %broadcast_in_dim3A_98], %add3A_104 : memref<128x64xf32, #tpu.memory_space<vmem>>[vector<16xi32>, vector<16xi32>], vector<16xf32>,
        %broadcast_in_dim3A_108 = arith.constant 6 : i32
        %broadcast_in_dim3A_109 = vector.broadcast %broadcast_in_dim3A_108 : i32 to vector<16xi32>
        %gather3A_110 = tpu.vector_load_idx %arg14[%add3A_27, %broadcast_in_dim3A_109] : memref<128x64xf32, #tpu.memory_space<vmem>>[vector<16xi32>, vector<16xi32>], vector<16xf32>,
        %add3A_111 = arith.constant 1296 : i32
        %add3A_112 = vector.broadcast %add3A_111 : i32 to vector<16xi32>
        %add3A_113 = arith.addi %add3A_42, %add3A_112 : vector<16xi32>
        %gather3A_114 = tpu.vector_load_idx %arg9[%add3A_113] : memref<27648xf32, #tpu.memory_space<vmem>>[vector<16xi32>], vector<16xf32>,
        %add3A_115 = arith.addf %gather3A_110, %gather3A_114 : vector<16xf32>
        %add3A_116 = arith.addf %add3A_72, %add3A_115 : vector<16xf32>
        %mul3A_117 = arith.mulf %add3A_115, %add3A_115 : vector<16xf32>
        %add3A_118 = arith.addf %add3A_74, %mul3A_117 : vector<16xf32>
        tpu.vector_store_idx %arg14[%add3A_27, %broadcast_in_dim3A_109], %add3A_115 : memref<128x64xf32, #tpu.memory_space<vmem>>[vector<16xi32>, vector<16xi32>], vector<16xf32>,
        %broadcast_in_dim3A_119 = arith.constant 7 : i32
        %broadcast_in_dim3A_120 = vector.broadcast %broadcast_in_dim3A_119 : i32 to vector<16xi32>
        %gather3A_121 = tpu.vector_load_idx %arg14[%add3A_27, %broadcast_in_dim3A_120] : memref<128x64xf32, #tpu.memory_space<vmem>>[vector<16xi32>, vector<16xi32>], vector<16xf32>,
        %add3A_122 = arith.constant 1512 : i32
        %add3A_123 = vector.broadcast %add3A_122 : i32 to vector<16xi32>
        %add3A_124 = arith.addi %add3A_42, %add3A_123 : vector<16xi32>
        %gather3A_125 = tpu.vector_load_idx %arg9[%add3A_124] : memref<27648xf32, #tpu.memory_space<vmem>>[vector<16xi32>], vector<16xf32>,
        %add3A_126 = arith.addf %gather3A_121, %gather3A_125 : vector<16xf32>
        %add3A_127 = arith.addf %add3A_83, %add3A_126 : vector<16xf32>
        %mul3A_128 = arith.mulf %add3A_126, %add3A_126 : vector<16xf32>
        %add3A_129 = arith.addf %add3A_85, %mul3A_128 : vector<16xf32>
        tpu.vector_store_idx %arg14[%add3A_27, %broadcast_in_dim3A_120], %add3A_126 : memref<128x64xf32, #tpu.memory_space<vmem>>[vector<16xi32>, vector<16xi32>], vector<16xf32>,
        %broadcast_in_dim3A_130 = arith.constant 8 : i32
        %broadcast_in_dim3A_131 = vector.broadcast %broadcast_in_dim3A_130 : i32 to vector<16xi32>
        %gather3A_132 = tpu.vector_load_idx %arg14[%add3A_27, %broadcast_in_dim3A_131] : memref<128x64xf32, #tpu.memory_space<vmem>>[vector<16xi32>, vector<16xi32>], vector<16xf32>,
        %add3A_133 = arith.constant 1728 : i32
        %add3A_134 = vector.broadcast %add3A_133 : i32 to vector<16xi32>
        %add3A_135 = arith.addi %add3A_42, %add3A_134 : vector<16xi32>
        %gather3A_136 = tpu.vector_load_idx %arg9[%add3A_135] : memref<27648xf32, #tpu.memory_space<vmem>>[vector<16xi32>], vector<16xf32>,
        %add3A_137 = arith.addf %gather3A_132, %gather3A_136 : vector<16xf32>
        %add3A_138 = arith.addf %add3A_94, %add3A_137 : vector<16xf32>
        %mul3A_139 = arith.mulf %add3A_137, %add3A_137 : vector<16xf32>
        %add3A_140 = arith.addf %add3A_96, %mul3A_139 : vector<16xf32>
        tpu.vector_store_idx %arg14[%add3A_27, %broadcast_in_dim3A_131], %add3A_137 : memref<128x64xf32, #tpu.memory_space<vmem>>[vector<16xi32>, vector<16xi32>], vector<16xf32>,
        %broadcast_in_dim3A_141 = arith.constant 9 : i32
        %broadcast_in_dim3A_142 = vector.broadcast %broadcast_in_dim3A_141 : i32 to vector<16xi32>
        %gather3A_143 = tpu.vector_load_idx %arg14[%add3A_27, %broadcast_in_dim3A_142] : memref<128x64xf32, #tpu.memory_space<vmem>>[vector<16xi32>, vector<16xi32>], vector<16xf32>,
        %add3A_144 = arith.constant 1944 : i32
        %add3A_145 = vector.broadcast %add3A_144 : i32 to vector<16xi32>
        %add3A_146 = arith.addi %add3A_42, %add3A_145 : vector<16xi32>
        %gather3A_147 = tpu.vector_load_idx %arg9[%add3A_146] : memref<27648xf32, #tpu.memory_space<vmem>>[vector<16xi32>], vector<16xf32>,
        %add3A_148 = arith.addf %gather3A_143, %gather3A_147 : vector<16xf32>
        %add3A_149 = arith.addf %add3A_105, %add3A_148 : vector<16xf32>
        %mul3A_150 = arith.mulf %add3A_148, %add3A_148 : vector<16xf32>
        %add3A_151 = arith.addf %add3A_107, %mul3A_150 : vector<16xf32>
        tpu.vector_store_idx %arg14[%add3A_27, %broadcast_in_dim3A_142], %add3A_148 : memref<128x64xf32, #tpu.memory_space<vmem>>[vector<16xi32>, vector<16xi32>], vector<16xf32>,
        %broadcast_in_dim3A_152 = arith.constant 10 : i32
        %broadcast_in_dim3A_153 = vector.broadcast %broadcast_in_dim3A_152 : i32 to vector<16xi32>
        %gather3A_154 = tpu.vector_load_idx %arg14[%add3A_27, %broadcast_in_dim3A_153] : memref<128x64xf32, #tpu.memory_space<vmem>>[vector<16xi32>, vector<16xi32>], vector<16xf32>,
        %add3A_155 = arith.constant 2160 : i32
        %add3A_156 = vector.broadcast %add3A_155 : i32 to vector<16xi32>
        %add3A_157 = arith.addi %add3A_42, %add3A_156 : vector<16xi32>
        %gather3A_158 = tpu.vector_load_idx %arg9[%add3A_157] : memref<27648xf32, #tpu.memory_space<vmem>>[vector<16xi32>], vector<16xf32>,
        %add3A_159 = arith.addf %gather3A_154, %gather3A_158 : vector<16xf32>
        %add3A_160 = arith.addf %add3A_116, %add3A_159 : vector<16xf32>
        %mul3A_161 = arith.mulf %add3A_159, %add3A_159 : vector<16xf32>
        %add3A_162 = arith.addf %add3A_118, %mul3A_161 : vector<16xf32>
        tpu.vector_store_idx %arg14[%add3A_27, %broadcast_in_dim3A_153], %add3A_159 : memref<128x64xf32, #tpu.memory_space<vmem>>[vector<16xi32>, vector<16xi32>], vector<16xf32>,
        %broadcast_in_dim3A_163 = arith.constant 11 : i32
        %broadcast_in_dim3A_164 = vector.broadcast %broadcast_in_dim3A_163 : i32 to vector<16xi32>
        %gather3A_165 = tpu.vector_load_idx %arg14[%add3A_27, %broadcast_in_dim3A_164] : memref<128x64xf32, #tpu.memory_space<vmem>>[vector<16xi32>, vector<16xi32>], vector<16xf32>,
        %add3A_166 = arith.constant 2376 : i32
        %add3A_167 = vector.broadcast %add3A_166 : i32 to vector<16xi32>
        %add3A_168 = arith.addi %add3A_42, %add3A_167 : vector<16xi32>
        %gather3A_169 = tpu.vector_load_idx %arg9[%add3A_168] : memref<27648xf32, #tpu.memory_space<vmem>>[vector<16xi32>], vector<16xf32>,
        %add3A_170 = arith.addf %gather3A_165, %gather3A_169 : vector<16xf32>
        %add3A_171 = arith.addf %add3A_127, %add3A_170 : vector<16xf32>
        %mul3A_172 = arith.mulf %add3A_170, %add3A_170 : vector<16xf32>
        %add3A_173 = arith.addf %add3A_129, %mul3A_172 : vector<16xf32>
        tpu.vector_store_idx %arg14[%add3A_27, %broadcast_in_dim3A_164], %add3A_170 : memref<128x64xf32, #tpu.memory_space<vmem>>[vector<16xi32>, vector<16xi32>], vector<16xf32>,
        %broadcast_in_dim3A_174 = arith.constant 12 : i32
        %broadcast_in_dim3A_175 = vector.broadcast %broadcast_in_dim3A_174 : i32 to vector<16xi32>
        %gather3A_176 = tpu.vector_load_idx %arg14[%add3A_27, %broadcast_in_dim3A_175] : memref<128x64xf32, #tpu.memory_space<vmem>>[vector<16xi32>, vector<16xi32>], vector<16xf32>,
        %add3A_177 = arith.constant 2592 : i32
        %add3A_178 = vector.broadcast %add3A_177 : i32 to vector<16xi32>
        %add3A_179 = arith.addi %add3A_42, %add3A_178 : vector<16xi32>
        %gather3A_180 = tpu.vector_load_idx %arg9[%add3A_179] : memref<27648xf32, #tpu.memory_space<vmem>>[vector<16xi32>], vector<16xf32>,
        %add3A_181 = arith.addf %gather3A_176, %gather3A_180 : vector<16xf32>
        %add3A_182 = arith.addf %add3A_138, %add3A_181 : vector<16xf32>
        %mul3A_183 = arith.mulf %add3A_181, %add3A_181 : vector<16xf32>
        %add3A_184 = arith.addf %add3A_140, %mul3A_183 : vector<16xf32>
        tpu.vector_store_idx %arg14[%add3A_27, %broadcast_in_dim3A_175], %add3A_181 : memref<128x64xf32, #tpu.memory_space<vmem>>[vector<16xi32>, vector<16xi32>], vector<16xf32>,
        %broadcast_in_dim3A_185 = arith.constant 13 : i32
        %broadcast_in_dim3A_186 = vector.broadcast %broadcast_in_dim3A_185 : i32 to vector<16xi32>
        %gather3A_187 = tpu.vector_load_idx %arg14[%add3A_27, %broadcast_in_dim3A_186] : memref<128x64xf32, #tpu.memory_space<vmem>>[vector<16xi32>, vector<16xi32>], vector<16xf32>,
        %add3A_188 = arith.constant 2808 : i32
        %add3A_189 = vector.broadcast %add3A_188 : i32 to vector<16xi32>
        %add3A_190 = arith.addi %add3A_42, %add3A_189 : vector<16xi32>
        %gather3A_191 = tpu.vector_load_idx %arg9[%add3A_190] : memref<27648xf32, #tpu.memory_space<vmem>>[vector<16xi32>], vector<16xf32>,
        %add3A_192 = arith.addf %gather3A_187, %gather3A_191 : vector<16xf32>
        %add3A_193 = arith.addf %add3A_149, %add3A_192 : vector<16xf32>
        %mul3A_194 = arith.mulf %add3A_192, %add3A_192 : vector<16xf32>
        %add3A_195 = arith.addf %add3A_151, %mul3A_194 : vector<16xf32>
        tpu.vector_store_idx %arg14[%add3A_27, %broadcast_in_dim3A_186], %add3A_192 : memref<128x64xf32, #tpu.memory_space<vmem>>[vector<16xi32>, vector<16xi32>], vector<16xf32>,
        %broadcast_in_dim3A_196 = arith.constant 14 : i32
        %broadcast_in_dim3A_197 = vector.broadcast %broadcast_in_dim3A_196 : i32 to vector<16xi32>
        %gather3A_198 = tpu.vector_load_idx %arg14[%add3A_27, %broadcast_in_dim3A_197] : memref<128x64xf32, #tpu.memory_space<vmem>>[vector<16xi32>, vector<16xi32>], vector<16xf32>,
        %add3A_199 = arith.constant 3024 : i32
        %add3A_200 = vector.broadcast %add3A_199 : i32 to vector<16xi32>
        %add3A_201 = arith.addi %add3A_42, %add3A_200 : vector<16xi32>
        %gather3A_202 = tpu.vector_load_idx %arg9[%add3A_201] : memref<27648xf32, #tpu.memory_space<vmem>>[vector<16xi32>], vector<16xf32>,
        %add3A_203 = arith.addf %gather3A_198, %gather3A_202 : vector<16xf32>
        %add3A_204 = arith.addf %add3A_160, %add3A_203 : vector<16xf32>
        %mul3A_205 = arith.mulf %add3A_203, %add3A_203 : vector<16xf32>
        %add3A_206 = arith.addf %add3A_162, %mul3A_205 : vector<16xf32>
        tpu.vector_store_idx %arg14[%add3A_27, %broadcast_in_dim3A_197], %add3A_203 : memref<128x64xf32, #tpu.memory_space<vmem>>[vector<16xi32>, vector<16xi32>], vector<16xf32>,
        %broadcast_in_dim3A_207 = arith.constant 15 : i32
        %broadcast_in_dim3A_208 = vector.broadcast %broadcast_in_dim3A_207 : i32 to vector<16xi32>
        %gather3A_209 = tpu.vector_load_idx %arg14[%add3A_27, %broadcast_in_dim3A_208] : memref<128x64xf32, #tpu.memory_space<vmem>>[vector<16xi32>, vector<16xi32>], vector<16xf32>,
        %add3A_210 = arith.constant 3240 : i32
        %add3A_211 = vector.broadcast %add3A_210 : i32 to vector<16xi32>
        %add3A_212 = arith.addi %add3A_42, %add3A_211 : vector<16xi32>
        %gather3A_213 = tpu.vector_load_idx %arg9[%add3A_212] : memref<27648xf32, #tpu.memory_space<vmem>>[vector<16xi32>], vector<16xf32>,
        %add3A_214 = arith.addf %gather3A_209, %gather3A_213 : vector<16xf32>
        %add3A_215 = arith.addf %add3A_171, %add3A_214 : vector<16xf32>
        %mul3A_216 = arith.mulf %add3A_214, %add3A_214 : vector<16xf32>
        %add3A_217 = arith.addf %add3A_173, %mul3A_216 : vector<16xf32>
        tpu.vector_store_idx %arg14[%add3A_27, %broadcast_in_dim3A_208], %add3A_214 : memref<128x64xf32, #tpu.memory_space<vmem>>[vector<16xi32>, vector<16xi32>], vector<16xf32>,
        %broadcast_in_dim3A_218 = arith.constant 16 : i32
        %broadcast_in_dim3A_219 = vector.broadcast %broadcast_in_dim3A_218 : i32 to vector<16xi32>
        %gather3A_220 = tpu.vector_load_idx %arg14[%add3A_27, %broadcast_in_dim3A_219] : memref<128x64xf32, #tpu.memory_space<vmem>>[vector<16xi32>, vector<16xi32>], vector<16xf32>,
        %add3A_221 = arith.constant 3456 : i32
        %add3A_222 = vector.broadcast %add3A_221 : i32 to vector<16xi32>
        %add3A_223 = arith.addi %add3A_42, %add3A_222 : vector<16xi32>
        %gather3A_224 = tpu.vector_load_idx %arg9[%add3A_223] : memref<27648xf32, #tpu.memory_space<vmem>>[vector<16xi32>], vector<16xf32>,
        %add3A_225 = arith.addf %gather3A_220, %gather3A_224 : vector<16xf32>
        %add3A_226 = arith.addf %add3A_182, %add3A_225 : vector<16xf32>
        %mul3A_227 = arith.mulf %add3A_225, %add3A_225 : vector<16xf32>
        %add3A_228 = arith.addf %add3A_184, %mul3A_227 : vector<16xf32>
        tpu.vector_store_idx %arg14[%add3A_27, %broadcast_in_dim3A_219], %add3A_225 : memref<128x64xf32, #tpu.memory_space<vmem>>[vector<16xi32>, vector<16xi32>], vector<16xf32>,
        %broadcast_in_dim3A_229 = arith.constant 17 : i32
        %broadcast_in_dim3A_230 = vector.broadcast %broadcast_in_dim3A_229 : i32 to vector<16xi32>
        %gather3A_231 = tpu.vector_load_idx %arg14[%add3A_27, %broadcast_in_dim3A_230] : memref<128x64xf32, #tpu.memory_space<vmem>>[vector<16xi32>, vector<16xi32>], vector<16xf32>,
        %add3A_232 = arith.constant 3672 : i32
        %add3A_233 = vector.broadcast %add3A_232 : i32 to vector<16xi32>
        %add3A_234 = arith.addi %add3A_42, %add3A_233 : vector<16xi32>
        %gather3A_235 = tpu.vector_load_idx %arg9[%add3A_234] : memref<27648xf32, #tpu.memory_space<vmem>>[vector<16xi32>], vector<16xf32>,
        %add3A_236 = arith.addf %gather3A_231, %gather3A_235 : vector<16xf32>
        %add3A_237 = arith.addf %add3A_193, %add3A_236 : vector<16xf32>
        %mul3A_238 = arith.mulf %add3A_236, %add3A_236 : vector<16xf32>
        %add3A_239 = arith.addf %add3A_195, %mul3A_238 : vector<16xf32>
        tpu.vector_store_idx %arg14[%add3A_27, %broadcast_in_dim3A_230], %add3A_236 : memref<128x64xf32, #tpu.memory_space<vmem>>[vector<16xi32>, vector<16xi32>], vector<16xf32>,
        %broadcast_in_dim3A_240 = arith.constant 18 : i32
        %broadcast_in_dim3A_241 = vector.broadcast %broadcast_in_dim3A_240 : i32 to vector<16xi32>
        %gather3A_242 = tpu.vector_load_idx %arg14[%add3A_27, %broadcast_in_dim3A_241] : memref<128x64xf32, #tpu.memory_space<vmem>>[vector<16xi32>, vector<16xi32>], vector<16xf32>,
        %add3A_243 = arith.constant 3888 : i32
        %add3A_244 = vector.broadcast %add3A_243 : i32 to vector<16xi32>
        %add3A_245 = arith.addi %add3A_42, %add3A_244 : vector<16xi32>
        %gather3A_246 = tpu.vector_load_idx %arg9[%add3A_245] : memref<27648xf32, #tpu.memory_space<vmem>>[vector<16xi32>], vector<16xf32>,
        %add3A_247 = arith.addf %gather3A_242, %gather3A_246 : vector<16xf32>
        %add3A_248 = arith.addf %add3A_204, %add3A_247 : vector<16xf32>
        %mul3A_249 = arith.mulf %add3A_247, %add3A_247 : vector<16xf32>
        %add3A_250 = arith.addf %add3A_206, %mul3A_249 : vector<16xf32>
        tpu.vector_store_idx %arg14[%add3A_27, %broadcast_in_dim3A_241], %add3A_247 : memref<128x64xf32, #tpu.memory_space<vmem>>[vector<16xi32>, vector<16xi32>], vector<16xf32>,
        %broadcast_in_dim3A_251 = arith.constant 19 : i32
        %broadcast_in_dim3A_252 = vector.broadcast %broadcast_in_dim3A_251 : i32 to vector<16xi32>
        %gather3A_253 = tpu.vector_load_idx %arg14[%add3A_27, %broadcast_in_dim3A_252] : memref<128x64xf32, #tpu.memory_space<vmem>>[vector<16xi32>, vector<16xi32>], vector<16xf32>,
        %add3A_254 = arith.constant 4104 : i32
        %add3A_255 = vector.broadcast %add3A_254 : i32 to vector<16xi32>
        %add3A_256 = arith.addi %add3A_42, %add3A_255 : vector<16xi32>
        %gather3A_257 = tpu.vector_load_idx %arg9[%add3A_256] : memref<27648xf32, #tpu.memory_space<vmem>>[vector<16xi32>], vector<16xf32>,
        %add3A_258 = arith.addf %gather3A_253, %gather3A_257 : vector<16xf32>
        %add3A_259 = arith.addf %add3A_215, %add3A_258 : vector<16xf32>
        %mul3A_260 = arith.mulf %add3A_258, %add3A_258 : vector<16xf32>
        %add3A_261 = arith.addf %add3A_217, %mul3A_260 : vector<16xf32>
        tpu.vector_store_idx %arg14[%add3A_27, %broadcast_in_dim3A_252], %add3A_258 : memref<128x64xf32, #tpu.memory_space<vmem>>[vector<16xi32>, vector<16xi32>], vector<16xf32>,
        %broadcast_in_dim3A_262 = arith.constant 20 : i32
        %broadcast_in_dim3A_263 = vector.broadcast %broadcast_in_dim3A_262 : i32 to vector<16xi32>
        %gather3A_264 = tpu.vector_load_idx %arg14[%add3A_27, %broadcast_in_dim3A_263] : memref<128x64xf32, #tpu.memory_space<vmem>>[vector<16xi32>, vector<16xi32>], vector<16xf32>,
        %add3A_265 = arith.constant 4320 : i32
        %add3A_266 = vector.broadcast %add3A_265 : i32 to vector<16xi32>
        %add3A_267 = arith.addi %add3A_42, %add3A_266 : vector<16xi32>
        %gather3A_268 = tpu.vector_load_idx %arg9[%add3A_267] : memref<27648xf32, #tpu.memory_space<vmem>>[vector<16xi32>], vector<16xf32>,
        %add3A_269 = arith.addf %gather3A_264, %gather3A_268 : vector<16xf32>
        %add3A_270 = arith.addf %add3A_226, %add3A_269 : vector<16xf32>
        %mul3A_271 = arith.mulf %add3A_269, %add3A_269 : vector<16xf32>
        %add3A_272 = arith.addf %add3A_228, %mul3A_271 : vector<16xf32>
        tpu.vector_store_idx %arg14[%add3A_27, %broadcast_in_dim3A_263], %add3A_269 : memref<128x64xf32, #tpu.memory_space<vmem>>[vector<16xi32>, vector<16xi32>], vector<16xf32>,
        %broadcast_in_dim3A_273 = arith.constant 21 : i32
        %broadcast_in_dim3A_274 = vector.broadcast %broadcast_in_dim3A_273 : i32 to vector<16xi32>
        %gather3A_275 = tpu.vector_load_idx %arg14[%add3A_27, %broadcast_in_dim3A_274] : memref<128x64xf32, #tpu.memory_space<vmem>>[vector<16xi32>, vector<16xi32>], vector<16xf32>,
        %add3A_276 = arith.constant 4536 : i32
        %add3A_277 = vector.broadcast %add3A_276 : i32 to vector<16xi32>
        %add3A_278 = arith.addi %add3A_42, %add3A_277 : vector<16xi32>
        %gather3A_279 = tpu.vector_load_idx %arg9[%add3A_278] : memref<27648xf32, #tpu.memory_space<vmem>>[vector<16xi32>], vector<16xf32>,
        %add3A_280 = arith.addf %gather3A_275, %gather3A_279 : vector<16xf32>
        %add3A_281 = arith.addf %add3A_237, %add3A_280 : vector<16xf32>
        %mul3A_282 = arith.mulf %add3A_280, %add3A_280 : vector<16xf32>
        %add3A_283 = arith.addf %add3A_239, %mul3A_282 : vector<16xf32>
        tpu.vector_store_idx %arg14[%add3A_27, %broadcast_in_dim3A_274], %add3A_280 : memref<128x64xf32, #tpu.memory_space<vmem>>[vector<16xi32>, vector<16xi32>], vector<16xf32>,
        %broadcast_in_dim3A_284 = arith.constant 22 : i32
        %broadcast_in_dim3A_285 = vector.broadcast %broadcast_in_dim3A_284 : i32 to vector<16xi32>
        %gather3A_286 = tpu.vector_load_idx %arg14[%add3A_27, %broadcast_in_dim3A_285] : memref<128x64xf32, #tpu.memory_space<vmem>>[vector<16xi32>, vector<16xi32>], vector<16xf32>,
        %add3A_287 = arith.constant 4752 : i32
        %add3A_288 = vector.broadcast %add3A_287 : i32 to vector<16xi32>
        %add3A_289 = arith.addi %add3A_42, %add3A_288 : vector<16xi32>
        %gather3A_290 = tpu.vector_load_idx %arg9[%add3A_289] : memref<27648xf32, #tpu.memory_space<vmem>>[vector<16xi32>], vector<16xf32>,
        %add3A_291 = arith.addf %gather3A_286, %gather3A_290 : vector<16xf32>
        %add3A_292 = arith.addf %add3A_248, %add3A_291 : vector<16xf32>
        %mul3A_293 = arith.mulf %add3A_291, %add3A_291 : vector<16xf32>
        %add3A_294 = arith.addf %add3A_250, %mul3A_293 : vector<16xf32>
        tpu.vector_store_idx %arg14[%add3A_27, %broadcast_in_dim3A_285], %add3A_291 : memref<128x64xf32, #tpu.memory_space<vmem>>[vector<16xi32>, vector<16xi32>], vector<16xf32>,
        %broadcast_in_dim3A_295 = arith.constant 23 : i32
        %broadcast_in_dim3A_296 = vector.broadcast %broadcast_in_dim3A_295 : i32 to vector<16xi32>
        %gather3A_297 = tpu.vector_load_idx %arg14[%add3A_27, %broadcast_in_dim3A_296] : memref<128x64xf32, #tpu.memory_space<vmem>>[vector<16xi32>, vector<16xi32>], vector<16xf32>,
        %add3A_298 = arith.constant 4968 : i32
        %add3A_299 = vector.broadcast %add3A_298 : i32 to vector<16xi32>
        %add3A_300 = arith.addi %add3A_42, %add3A_299 : vector<16xi32>
        %gather3A_301 = tpu.vector_load_idx %arg9[%add3A_300] : memref<27648xf32, #tpu.memory_space<vmem>>[vector<16xi32>], vector<16xf32>,
        %add3A_302 = arith.addf %gather3A_297, %gather3A_301 : vector<16xf32>
        %add3A_303 = arith.addf %add3A_259, %add3A_302 : vector<16xf32>
        %mul3A_304 = arith.mulf %add3A_302, %add3A_302 : vector<16xf32>
        %add3A_305 = arith.addf %add3A_261, %mul3A_304 : vector<16xf32>
        tpu.vector_store_idx %arg14[%add3A_27, %broadcast_in_dim3A_296], %add3A_302 : memref<128x64xf32, #tpu.memory_space<vmem>>[vector<16xi32>, vector<16xi32>], vector<16xf32>,
        %broadcast_in_dim3A_306 = arith.constant 24 : i32
        %broadcast_in_dim3A_307 = vector.broadcast %broadcast_in_dim3A_306 : i32 to vector<16xi32>
        %gather3A_308 = tpu.vector_load_idx %arg14[%add3A_27, %broadcast_in_dim3A_307] : memref<128x64xf32, #tpu.memory_space<vmem>>[vector<16xi32>, vector<16xi32>], vector<16xf32>,
        %add3A_309 = arith.constant 5184 : i32
        %add3A_310 = vector.broadcast %add3A_309 : i32 to vector<16xi32>
        %add3A_311 = arith.addi %add3A_42, %add3A_310 : vector<16xi32>
        %gather3A_312 = tpu.vector_load_idx %arg9[%add3A_311] : memref<27648xf32, #tpu.memory_space<vmem>>[vector<16xi32>], vector<16xf32>,
        %add3A_313 = arith.addf %gather3A_308, %gather3A_312 : vector<16xf32>
        %add3A_314 = arith.addf %add3A_270, %add3A_313 : vector<16xf32>
        %mul3A_315 = arith.mulf %add3A_313, %add3A_313 : vector<16xf32>
        %add3A_316 = arith.addf %add3A_272, %mul3A_315 : vector<16xf32>
        tpu.vector_store_idx %arg14[%add3A_27, %broadcast_in_dim3A_307], %add3A_313 : memref<128x64xf32, #tpu.memory_space<vmem>>[vector<16xi32>, vector<16xi32>], vector<16xf32>,
        %broadcast_in_dim3A_317 = arith.constant 25 : i32
        %broadcast_in_dim3A_318 = vector.broadcast %broadcast_in_dim3A_317 : i32 to vector<16xi32>
        %gather3A_319 = tpu.vector_load_idx %arg14[%add3A_27, %broadcast_in_dim3A_318] : memref<128x64xf32, #tpu.memory_space<vmem>>[vector<16xi32>, vector<16xi32>], vector<16xf32>,
        %add3A_320 = arith.constant 5400 : i32
        %add3A_321 = vector.broadcast %add3A_320 : i32 to vector<16xi32>
        %add3A_322 = arith.addi %add3A_42, %add3A_321 : vector<16xi32>
        %gather3A_323 = tpu.vector_load_idx %arg9[%add3A_322] : memref<27648xf32, #tpu.memory_space<vmem>>[vector<16xi32>], vector<16xf32>,
        %add3A_324 = arith.addf %gather3A_319, %gather3A_323 : vector<16xf32>
        %add3A_325 = arith.addf %add3A_281, %add3A_324 : vector<16xf32>
        %mul3A_326 = arith.mulf %add3A_324, %add3A_324 : vector<16xf32>
        %add3A_327 = arith.addf %add3A_283, %mul3A_326 : vector<16xf32>
        tpu.vector_store_idx %arg14[%add3A_27, %broadcast_in_dim3A_318], %add3A_324 : memref<128x64xf32, #tpu.memory_space<vmem>>[vector<16xi32>, vector<16xi32>], vector<16xf32>,
        %broadcast_in_dim3A_328 = arith.constant 26 : i32
        %broadcast_in_dim3A_329 = vector.broadcast %broadcast_in_dim3A_328 : i32 to vector<16xi32>
        %gather3A_330 = tpu.vector_load_idx %arg14[%add3A_27, %broadcast_in_dim3A_329] : memref<128x64xf32, #tpu.memory_space<vmem>>[vector<16xi32>, vector<16xi32>], vector<16xf32>,
        %add3A_331 = arith.constant 5616 : i32
        %add3A_332 = vector.broadcast %add3A_331 : i32 to vector<16xi32>
        %add3A_333 = arith.addi %add3A_42, %add3A_332 : vector<16xi32>
        %gather3A_334 = tpu.vector_load_idx %arg9[%add3A_333] : memref<27648xf32, #tpu.memory_space<vmem>>[vector<16xi32>], vector<16xf32>,
        %add3A_335 = arith.addf %gather3A_330, %gather3A_334 : vector<16xf32>
        %add3A_336 = arith.addf %add3A_292, %add3A_335 : vector<16xf32>
        %mul3A_337 = arith.mulf %add3A_335, %add3A_335 : vector<16xf32>
        %add3A_338 = arith.addf %add3A_294, %mul3A_337 : vector<16xf32>
        tpu.vector_store_idx %arg14[%add3A_27, %broadcast_in_dim3A_329], %add3A_335 : memref<128x64xf32, #tpu.memory_space<vmem>>[vector<16xi32>, vector<16xi32>], vector<16xf32>,
        %broadcast_in_dim3A_339 = arith.constant 27 : i32
        %broadcast_in_dim3A_340 = vector.broadcast %broadcast_in_dim3A_339 : i32 to vector<16xi32>
        %gather3A_341 = tpu.vector_load_idx %arg14[%add3A_27, %broadcast_in_dim3A_340] : memref<128x64xf32, #tpu.memory_space<vmem>>[vector<16xi32>, vector<16xi32>], vector<16xf32>,
        %add3A_342 = arith.constant 5832 : i32
        %add3A_343 = vector.broadcast %add3A_342 : i32 to vector<16xi32>
        %add3A_344 = arith.addi %add3A_42, %add3A_343 : vector<16xi32>
        %gather3A_345 = tpu.vector_load_idx %arg9[%add3A_344] : memref<27648xf32, #tpu.memory_space<vmem>>[vector<16xi32>], vector<16xf32>,
        %add3A_346 = arith.addf %gather3A_341, %gather3A_345 : vector<16xf32>
        %add3A_347 = arith.addf %add3A_303, %add3A_346 : vector<16xf32>
        %mul3A_348 = arith.mulf %add3A_346, %add3A_346 : vector<16xf32>
        %add3A_349 = arith.addf %add3A_305, %mul3A_348 : vector<16xf32>
        tpu.vector_store_idx %arg14[%add3A_27, %broadcast_in_dim3A_340], %add3A_346 : memref<128x64xf32, #tpu.memory_space<vmem>>[vector<16xi32>, vector<16xi32>], vector<16xf32>,
        %broadcast_in_dim3A_350 = arith.constant 28 : i32
        %broadcast_in_dim3A_351 = vector.broadcast %broadcast_in_dim3A_350 : i32 to vector<16xi32>
        %gather3A_352 = tpu.vector_load_idx %arg14[%add3A_27, %broadcast_in_dim3A_351] : memref<128x64xf32, #tpu.memory_space<vmem>>[vector<16xi32>, vector<16xi32>], vector<16xf32>,
        %add3A_353 = arith.constant 6048 : i32
        %add3A_354 = vector.broadcast %add3A_353 : i32 to vector<16xi32>
        %add3A_355 = arith.addi %add3A_42, %add3A_354 : vector<16xi32>
        %gather3A_356 = tpu.vector_load_idx %arg9[%add3A_355] : memref<27648xf32, #tpu.memory_space<vmem>>[vector<16xi32>], vector<16xf32>,
        %add3A_357 = arith.addf %gather3A_352, %gather3A_356 : vector<16xf32>
        %add3A_358 = arith.addf %add3A_314, %add3A_357 : vector<16xf32>
        %mul3A_359 = arith.mulf %add3A_357, %add3A_357 : vector<16xf32>
        %add3A_360 = arith.addf %add3A_316, %mul3A_359 : vector<16xf32>
        tpu.vector_store_idx %arg14[%add3A_27, %broadcast_in_dim3A_351], %add3A_357 : memref<128x64xf32, #tpu.memory_space<vmem>>[vector<16xi32>, vector<16xi32>], vector<16xf32>,
        %broadcast_in_dim3A_361 = arith.constant 29 : i32
        %broadcast_in_dim3A_362 = vector.broadcast %broadcast_in_dim3A_361 : i32 to vector<16xi32>
        %gather3A_363 = tpu.vector_load_idx %arg14[%add3A_27, %broadcast_in_dim3A_362] : memref<128x64xf32, #tpu.memory_space<vmem>>[vector<16xi32>, vector<16xi32>], vector<16xf32>,
        %add3A_364 = arith.constant 6264 : i32
        %add3A_365 = vector.broadcast %add3A_364 : i32 to vector<16xi32>
        %add3A_366 = arith.addi %add3A_42, %add3A_365 : vector<16xi32>
        %gather3A_367 = tpu.vector_load_idx %arg9[%add3A_366] : memref<27648xf32, #tpu.memory_space<vmem>>[vector<16xi32>], vector<16xf32>,
        %add3A_368 = arith.addf %gather3A_363, %gather3A_367 : vector<16xf32>
        %add3A_369 = arith.addf %add3A_325, %add3A_368 : vector<16xf32>
        %mul3A_370 = arith.mulf %add3A_368, %add3A_368 : vector<16xf32>
        %add3A_371 = arith.addf %add3A_327, %mul3A_370 : vector<16xf32>
        tpu.vector_store_idx %arg14[%add3A_27, %broadcast_in_dim3A_362], %add3A_368 : memref<128x64xf32, #tpu.memory_space<vmem>>[vector<16xi32>, vector<16xi32>], vector<16xf32>,
        %broadcast_in_dim3A_372 = arith.constant 30 : i32
        %broadcast_in_dim3A_373 = vector.broadcast %broadcast_in_dim3A_372 : i32 to vector<16xi32>
        %gather3A_374 = tpu.vector_load_idx %arg14[%add3A_27, %broadcast_in_dim3A_373] : memref<128x64xf32, #tpu.memory_space<vmem>>[vector<16xi32>, vector<16xi32>], vector<16xf32>,
        %add3A_375 = arith.constant 6480 : i32
        %add3A_376 = vector.broadcast %add3A_375 : i32 to vector<16xi32>
        %add3A_377 = arith.addi %add3A_42, %add3A_376 : vector<16xi32>
        %gather3A_378 = tpu.vector_load_idx %arg9[%add3A_377] : memref<27648xf32, #tpu.memory_space<vmem>>[vector<16xi32>], vector<16xf32>,
        %add3A_379 = arith.addf %gather3A_374, %gather3A_378 : vector<16xf32>
        %add3A_380 = arith.addf %add3A_336, %add3A_379 : vector<16xf32>
        %mul3A_381 = arith.mulf %add3A_379, %add3A_379 : vector<16xf32>
        %add3A_382 = arith.addf %add3A_338, %mul3A_381 : vector<16xf32>
        tpu.vector_store_idx %arg14[%add3A_27, %broadcast_in_dim3A_373], %add3A_379 : memref<128x64xf32, #tpu.memory_space<vmem>>[vector<16xi32>, vector<16xi32>], vector<16xf32>,
        %broadcast_in_dim3A_383 = arith.constant 31 : i32
        %broadcast_in_dim3A_384 = vector.broadcast %broadcast_in_dim3A_383 : i32 to vector<16xi32>
        %gather3A_385 = tpu.vector_load_idx %arg14[%add3A_27, %broadcast_in_dim3A_384] : memref<128x64xf32, #tpu.memory_space<vmem>>[vector<16xi32>, vector<16xi32>], vector<16xf32>,
        %add3A_386 = arith.constant 6696 : i32
        %add3A_387 = vector.broadcast %add3A_386 : i32 to vector<16xi32>
        %add3A_388 = arith.addi %add3A_42, %add3A_387 : vector<16xi32>
        %gather3A_389 = tpu.vector_load_idx %arg9[%add3A_388] : memref<27648xf32, #tpu.memory_space<vmem>>[vector<16xi32>], vector<16xf32>,
        %add3A_390 = arith.addf %gather3A_385, %gather3A_389 : vector<16xf32>
        %add3A_391 = arith.addf %add3A_347, %add3A_390 : vector<16xf32>
        %mul3A_392 = arith.mulf %add3A_390, %add3A_390 : vector<16xf32>
        %add3A_393 = arith.addf %add3A_349, %mul3A_392 : vector<16xf32>
        tpu.vector_store_idx %arg14[%add3A_27, %broadcast_in_dim3A_384], %add3A_390 : memref<128x64xf32, #tpu.memory_space<vmem>>[vector<16xi32>, vector<16xi32>], vector<16xf32>,
        %broadcast_in_dim3A_394 = arith.constant 32 : i32
        %broadcast_in_dim3A_395 = vector.broadcast %broadcast_in_dim3A_394 : i32 to vector<16xi32>
        %gather3A_396 = tpu.vector_load_idx %arg14[%add3A_27, %broadcast_in_dim3A_395] : memref<128x64xf32, #tpu.memory_space<vmem>>[vector<16xi32>, vector<16xi32>], vector<16xf32>,
        %add3A_397 = arith.constant 6912 : i32
        %add3A_398 = vector.broadcast %add3A_397 : i32 to vector<16xi32>
        %add3A_399 = arith.addi %add3A_42, %add3A_398 : vector<16xi32>
        %gather3A_400 = tpu.vector_load_idx %arg9[%add3A_399] : memref<27648xf32, #tpu.memory_space<vmem>>[vector<16xi32>], vector<16xf32>,
        %add3A_401 = arith.addf %gather3A_396, %gather3A_400 : vector<16xf32>
        %add3A_402 = arith.addf %add3A_358, %add3A_401 : vector<16xf32>
        %mul3A_403 = arith.mulf %add3A_401, %add3A_401 : vector<16xf32>
        %add3A_404 = arith.addf %add3A_360, %mul3A_403 : vector<16xf32>
        tpu.vector_store_idx %arg14[%add3A_27, %broadcast_in_dim3A_395], %add3A_401 : memref<128x64xf32, #tpu.memory_space<vmem>>[vector<16xi32>, vector<16xi32>], vector<16xf32>,
        %broadcast_in_dim3A_405 = arith.constant 33 : i32
        %broadcast_in_dim3A_406 = vector.broadcast %broadcast_in_dim3A_405 : i32 to vector<16xi32>
        %gather3A_407 = tpu.vector_load_idx %arg14[%add3A_27, %broadcast_in_dim3A_406] : memref<128x64xf32, #tpu.memory_space<vmem>>[vector<16xi32>, vector<16xi32>], vector<16xf32>,
        %add3A_408 = arith.constant 7128 : i32
        %add3A_409 = vector.broadcast %add3A_408 : i32 to vector<16xi32>
        %add3A_410 = arith.addi %add3A_42, %add3A_409 : vector<16xi32>
        %gather3A_411 = tpu.vector_load_idx %arg9[%add3A_410] : memref<27648xf32, #tpu.memory_space<vmem>>[vector<16xi32>], vector<16xf32>,
        %add3A_412 = arith.addf %gather3A_407, %gather3A_411 : vector<16xf32>
        %add3A_413 = arith.addf %add3A_369, %add3A_412 : vector<16xf32>
        %mul3A_414 = arith.mulf %add3A_412, %add3A_412 : vector<16xf32>
        %add3A_415 = arith.addf %add3A_371, %mul3A_414 : vector<16xf32>
        tpu.vector_store_idx %arg14[%add3A_27, %broadcast_in_dim3A_406], %add3A_412 : memref<128x64xf32, #tpu.memory_space<vmem>>[vector<16xi32>, vector<16xi32>], vector<16xf32>,
        %broadcast_in_dim3A_416 = arith.constant 34 : i32
        %broadcast_in_dim3A_417 = vector.broadcast %broadcast_in_dim3A_416 : i32 to vector<16xi32>
        %gather3A_418 = tpu.vector_load_idx %arg14[%add3A_27, %broadcast_in_dim3A_417] : memref<128x64xf32, #tpu.memory_space<vmem>>[vector<16xi32>, vector<16xi32>], vector<16xf32>,
        %add3A_419 = arith.constant 7344 : i32
        %add3A_420 = vector.broadcast %add3A_419 : i32 to vector<16xi32>
        %add3A_421 = arith.addi %add3A_42, %add3A_420 : vector<16xi32>
        %gather3A_422 = tpu.vector_load_idx %arg9[%add3A_421] : memref<27648xf32, #tpu.memory_space<vmem>>[vector<16xi32>], vector<16xf32>,
        %add3A_423 = arith.addf %gather3A_418, %gather3A_422 : vector<16xf32>
        %add3A_424 = arith.addf %add3A_380, %add3A_423 : vector<16xf32>
        %mul3A_425 = arith.mulf %add3A_423, %add3A_423 : vector<16xf32>
        %add3A_426 = arith.addf %add3A_382, %mul3A_425 : vector<16xf32>
        tpu.vector_store_idx %arg14[%add3A_27, %broadcast_in_dim3A_417], %add3A_423 : memref<128x64xf32, #tpu.memory_space<vmem>>[vector<16xi32>, vector<16xi32>], vector<16xf32>,
        %broadcast_in_dim3A_427 = arith.constant 35 : i32
        %broadcast_in_dim3A_428 = vector.broadcast %broadcast_in_dim3A_427 : i32 to vector<16xi32>
        %gather3A_429 = tpu.vector_load_idx %arg14[%add3A_27, %broadcast_in_dim3A_428] : memref<128x64xf32, #tpu.memory_space<vmem>>[vector<16xi32>, vector<16xi32>], vector<16xf32>,
        %add3A_430 = arith.constant 7560 : i32
        %add3A_431 = vector.broadcast %add3A_430 : i32 to vector<16xi32>
        %add3A_432 = arith.addi %add3A_42, %add3A_431 : vector<16xi32>
        %gather3A_433 = tpu.vector_load_idx %arg9[%add3A_432] : memref<27648xf32, #tpu.memory_space<vmem>>[vector<16xi32>], vector<16xf32>,
        %add3A_434 = arith.addf %gather3A_429, %gather3A_433 : vector<16xf32>
        %add3A_435 = arith.addf %add3A_391, %add3A_434 : vector<16xf32>
        %mul3A_436 = arith.mulf %add3A_434, %add3A_434 : vector<16xf32>
        %add3A_437 = arith.addf %add3A_393, %mul3A_436 : vector<16xf32>
        tpu.vector_store_idx %arg14[%add3A_27, %broadcast_in_dim3A_428], %add3A_434 : memref<128x64xf32, #tpu.memory_space<vmem>>[vector<16xi32>, vector<16xi32>], vector<16xf32>,
        %broadcast_in_dim3A_438 = arith.constant 36 : i32
        %broadcast_in_dim3A_439 = vector.broadcast %broadcast_in_dim3A_438 : i32 to vector<16xi32>
        %gather3A_440 = tpu.vector_load_idx %arg14[%add3A_27, %broadcast_in_dim3A_439] : memref<128x64xf32, #tpu.memory_space<vmem>>[vector<16xi32>, vector<16xi32>], vector<16xf32>,
        %add3A_441 = arith.constant 7776 : i32
        %add3A_442 = vector.broadcast %add3A_441 : i32 to vector<16xi32>
        %add3A_443 = arith.addi %add3A_42, %add3A_442 : vector<16xi32>
        %gather3A_444 = tpu.vector_load_idx %arg9[%add3A_443] : memref<27648xf32, #tpu.memory_space<vmem>>[vector<16xi32>], vector<16xf32>,
        %add3A_445 = arith.addf %gather3A_440, %gather3A_444 : vector<16xf32>
        %add3A_446 = arith.addf %add3A_402, %add3A_445 : vector<16xf32>
        %mul3A_447 = arith.mulf %add3A_445, %add3A_445 : vector<16xf32>
        %add3A_448 = arith.addf %add3A_404, %mul3A_447 : vector<16xf32>
        tpu.vector_store_idx %arg14[%add3A_27, %broadcast_in_dim3A_439], %add3A_445 : memref<128x64xf32, #tpu.memory_space<vmem>>[vector<16xi32>, vector<16xi32>], vector<16xf32>,
        %broadcast_in_dim3A_449 = arith.constant 37 : i32
        %broadcast_in_dim3A_450 = vector.broadcast %broadcast_in_dim3A_449 : i32 to vector<16xi32>
        %gather3A_451 = tpu.vector_load_idx %arg14[%add3A_27, %broadcast_in_dim3A_450] : memref<128x64xf32, #tpu.memory_space<vmem>>[vector<16xi32>, vector<16xi32>], vector<16xf32>,
        %add3A_452 = arith.constant 7992 : i32
        %add3A_453 = vector.broadcast %add3A_452 : i32 to vector<16xi32>
        %add3A_454 = arith.addi %add3A_42, %add3A_453 : vector<16xi32>
        %gather3A_455 = tpu.vector_load_idx %arg9[%add3A_454] : memref<27648xf32, #tpu.memory_space<vmem>>[vector<16xi32>], vector<16xf32>,
        %add3A_456 = arith.addf %gather3A_451, %gather3A_455 : vector<16xf32>
        %add3A_457 = arith.addf %add3A_413, %add3A_456 : vector<16xf32>
        %mul3A_458 = arith.mulf %add3A_456, %add3A_456 : vector<16xf32>
        %add3A_459 = arith.addf %add3A_415, %mul3A_458 : vector<16xf32>
        tpu.vector_store_idx %arg14[%add3A_27, %broadcast_in_dim3A_450], %add3A_456 : memref<128x64xf32, #tpu.memory_space<vmem>>[vector<16xi32>, vector<16xi32>], vector<16xf32>,
        %broadcast_in_dim3A_460 = arith.constant 38 : i32
        %broadcast_in_dim3A_461 = vector.broadcast %broadcast_in_dim3A_460 : i32 to vector<16xi32>
        %gather3A_462 = tpu.vector_load_idx %arg14[%add3A_27, %broadcast_in_dim3A_461] : memref<128x64xf32, #tpu.memory_space<vmem>>[vector<16xi32>, vector<16xi32>], vector<16xf32>,
        %add3A_463 = arith.constant 8208 : i32
        %add3A_464 = vector.broadcast %add3A_463 : i32 to vector<16xi32>
        %add3A_465 = arith.addi %add3A_42, %add3A_464 : vector<16xi32>
        %gather3A_466 = tpu.vector_load_idx %arg9[%add3A_465] : memref<27648xf32, #tpu.memory_space<vmem>>[vector<16xi32>], vector<16xf32>,
        %add3A_467 = arith.addf %gather3A_462, %gather3A_466 : vector<16xf32>
        %add3A_468 = arith.addf %add3A_424, %add3A_467 : vector<16xf32>
        %mul3A_469 = arith.mulf %add3A_467, %add3A_467 : vector<16xf32>
        %add3A_470 = arith.addf %add3A_426, %mul3A_469 : vector<16xf32>
        tpu.vector_store_idx %arg14[%add3A_27, %broadcast_in_dim3A_461], %add3A_467 : memref<128x64xf32, #tpu.memory_space<vmem>>[vector<16xi32>, vector<16xi32>], vector<16xf32>,
        %broadcast_in_dim3A_471 = arith.constant 39 : i32
        %broadcast_in_dim3A_472 = vector.broadcast %broadcast_in_dim3A_471 : i32 to vector<16xi32>
        %gather3A_473 = tpu.vector_load_idx %arg14[%add3A_27, %broadcast_in_dim3A_472] : memref<128x64xf32, #tpu.memory_space<vmem>>[vector<16xi32>, vector<16xi32>], vector<16xf32>,
        %add3A_474 = arith.constant 8424 : i32
        %add3A_475 = vector.broadcast %add3A_474 : i32 to vector<16xi32>
        %add3A_476 = arith.addi %add3A_42, %add3A_475 : vector<16xi32>
        %gather3A_477 = tpu.vector_load_idx %arg9[%add3A_476] : memref<27648xf32, #tpu.memory_space<vmem>>[vector<16xi32>], vector<16xf32>,
        %add3A_478 = arith.addf %gather3A_473, %gather3A_477 : vector<16xf32>
        %add3A_479 = arith.addf %add3A_435, %add3A_478 : vector<16xf32>
        %mul3A_480 = arith.mulf %add3A_478, %add3A_478 : vector<16xf32>
        %add3A_481 = arith.addf %add3A_437, %mul3A_480 : vector<16xf32>
        tpu.vector_store_idx %arg14[%add3A_27, %broadcast_in_dim3A_472], %add3A_478 : memref<128x64xf32, #tpu.memory_space<vmem>>[vector<16xi32>, vector<16xi32>], vector<16xf32>,
        %broadcast_in_dim3A_482 = arith.constant 40 : i32
        %broadcast_in_dim3A_483 = vector.broadcast %broadcast_in_dim3A_482 : i32 to vector<16xi32>
        %gather3A_484 = tpu.vector_load_idx %arg14[%add3A_27, %broadcast_in_dim3A_483] : memref<128x64xf32, #tpu.memory_space<vmem>>[vector<16xi32>, vector<16xi32>], vector<16xf32>,
        %add3A_485 = arith.constant 8640 : i32
        %add3A_486 = vector.broadcast %add3A_485 : i32 to vector<16xi32>
        %add3A_487 = arith.addi %add3A_42, %add3A_486 : vector<16xi32>
        %gather3A_488 = tpu.vector_load_idx %arg9[%add3A_487] : memref<27648xf32, #tpu.memory_space<vmem>>[vector<16xi32>], vector<16xf32>,
        %add3A_489 = arith.addf %gather3A_484, %gather3A_488 : vector<16xf32>
        %add3A_490 = arith.addf %add3A_446, %add3A_489 : vector<16xf32>
        %mul3A_491 = arith.mulf %add3A_489, %add3A_489 : vector<16xf32>
        %add3A_492 = arith.addf %add3A_448, %mul3A_491 : vector<16xf32>
        tpu.vector_store_idx %arg14[%add3A_27, %broadcast_in_dim3A_483], %add3A_489 : memref<128x64xf32, #tpu.memory_space<vmem>>[vector<16xi32>, vector<16xi32>], vector<16xf32>,
        %broadcast_in_dim3A_493 = arith.constant 41 : i32
        %broadcast_in_dim3A_494 = vector.broadcast %broadcast_in_dim3A_493 : i32 to vector<16xi32>
        %gather3A_495 = tpu.vector_load_idx %arg14[%add3A_27, %broadcast_in_dim3A_494] : memref<128x64xf32, #tpu.memory_space<vmem>>[vector<16xi32>, vector<16xi32>], vector<16xf32>,
        %add3A_496 = arith.constant 8856 : i32
        %add3A_497 = vector.broadcast %add3A_496 : i32 to vector<16xi32>
        %add3A_498 = arith.addi %add3A_42, %add3A_497 : vector<16xi32>
        %gather3A_499 = tpu.vector_load_idx %arg9[%add3A_498] : memref<27648xf32, #tpu.memory_space<vmem>>[vector<16xi32>], vector<16xf32>,
        %add3A_500 = arith.addf %gather3A_495, %gather3A_499 : vector<16xf32>
        %add3A_501 = arith.addf %add3A_457, %add3A_500 : vector<16xf32>
        %mul3A_502 = arith.mulf %add3A_500, %add3A_500 : vector<16xf32>
        %add3A_503 = arith.addf %add3A_459, %mul3A_502 : vector<16xf32>
        tpu.vector_store_idx %arg14[%add3A_27, %broadcast_in_dim3A_494], %add3A_500 : memref<128x64xf32, #tpu.memory_space<vmem>>[vector<16xi32>, vector<16xi32>], vector<16xf32>,
        %broadcast_in_dim3A_504 = arith.constant 42 : i32
        %broadcast_in_dim3A_505 = vector.broadcast %broadcast_in_dim3A_504 : i32 to vector<16xi32>
        %gather3A_506 = tpu.vector_load_idx %arg14[%add3A_27, %broadcast_in_dim3A_505] : memref<128x64xf32, #tpu.memory_space<vmem>>[vector<16xi32>, vector<16xi32>], vector<16xf32>,
        %add3A_507 = arith.constant 9072 : i32
        %add3A_508 = vector.broadcast %add3A_507 : i32 to vector<16xi32>
        %add3A_509 = arith.addi %add3A_42, %add3A_508 : vector<16xi32>
        %gather3A_510 = tpu.vector_load_idx %arg9[%add3A_509] : memref<27648xf32, #tpu.memory_space<vmem>>[vector<16xi32>], vector<16xf32>,
        %add3A_511 = arith.addf %gather3A_506, %gather3A_510 : vector<16xf32>
        %add3A_512 = arith.addf %add3A_468, %add3A_511 : vector<16xf32>
        %mul3A_513 = arith.mulf %add3A_511, %add3A_511 : vector<16xf32>
        %add3A_514 = arith.addf %add3A_470, %mul3A_513 : vector<16xf32>
        tpu.vector_store_idx %arg14[%add3A_27, %broadcast_in_dim3A_505], %add3A_511 : memref<128x64xf32, #tpu.memory_space<vmem>>[vector<16xi32>, vector<16xi32>], vector<16xf32>,
        %broadcast_in_dim3A_515 = arith.constant 43 : i32
        %broadcast_in_dim3A_516 = vector.broadcast %broadcast_in_dim3A_515 : i32 to vector<16xi32>
        %gather3A_517 = tpu.vector_load_idx %arg14[%add3A_27, %broadcast_in_dim3A_516] : memref<128x64xf32, #tpu.memory_space<vmem>>[vector<16xi32>, vector<16xi32>], vector<16xf32>,
        %add3A_518 = arith.constant 9288 : i32
        %add3A_519 = vector.broadcast %add3A_518 : i32 to vector<16xi32>
        %add3A_520 = arith.addi %add3A_42, %add3A_519 : vector<16xi32>
        %gather3A_521 = tpu.vector_load_idx %arg9[%add3A_520] : memref<27648xf32, #tpu.memory_space<vmem>>[vector<16xi32>], vector<16xf32>,
        %add3A_522 = arith.addf %gather3A_517, %gather3A_521 : vector<16xf32>
        %add3A_523 = arith.addf %add3A_479, %add3A_522 : vector<16xf32>
        %mul3A_524 = arith.mulf %add3A_522, %add3A_522 : vector<16xf32>
        %add3A_525 = arith.addf %add3A_481, %mul3A_524 : vector<16xf32>
        tpu.vector_store_idx %arg14[%add3A_27, %broadcast_in_dim3A_516], %add3A_522 : memref<128x64xf32, #tpu.memory_space<vmem>>[vector<16xi32>, vector<16xi32>], vector<16xf32>,
        %broadcast_in_dim3A_526 = arith.constant 44 : i32
        %broadcast_in_dim3A_527 = vector.broadcast %broadcast_in_dim3A_526 : i32 to vector<16xi32>
        %gather3A_528 = tpu.vector_load_idx %arg14[%add3A_27, %broadcast_in_dim3A_527] : memref<128x64xf32, #tpu.memory_space<vmem>>[vector<16xi32>, vector<16xi32>], vector<16xf32>,
        %add3A_529 = arith.constant 9504 : i32
        %add3A_530 = vector.broadcast %add3A_529 : i32 to vector<16xi32>
        %add3A_531 = arith.addi %add3A_42, %add3A_530 : vector<16xi32>
        %gather3A_532 = tpu.vector_load_idx %arg9[%add3A_531] : memref<27648xf32, #tpu.memory_space<vmem>>[vector<16xi32>], vector<16xf32>,
        %add3A_533 = arith.addf %gather3A_528, %gather3A_532 : vector<16xf32>
        %add3A_534 = arith.addf %add3A_490, %add3A_533 : vector<16xf32>
        %mul3A_535 = arith.mulf %add3A_533, %add3A_533 : vector<16xf32>
        %add3A_536 = arith.addf %add3A_492, %mul3A_535 : vector<16xf32>
        tpu.vector_store_idx %arg14[%add3A_27, %broadcast_in_dim3A_527], %add3A_533 : memref<128x64xf32, #tpu.memory_space<vmem>>[vector<16xi32>, vector<16xi32>], vector<16xf32>,
        %broadcast_in_dim3A_537 = arith.constant 45 : i32
        %broadcast_in_dim3A_538 = vector.broadcast %broadcast_in_dim3A_537 : i32 to vector<16xi32>
        %gather3A_539 = tpu.vector_load_idx %arg14[%add3A_27, %broadcast_in_dim3A_538] : memref<128x64xf32, #tpu.memory_space<vmem>>[vector<16xi32>, vector<16xi32>], vector<16xf32>,
        %add3A_540 = arith.constant 9720 : i32
        %add3A_541 = vector.broadcast %add3A_540 : i32 to vector<16xi32>
        %add3A_542 = arith.addi %add3A_42, %add3A_541 : vector<16xi32>
        %gather3A_543 = tpu.vector_load_idx %arg9[%add3A_542] : memref<27648xf32, #tpu.memory_space<vmem>>[vector<16xi32>], vector<16xf32>,
        %add3A_544 = arith.addf %gather3A_539, %gather3A_543 : vector<16xf32>
        %add3A_545 = arith.addf %add3A_501, %add3A_544 : vector<16xf32>
        %mul3A_546 = arith.mulf %add3A_544, %add3A_544 : vector<16xf32>
        %add3A_547 = arith.addf %add3A_503, %mul3A_546 : vector<16xf32>
        tpu.vector_store_idx %arg14[%add3A_27, %broadcast_in_dim3A_538], %add3A_544 : memref<128x64xf32, #tpu.memory_space<vmem>>[vector<16xi32>, vector<16xi32>], vector<16xf32>,
        %broadcast_in_dim3A_548 = arith.constant 46 : i32
        %broadcast_in_dim3A_549 = vector.broadcast %broadcast_in_dim3A_548 : i32 to vector<16xi32>
        %gather3A_550 = tpu.vector_load_idx %arg14[%add3A_27, %broadcast_in_dim3A_549] : memref<128x64xf32, #tpu.memory_space<vmem>>[vector<16xi32>, vector<16xi32>], vector<16xf32>,
        %add3A_551 = arith.constant 9936 : i32
        %add3A_552 = vector.broadcast %add3A_551 : i32 to vector<16xi32>
        %add3A_553 = arith.addi %add3A_42, %add3A_552 : vector<16xi32>
        %gather3A_554 = tpu.vector_load_idx %arg9[%add3A_553] : memref<27648xf32, #tpu.memory_space<vmem>>[vector<16xi32>], vector<16xf32>,
        %add3A_555 = arith.addf %gather3A_550, %gather3A_554 : vector<16xf32>
        %add3A_556 = arith.addf %add3A_512, %add3A_555 : vector<16xf32>
        %mul3A_557 = arith.mulf %add3A_555, %add3A_555 : vector<16xf32>
        %add3A_558 = arith.addf %add3A_514, %mul3A_557 : vector<16xf32>
        tpu.vector_store_idx %arg14[%add3A_27, %broadcast_in_dim3A_549], %add3A_555 : memref<128x64xf32, #tpu.memory_space<vmem>>[vector<16xi32>, vector<16xi32>], vector<16xf32>,
        %broadcast_in_dim3A_559 = arith.constant 47 : i32
        %broadcast_in_dim3A_560 = vector.broadcast %broadcast_in_dim3A_559 : i32 to vector<16xi32>
        %gather3A_561 = tpu.vector_load_idx %arg14[%add3A_27, %broadcast_in_dim3A_560] : memref<128x64xf32, #tpu.memory_space<vmem>>[vector<16xi32>, vector<16xi32>], vector<16xf32>,
        %add3A_562 = arith.constant 10152 : i32
        %add3A_563 = vector.broadcast %add3A_562 : i32 to vector<16xi32>
        %add3A_564 = arith.addi %add3A_42, %add3A_563 : vector<16xi32>
        %gather3A_565 = tpu.vector_load_idx %arg9[%add3A_564] : memref<27648xf32, #tpu.memory_space<vmem>>[vector<16xi32>], vector<16xf32>,
        %add3A_566 = arith.addf %gather3A_561, %gather3A_565 : vector<16xf32>
        %add3A_567 = arith.addf %add3A_523, %add3A_566 : vector<16xf32>
        %mul3A_568 = arith.mulf %add3A_566, %add3A_566 : vector<16xf32>
        %add3A_569 = arith.addf %add3A_525, %mul3A_568 : vector<16xf32>
        tpu.vector_store_idx %arg14[%add3A_27, %broadcast_in_dim3A_560], %add3A_566 : memref<128x64xf32, #tpu.memory_space<vmem>>[vector<16xi32>, vector<16xi32>], vector<16xf32>,
        %broadcast_in_dim3A_570 = arith.constant 48 : i32
        %broadcast_in_dim3A_571 = vector.broadcast %broadcast_in_dim3A_570 : i32 to vector<16xi32>
        %gather3A_572 = tpu.vector_load_idx %arg14[%add3A_27, %broadcast_in_dim3A_571] : memref<128x64xf32, #tpu.memory_space<vmem>>[vector<16xi32>, vector<16xi32>], vector<16xf32>,
        %add3A_573 = arith.constant 10368 : i32
        %add3A_574 = vector.broadcast %add3A_573 : i32 to vector<16xi32>
        %add3A_575 = arith.addi %add3A_42, %add3A_574 : vector<16xi32>
        %gather3A_576 = tpu.vector_load_idx %arg9[%add3A_575] : memref<27648xf32, #tpu.memory_space<vmem>>[vector<16xi32>], vector<16xf32>,
        %add3A_577 = arith.addf %gather3A_572, %gather3A_576 : vector<16xf32>
        %add3A_578 = arith.addf %add3A_534, %add3A_577 : vector<16xf32>
        %mul3A_579 = arith.mulf %add3A_577, %add3A_577 : vector<16xf32>
        %add3A_580 = arith.addf %add3A_536, %mul3A_579 : vector<16xf32>
        tpu.vector_store_idx %arg14[%add3A_27, %broadcast_in_dim3A_571], %add3A_577 : memref<128x64xf32, #tpu.memory_space<vmem>>[vector<16xi32>, vector<16xi32>], vector<16xf32>,
        %broadcast_in_dim3A_581 = arith.constant 49 : i32
        %broadcast_in_dim3A_582 = vector.broadcast %broadcast_in_dim3A_581 : i32 to vector<16xi32>
        %gather3A_583 = tpu.vector_load_idx %arg14[%add3A_27, %broadcast_in_dim3A_582] : memref<128x64xf32, #tpu.memory_space<vmem>>[vector<16xi32>, vector<16xi32>], vector<16xf32>,
        %add3A_584 = arith.constant 10584 : i32
        %add3A_585 = vector.broadcast %add3A_584 : i32 to vector<16xi32>
        %add3A_586 = arith.addi %add3A_42, %add3A_585 : vector<16xi32>
        %gather3A_587 = tpu.vector_load_idx %arg9[%add3A_586] : memref<27648xf32, #tpu.memory_space<vmem>>[vector<16xi32>], vector<16xf32>,
        %add3A_588 = arith.addf %gather3A_583, %gather3A_587 : vector<16xf32>
        %add3A_589 = arith.addf %add3A_545, %add3A_588 : vector<16xf32>
        %mul3A_590 = arith.mulf %add3A_588, %add3A_588 : vector<16xf32>
        %add3A_591 = arith.addf %add3A_547, %mul3A_590 : vector<16xf32>
        tpu.vector_store_idx %arg14[%add3A_27, %broadcast_in_dim3A_582], %add3A_588 : memref<128x64xf32, #tpu.memory_space<vmem>>[vector<16xi32>, vector<16xi32>], vector<16xf32>,
        %broadcast_in_dim3A_592 = arith.constant 50 : i32
        %broadcast_in_dim3A_593 = vector.broadcast %broadcast_in_dim3A_592 : i32 to vector<16xi32>
        %gather3A_594 = tpu.vector_load_idx %arg14[%add3A_27, %broadcast_in_dim3A_593] : memref<128x64xf32, #tpu.memory_space<vmem>>[vector<16xi32>, vector<16xi32>], vector<16xf32>,
        %add3A_595 = arith.constant 10800 : i32
        %add3A_596 = vector.broadcast %add3A_595 : i32 to vector<16xi32>
        %add3A_597 = arith.addi %add3A_42, %add3A_596 : vector<16xi32>
        %gather3A_598 = tpu.vector_load_idx %arg9[%add3A_597] : memref<27648xf32, #tpu.memory_space<vmem>>[vector<16xi32>], vector<16xf32>,
        %add3A_599 = arith.addf %gather3A_594, %gather3A_598 : vector<16xf32>
        %add3A_600 = arith.addf %add3A_556, %add3A_599 : vector<16xf32>
        %mul3A_601 = arith.mulf %add3A_599, %add3A_599 : vector<16xf32>
        %add3A_602 = arith.addf %add3A_558, %mul3A_601 : vector<16xf32>
        tpu.vector_store_idx %arg14[%add3A_27, %broadcast_in_dim3A_593], %add3A_599 : memref<128x64xf32, #tpu.memory_space<vmem>>[vector<16xi32>, vector<16xi32>], vector<16xf32>,
        %broadcast_in_dim3A_603 = arith.constant 51 : i32
        %broadcast_in_dim3A_604 = vector.broadcast %broadcast_in_dim3A_603 : i32 to vector<16xi32>
        %gather3A_605 = tpu.vector_load_idx %arg14[%add3A_27, %broadcast_in_dim3A_604] : memref<128x64xf32, #tpu.memory_space<vmem>>[vector<16xi32>, vector<16xi32>], vector<16xf32>,
        %add3A_606 = arith.constant 11016 : i32
        %add3A_607 = vector.broadcast %add3A_606 : i32 to vector<16xi32>
        %add3A_608 = arith.addi %add3A_42, %add3A_607 : vector<16xi32>
        %gather3A_609 = tpu.vector_load_idx %arg9[%add3A_608] : memref<27648xf32, #tpu.memory_space<vmem>>[vector<16xi32>], vector<16xf32>,
        %add3A_610 = arith.addf %gather3A_605, %gather3A_609 : vector<16xf32>
        %add3A_611 = arith.addf %add3A_567, %add3A_610 : vector<16xf32>
        %mul3A_612 = arith.mulf %add3A_610, %add3A_610 : vector<16xf32>
        %add3A_613 = arith.addf %add3A_569, %mul3A_612 : vector<16xf32>
        tpu.vector_store_idx %arg14[%add3A_27, %broadcast_in_dim3A_604], %add3A_610 : memref<128x64xf32, #tpu.memory_space<vmem>>[vector<16xi32>, vector<16xi32>], vector<16xf32>,
        %broadcast_in_dim3A_614 = arith.constant 52 : i32
        %broadcast_in_dim3A_615 = vector.broadcast %broadcast_in_dim3A_614 : i32 to vector<16xi32>
        %gather3A_616 = tpu.vector_load_idx %arg14[%add3A_27, %broadcast_in_dim3A_615] : memref<128x64xf32, #tpu.memory_space<vmem>>[vector<16xi32>, vector<16xi32>], vector<16xf32>,
        %add3A_617 = arith.constant 11232 : i32
        %add3A_618 = vector.broadcast %add3A_617 : i32 to vector<16xi32>
        %add3A_619 = arith.addi %add3A_42, %add3A_618 : vector<16xi32>
        %gather3A_620 = tpu.vector_load_idx %arg9[%add3A_619] : memref<27648xf32, #tpu.memory_space<vmem>>[vector<16xi32>], vector<16xf32>,
        %add3A_621 = arith.addf %gather3A_616, %gather3A_620 : vector<16xf32>
        %add3A_622 = arith.addf %add3A_578, %add3A_621 : vector<16xf32>
        %mul3A_623 = arith.mulf %add3A_621, %add3A_621 : vector<16xf32>
        %add3A_624 = arith.addf %add3A_580, %mul3A_623 : vector<16xf32>
        tpu.vector_store_idx %arg14[%add3A_27, %broadcast_in_dim3A_615], %add3A_621 : memref<128x64xf32, #tpu.memory_space<vmem>>[vector<16xi32>, vector<16xi32>], vector<16xf32>,
        %broadcast_in_dim3A_625 = arith.constant 53 : i32
        %broadcast_in_dim3A_626 = vector.broadcast %broadcast_in_dim3A_625 : i32 to vector<16xi32>
        %gather3A_627 = tpu.vector_load_idx %arg14[%add3A_27, %broadcast_in_dim3A_626] : memref<128x64xf32, #tpu.memory_space<vmem>>[vector<16xi32>, vector<16xi32>], vector<16xf32>,
        %add3A_628 = arith.constant 11448 : i32
        %add3A_629 = vector.broadcast %add3A_628 : i32 to vector<16xi32>
        %add3A_630 = arith.addi %add3A_42, %add3A_629 : vector<16xi32>
        %gather3A_631 = tpu.vector_load_idx %arg9[%add3A_630] : memref<27648xf32, #tpu.memory_space<vmem>>[vector<16xi32>], vector<16xf32>,
        %add3A_632 = arith.addf %gather3A_627, %gather3A_631 : vector<16xf32>
        %add3A_633 = arith.addf %add3A_589, %add3A_632 : vector<16xf32>
        %mul3A_634 = arith.mulf %add3A_632, %add3A_632 : vector<16xf32>
        %add3A_635 = arith.addf %add3A_591, %mul3A_634 : vector<16xf32>
        tpu.vector_store_idx %arg14[%add3A_27, %broadcast_in_dim3A_626], %add3A_632 : memref<128x64xf32, #tpu.memory_space<vmem>>[vector<16xi32>, vector<16xi32>], vector<16xf32>,
        %broadcast_in_dim3A_636 = arith.constant 54 : i32
        %broadcast_in_dim3A_637 = vector.broadcast %broadcast_in_dim3A_636 : i32 to vector<16xi32>
        %gather3A_638 = tpu.vector_load_idx %arg14[%add3A_27, %broadcast_in_dim3A_637] : memref<128x64xf32, #tpu.memory_space<vmem>>[vector<16xi32>, vector<16xi32>], vector<16xf32>,
        %add3A_639 = arith.constant 11664 : i32
        %add3A_640 = vector.broadcast %add3A_639 : i32 to vector<16xi32>
        %add3A_641 = arith.addi %add3A_42, %add3A_640 : vector<16xi32>
        %gather3A_642 = tpu.vector_load_idx %arg9[%add3A_641] : memref<27648xf32, #tpu.memory_space<vmem>>[vector<16xi32>], vector<16xf32>,
        %add3A_643 = arith.addf %gather3A_638, %gather3A_642 : vector<16xf32>
        %add3A_644 = arith.addf %add3A_600, %add3A_643 : vector<16xf32>
        %mul3A_645 = arith.mulf %add3A_643, %add3A_643 : vector<16xf32>
        %add3A_646 = arith.addf %add3A_602, %mul3A_645 : vector<16xf32>
        tpu.vector_store_idx %arg14[%add3A_27, %broadcast_in_dim3A_637], %add3A_643 : memref<128x64xf32, #tpu.memory_space<vmem>>[vector<16xi32>, vector<16xi32>], vector<16xf32>,
        %broadcast_in_dim3A_647 = arith.constant 55 : i32
        %broadcast_in_dim3A_648 = vector.broadcast %broadcast_in_dim3A_647 : i32 to vector<16xi32>
        %gather3A_649 = tpu.vector_load_idx %arg14[%add3A_27, %broadcast_in_dim3A_648] : memref<128x64xf32, #tpu.memory_space<vmem>>[vector<16xi32>, vector<16xi32>], vector<16xf32>,
        %add3A_650 = arith.constant 11880 : i32
        %add3A_651 = vector.broadcast %add3A_650 : i32 to vector<16xi32>
        %add3A_652 = arith.addi %add3A_42, %add3A_651 : vector<16xi32>
        %gather3A_653 = tpu.vector_load_idx %arg9[%add3A_652] : memref<27648xf32, #tpu.memory_space<vmem>>[vector<16xi32>], vector<16xf32>,
        %add3A_654 = arith.addf %gather3A_649, %gather3A_653 : vector<16xf32>
        %add3A_655 = arith.addf %add3A_611, %add3A_654 : vector<16xf32>
        %mul3A_656 = arith.mulf %add3A_654, %add3A_654 : vector<16xf32>
        %add3A_657 = arith.addf %add3A_613, %mul3A_656 : vector<16xf32>
        tpu.vector_store_idx %arg14[%add3A_27, %broadcast_in_dim3A_648], %add3A_654 : memref<128x64xf32, #tpu.memory_space<vmem>>[vector<16xi32>, vector<16xi32>], vector<16xf32>,
        %broadcast_in_dim3A_658 = arith.constant 56 : i32
        %broadcast_in_dim3A_659 = vector.broadcast %broadcast_in_dim3A_658 : i32 to vector<16xi32>
        %gather3A_660 = tpu.vector_load_idx %arg14[%add3A_27, %broadcast_in_dim3A_659] : memref<128x64xf32, #tpu.memory_space<vmem>>[vector<16xi32>, vector<16xi32>], vector<16xf32>,
        %add3A_661 = arith.constant 12096 : i32
        %add3A_662 = vector.broadcast %add3A_661 : i32 to vector<16xi32>
        %add3A_663 = arith.addi %add3A_42, %add3A_662 : vector<16xi32>
        %gather3A_664 = tpu.vector_load_idx %arg9[%add3A_663] : memref<27648xf32, #tpu.memory_space<vmem>>[vector<16xi32>], vector<16xf32>,
        %add3A_665 = arith.addf %gather3A_660, %gather3A_664 : vector<16xf32>
        %add3A_666 = arith.addf %add3A_622, %add3A_665 : vector<16xf32>
        %mul3A_667 = arith.mulf %add3A_665, %add3A_665 : vector<16xf32>
        %add3A_668 = arith.addf %add3A_624, %mul3A_667 : vector<16xf32>
        tpu.vector_store_idx %arg14[%add3A_27, %broadcast_in_dim3A_659], %add3A_665 : memref<128x64xf32, #tpu.memory_space<vmem>>[vector<16xi32>, vector<16xi32>], vector<16xf32>,
        %broadcast_in_dim3A_669 = arith.constant 57 : i32
        %broadcast_in_dim3A_670 = vector.broadcast %broadcast_in_dim3A_669 : i32 to vector<16xi32>
        %gather3A_671 = tpu.vector_load_idx %arg14[%add3A_27, %broadcast_in_dim3A_670] : memref<128x64xf32, #tpu.memory_space<vmem>>[vector<16xi32>, vector<16xi32>], vector<16xf32>,
        %add3A_672 = arith.constant 12312 : i32
        %add3A_673 = vector.broadcast %add3A_672 : i32 to vector<16xi32>
        %add3A_674 = arith.addi %add3A_42, %add3A_673 : vector<16xi32>
        %gather3A_675 = tpu.vector_load_idx %arg9[%add3A_674] : memref<27648xf32, #tpu.memory_space<vmem>>[vector<16xi32>], vector<16xf32>,
        %add3A_676 = arith.addf %gather3A_671, %gather3A_675 : vector<16xf32>
        %add3A_677 = arith.addf %add3A_633, %add3A_676 : vector<16xf32>
        %mul3A_678 = arith.mulf %add3A_676, %add3A_676 : vector<16xf32>
        %add3A_679 = arith.addf %add3A_635, %mul3A_678 : vector<16xf32>
        tpu.vector_store_idx %arg14[%add3A_27, %broadcast_in_dim3A_670], %add3A_676 : memref<128x64xf32, #tpu.memory_space<vmem>>[vector<16xi32>, vector<16xi32>], vector<16xf32>,
        %broadcast_in_dim3A_680 = arith.constant 58 : i32
        %broadcast_in_dim3A_681 = vector.broadcast %broadcast_in_dim3A_680 : i32 to vector<16xi32>
        %gather3A_682 = tpu.vector_load_idx %arg14[%add3A_27, %broadcast_in_dim3A_681] : memref<128x64xf32, #tpu.memory_space<vmem>>[vector<16xi32>, vector<16xi32>], vector<16xf32>,
        %add3A_683 = arith.constant 12528 : i32
        %add3A_684 = vector.broadcast %add3A_683 : i32 to vector<16xi32>
        %add3A_685 = arith.addi %add3A_42, %add3A_684 : vector<16xi32>
        %gather3A_686 = tpu.vector_load_idx %arg9[%add3A_685] : memref<27648xf32, #tpu.memory_space<vmem>>[vector<16xi32>], vector<16xf32>,
        %add3A_687 = arith.addf %gather3A_682, %gather3A_686 : vector<16xf32>
        %add3A_688 = arith.addf %add3A_644, %add3A_687 : vector<16xf32>
        %mul3A_689 = arith.mulf %add3A_687, %add3A_687 : vector<16xf32>
        %add3A_690 = arith.addf %add3A_646, %mul3A_689 : vector<16xf32>
        tpu.vector_store_idx %arg14[%add3A_27, %broadcast_in_dim3A_681], %add3A_687 : memref<128x64xf32, #tpu.memory_space<vmem>>[vector<16xi32>, vector<16xi32>], vector<16xf32>,
        %broadcast_in_dim3A_691 = arith.constant 59 : i32
        %broadcast_in_dim3A_692 = vector.broadcast %broadcast_in_dim3A_691 : i32 to vector<16xi32>
        %gather3A_693 = tpu.vector_load_idx %arg14[%add3A_27, %broadcast_in_dim3A_692] : memref<128x64xf32, #tpu.memory_space<vmem>>[vector<16xi32>, vector<16xi32>], vector<16xf32>,
        %add3A_694 = arith.constant 12744 : i32
        %add3A_695 = vector.broadcast %add3A_694 : i32 to vector<16xi32>
        %add3A_696 = arith.addi %add3A_42, %add3A_695 : vector<16xi32>
        %gather3A_697 = tpu.vector_load_idx %arg9[%add3A_696] : memref<27648xf32, #tpu.memory_space<vmem>>[vector<16xi32>], vector<16xf32>,
        %add3A_698 = arith.addf %gather3A_693, %gather3A_697 : vector<16xf32>
        %add3A_699 = arith.addf %add3A_655, %add3A_698 : vector<16xf32>
        %mul3A_700 = arith.mulf %add3A_698, %add3A_698 : vector<16xf32>
        %add3A_701 = arith.addf %add3A_657, %mul3A_700 : vector<16xf32>
        tpu.vector_store_idx %arg14[%add3A_27, %broadcast_in_dim3A_692], %add3A_698 : memref<128x64xf32, #tpu.memory_space<vmem>>[vector<16xi32>, vector<16xi32>], vector<16xf32>,
        %broadcast_in_dim3A_702 = arith.constant 60 : i32
        %broadcast_in_dim3A_703 = vector.broadcast %broadcast_in_dim3A_702 : i32 to vector<16xi32>
        %gather3A_704 = tpu.vector_load_idx %arg14[%add3A_27, %broadcast_in_dim3A_703] : memref<128x64xf32, #tpu.memory_space<vmem>>[vector<16xi32>, vector<16xi32>], vector<16xf32>,
        %add3A_705 = arith.constant 12960 : i32
        %add3A_706 = vector.broadcast %add3A_705 : i32 to vector<16xi32>
        %add3A_707 = arith.addi %add3A_42, %add3A_706 : vector<16xi32>
        %gather3A_708 = tpu.vector_load_idx %arg9[%add3A_707] : memref<27648xf32, #tpu.memory_space<vmem>>[vector<16xi32>], vector<16xf32>,
        %add3A_709 = arith.addf %gather3A_704, %gather3A_708 : vector<16xf32>
        %add3A_710 = arith.addf %add3A_666, %add3A_709 : vector<16xf32>
        %mul3A_711 = arith.mulf %add3A_709, %add3A_709 : vector<16xf32>
        %add3A_712 = arith.addf %add3A_668, %mul3A_711 : vector<16xf32>
        tpu.vector_store_idx %arg14[%add3A_27, %broadcast_in_dim3A_703], %add3A_709 : memref<128x64xf32, #tpu.memory_space<vmem>>[vector<16xi32>, vector<16xi32>], vector<16xf32>,
        %broadcast_in_dim3A_713 = arith.constant 61 : i32
        %broadcast_in_dim3A_714 = vector.broadcast %broadcast_in_dim3A_713 : i32 to vector<16xi32>
        %gather3A_715 = tpu.vector_load_idx %arg14[%add3A_27, %broadcast_in_dim3A_714] : memref<128x64xf32, #tpu.memory_space<vmem>>[vector<16xi32>, vector<16xi32>], vector<16xf32>,
        %add3A_716 = arith.constant 13176 : i32
        %add3A_717 = vector.broadcast %add3A_716 : i32 to vector<16xi32>
        %add3A_718 = arith.addi %add3A_42, %add3A_717 : vector<16xi32>
        %gather3A_719 = tpu.vector_load_idx %arg9[%add3A_718] : memref<27648xf32, #tpu.memory_space<vmem>>[vector<16xi32>], vector<16xf32>,
        %add3A_720 = arith.addf %gather3A_715, %gather3A_719 : vector<16xf32>
        %add3A_721 = arith.addf %add3A_677, %add3A_720 : vector<16xf32>
        %mul3A_722 = arith.mulf %add3A_720, %add3A_720 : vector<16xf32>
        %add3A_723 = arith.addf %add3A_679, %mul3A_722 : vector<16xf32>
        tpu.vector_store_idx %arg14[%add3A_27, %broadcast_in_dim3A_714], %add3A_720 : memref<128x64xf32, #tpu.memory_space<vmem>>[vector<16xi32>, vector<16xi32>], vector<16xf32>,
        %broadcast_in_dim3A_724 = arith.constant 62 : i32
        %broadcast_in_dim3A_725 = vector.broadcast %broadcast_in_dim3A_724 : i32 to vector<16xi32>
        %gather3A_726 = tpu.vector_load_idx %arg14[%add3A_27, %broadcast_in_dim3A_725] : memref<128x64xf32, #tpu.memory_space<vmem>>[vector<16xi32>, vector<16xi32>], vector<16xf32>,
        %add3A_727 = arith.constant 13392 : i32
        %add3A_728 = vector.broadcast %add3A_727 : i32 to vector<16xi32>
        %add3A_729 = arith.addi %add3A_42, %add3A_728 : vector<16xi32>
        %gather3A_730 = tpu.vector_load_idx %arg9[%add3A_729] : memref<27648xf32, #tpu.memory_space<vmem>>[vector<16xi32>], vector<16xf32>,
        %add3A_731 = arith.addf %gather3A_726, %gather3A_730 : vector<16xf32>
        %add3A_732 = arith.addf %add3A_688, %add3A_731 : vector<16xf32>
        %mul3A_733 = arith.mulf %add3A_731, %add3A_731 : vector<16xf32>
        %add3A_734 = arith.addf %add3A_690, %mul3A_733 : vector<16xf32>
        tpu.vector_store_idx %arg14[%add3A_27, %broadcast_in_dim3A_725], %add3A_731 : memref<128x64xf32, #tpu.memory_space<vmem>>[vector<16xi32>, vector<16xi32>], vector<16xf32>,
        %broadcast_in_dim3A_735 = arith.constant 63 : i32
        %broadcast_in_dim3A_736 = vector.broadcast %broadcast_in_dim3A_735 : i32 to vector<16xi32>
        %gather3A_737 = tpu.vector_load_idx %arg14[%add3A_27, %broadcast_in_dim3A_736] : memref<128x64xf32, #tpu.memory_space<vmem>>[vector<16xi32>, vector<16xi32>], vector<16xf32>,
        %add3A_738 = arith.constant 13608 : i32
        %add3A_739 = vector.broadcast %add3A_738 : i32 to vector<16xi32>
        %add3A_740 = arith.addi %add3A_42, %add3A_739 : vector<16xi32>
        %gather3A_741 = tpu.vector_load_idx %arg9[%add3A_740] : memref<27648xf32, #tpu.memory_space<vmem>>[vector<16xi32>], vector<16xf32>,
        %add3A_742 = arith.addf %gather3A_737, %gather3A_741 : vector<16xf32>
        %add3A_743 = arith.addf %add3A_699, %add3A_742 : vector<16xf32>
        %mul3A_744 = arith.mulf %add3A_742, %add3A_742 : vector<16xf32>
        %add3A_745 = arith.addf %add3A_701, %mul3A_744 : vector<16xf32>
        tpu.vector_store_idx %arg14[%add3A_27, %broadcast_in_dim3A_736], %add3A_742 : memref<128x64xf32, #tpu.memory_space<vmem>>[vector<16xi32>, vector<16xi32>], vector<16xf32>,
        %add3A_746 = arith.addf %add3A_710, %add3A_721 : vector<16xf32>
        %add3A_747 = arith.addf %add3A_732, %add3A_743 : vector<16xf32>
        %add3A_748 = arith.addf %add3A_746, %add3A_747 : vector<16xf32>
        %add3A_749 = arith.addf %add3A_712, %add3A_723 : vector<16xf32>
        %add3A_750 = arith.addf %add3A_734, %add3A_745 : vector<16xf32>
        %add3A_751 = arith.addf %add3A_749, %add3A_750 : vector<16xf32>
        %mul3A_752 = arith.constant 1.562500e-02 : f32
        %mul3A_753 = vector.broadcast %mul3A_752 : f32 to vector<16xf32>
        %mul3A_754 = arith.mulf %add3A_748, %mul3A_753 : vector<16xf32>
        %mul3A_755 = arith.constant 1.562500e-02 : f32
        %mul3A_756 = vector.broadcast %mul3A_755 : f32 to vector<16xf32>
        %mul3A_757 = arith.mulf %add3A_751, %mul3A_756 : vector<16xf32>
        %mul3A_758 = arith.mulf %mul3A_754, %mul3A_754 : vector<16xf32>
        %sub3A = arith.subf %mul3A_757, %mul3A_758 : vector<16xf32>
        %add3A_759 = arith.constant 9.99999996E-13 : f32
        %add3A_760 = vector.broadcast %add3A_759 : f32 to vector<16xf32>
        %add3A_761 = arith.addf %sub3A, %add3A_760 : vector<16xf32>
        %bitcast_convert_type3A = tpu.bitcast %add3A_761 : vector<16xf32> -> vector<16xi32>
        %broadcast_in_dim3A_762 = arith.constant 1597463007 : i32
        %broadcast_in_dim3A_763 = vector.broadcast %broadcast_in_dim3A_762 : i32 to vector<16xi32>
        %shift_right_arithmetic3A = arith.constant 1 : i32
        %shift_right_arithmetic3A_764 = vector.broadcast %shift_right_arithmetic3A : i32 to vector<16xi32>
        %shift_right_arithmetic3A_765 = arith.shrsi %bitcast_convert_type3A, %shift_right_arithmetic3A_764 : vector<16xi32>
        %sub3A_766 = arith.subi %broadcast_in_dim3A_763, %shift_right_arithmetic3A_765 : vector<16xi32>
        %bitcast_convert_type3A_767 = tpu.bitcast %sub3A_766 : vector<16xi32> -> vector<16xf32>
        %mul3A_768 = arith.constant 5.000000e-01 : f32
        %mul3A_769 = vector.broadcast %mul3A_768 : f32 to vector<16xf32>
        %mul3A_770 = arith.mulf %mul3A_769, %add3A_761 : vector<16xf32>
        %mul3A_771 = arith.mulf %mul3A_770, %bitcast_convert_type3A_767 : vector<16xf32>
        %mul3A_772 = arith.mulf %mul3A_771, %bitcast_convert_type3A_767 : vector<16xf32>
        %sub3A_773 = arith.constant 1.500000e+00 : f32
        %sub3A_774 = vector.broadcast %sub3A_773 : f32 to vector<16xf32>
        %sub3A_775 = arith.subf %sub3A_774, %mul3A_772 : vector<16xf32>
        %mul3A_776 = arith.mulf %bitcast_convert_type3A_767, %sub3A_775 : vector<16xf32>
        %mul3A_777 = arith.constant 5.000000e-01 : f32
        %mul3A_778 = vector.broadcast %mul3A_777 : f32 to vector<16xf32>
        %mul3A_779 = arith.mulf %mul3A_778, %add3A_761 : vector<16xf32>
        %mul3A_780 = arith.mulf %mul3A_779, %mul3A_776 : vector<16xf32>
        %mul3A_781 = arith.mulf %mul3A_780, %mul3A_776 : vector<16xf32>
        %sub3A_782 = arith.constant 1.500000e+00 : f32
        %sub3A_783 = vector.broadcast %sub3A_782 : f32 to vector<16xf32>
        %sub3A_784 = arith.subf %sub3A_783, %mul3A_781 : vector<16xf32>
        %mul3A_785 = arith.mulf %mul3A_776, %sub3A_784 : vector<16xf32>
        %mul3A_786 = arith.constant 5.000000e-01 : f32
        %mul3A_787 = vector.broadcast %mul3A_786 : f32 to vector<16xf32>
        %mul3A_788 = arith.mulf %mul3A_787, %add3A_761 : vector<16xf32>
        %mul3A_789 = arith.mulf %mul3A_788, %mul3A_785 : vector<16xf32>
        %mul3A_790 = arith.mulf %mul3A_789, %mul3A_785 : vector<16xf32>
        %sub3A_791 = arith.constant 1.500000e+00 : f32
        %sub3A_792 = vector.broadcast %sub3A_791 : f32 to vector<16xf32>
        %sub3A_793 = arith.subf %sub3A_792, %mul3A_790 : vector<16xf32>
        %mul3A_794 = arith.mulf %mul3A_785, %sub3A_793 : vector<16xf32>
        %broadcast_in_dim3A_795 = arith.constant 0 : i32
        %broadcast_in_dim3A_796 = vector.broadcast %broadcast_in_dim3A_795 : i32 to vector<16xi32>
        %gather3A_797 = tpu.vector_load_idx %arg14[%add3A_27, %broadcast_in_dim3A_796] : memref<128x64xf32, #tpu.memory_space<vmem>>[vector<16xi32>, vector<16xi32>], vector<16xf32>,
        %get3A_798 = arith.constant 0 : i32
        %get3A_799 = arith.index_cast %get3A_798 : i32 to index
        %get3A_800 = arith.constant 0 : index
        %get3A_801 = tpu.vector_load %arg10[%get3A_799, %get3A_800] {strides = array<i32>} : memref<64x16xf32, #tpu.memory_space<vmem>>, vector<16xf32>,
        %get3A_802 = arith.constant 0 : i32
        %get3A_803 = arith.index_cast %get3A_802 : i32 to index
        %get3A_804 = arith.constant 0 : index
        %get3A_805 = tpu.vector_load %arg11[%get3A_803, %get3A_804] {strides = array<i32>} : memref<64x16xf32, #tpu.memory_space<vmem>>, vector<16xf32>,
        %sub3A_806 = arith.subf %gather3A_797, %mul3A_754 : vector<16xf32>
        %mul3A_807 = arith.mulf %sub3A_806, %mul3A_794 : vector<16xf32>
        %mul3A_808 = arith.mulf %mul3A_807, %get3A_801 : vector<16xf32>
        %add3A_809 = arith.addf %mul3A_808, %get3A_805 : vector<16xf32>
        tpu.vector_store_idx %arg14[%add3A_27, %broadcast_in_dim3A_796], %add3A_809 : memref<128x64xf32, #tpu.memory_space<vmem>>[vector<16xi32>, vector<16xi32>], vector<16xf32>,
        %broadcast_in_dim3A_810 = arith.constant 1 : i32
        %broadcast_in_dim3A_811 = vector.broadcast %broadcast_in_dim3A_810 : i32 to vector<16xi32>
        %gather3A_812 = tpu.vector_load_idx %arg14[%add3A_27, %broadcast_in_dim3A_811] : memref<128x64xf32, #tpu.memory_space<vmem>>[vector<16xi32>, vector<16xi32>], vector<16xf32>,
        %get3A_813 = arith.constant 1 : i32
        %get3A_814 = arith.index_cast %get3A_813 : i32 to index
        %get3A_815 = arith.constant 0 : index
        %get3A_816 = tpu.vector_load %arg10[%get3A_814, %get3A_815] {strides = array<i32>} : memref<64x16xf32, #tpu.memory_space<vmem>>, vector<16xf32>,
        %get3A_817 = arith.constant 1 : i32
        %get3A_818 = arith.index_cast %get3A_817 : i32 to index
        %get3A_819 = arith.constant 0 : index
        %get3A_820 = tpu.vector_load %arg11[%get3A_818, %get3A_819] {strides = array<i32>} : memref<64x16xf32, #tpu.memory_space<vmem>>, vector<16xf32>,
        %sub3A_821 = arith.subf %gather3A_812, %mul3A_754 : vector<16xf32>
        %mul3A_822 = arith.mulf %sub3A_821, %mul3A_794 : vector<16xf32>
        %mul3A_823 = arith.mulf %mul3A_822, %get3A_816 : vector<16xf32>
        %add3A_824 = arith.addf %mul3A_823, %get3A_820 : vector<16xf32>
        tpu.vector_store_idx %arg14[%add3A_27, %broadcast_in_dim3A_811], %add3A_824 : memref<128x64xf32, #tpu.memory_space<vmem>>[vector<16xi32>, vector<16xi32>], vector<16xf32>,
        %broadcast_in_dim3A_825 = arith.constant 2 : i32
        %broadcast_in_dim3A_826 = vector.broadcast %broadcast_in_dim3A_825 : i32 to vector<16xi32>
        %gather3A_827 = tpu.vector_load_idx %arg14[%add3A_27, %broadcast_in_dim3A_826] : memref<128x64xf32, #tpu.memory_space<vmem>>[vector<16xi32>, vector<16xi32>], vector<16xf32>,
        %get3A_828 = arith.constant 2 : i32
        %get3A_829 = arith.index_cast %get3A_828 : i32 to index
        %get3A_830 = arith.constant 0 : index
        %get3A_831 = tpu.vector_load %arg10[%get3A_829, %get3A_830] {strides = array<i32>} : memref<64x16xf32, #tpu.memory_space<vmem>>, vector<16xf32>,
        %get3A_832 = arith.constant 2 : i32
        %get3A_833 = arith.index_cast %get3A_832 : i32 to index
        %get3A_834 = arith.constant 0 : index
        %get3A_835 = tpu.vector_load %arg11[%get3A_833, %get3A_834] {strides = array<i32>} : memref<64x16xf32, #tpu.memory_space<vmem>>, vector<16xf32>,
        %sub3A_836 = arith.subf %gather3A_827, %mul3A_754 : vector<16xf32>
        %mul3A_837 = arith.mulf %sub3A_836, %mul3A_794 : vector<16xf32>
        %mul3A_838 = arith.mulf %mul3A_837, %get3A_831 : vector<16xf32>
        %add3A_839 = arith.addf %mul3A_838, %get3A_835 : vector<16xf32>
        tpu.vector_store_idx %arg14[%add3A_27, %broadcast_in_dim3A_826], %add3A_839 : memref<128x64xf32, #tpu.memory_space<vmem>>[vector<16xi32>, vector<16xi32>], vector<16xf32>,
        %broadcast_in_dim3A_840 = arith.constant 3 : i32
        %broadcast_in_dim3A_841 = vector.broadcast %broadcast_in_dim3A_840 : i32 to vector<16xi32>
        %gather3A_842 = tpu.vector_load_idx %arg14[%add3A_27, %broadcast_in_dim3A_841] : memref<128x64xf32, #tpu.memory_space<vmem>>[vector<16xi32>, vector<16xi32>], vector<16xf32>,
        %get3A_843 = arith.constant 3 : i32
        %get3A_844 = arith.index_cast %get3A_843 : i32 to index
        %get3A_845 = arith.constant 0 : index
        %get3A_846 = tpu.vector_load %arg10[%get3A_844, %get3A_845] {strides = array<i32>} : memref<64x16xf32, #tpu.memory_space<vmem>>, vector<16xf32>,
        %get3A_847 = arith.constant 3 : i32
        %get3A_848 = arith.index_cast %get3A_847 : i32 to index
        %get3A_849 = arith.constant 0 : index
        %get3A_850 = tpu.vector_load %arg11[%get3A_848, %get3A_849] {strides = array<i32>} : memref<64x16xf32, #tpu.memory_space<vmem>>, vector<16xf32>,
        %sub3A_851 = arith.subf %gather3A_842, %mul3A_754 : vector<16xf32>
        %mul3A_852 = arith.mulf %sub3A_851, %mul3A_794 : vector<16xf32>
        %mul3A_853 = arith.mulf %mul3A_852, %get3A_846 : vector<16xf32>
        %add3A_854 = arith.addf %mul3A_853, %get3A_850 : vector<16xf32>
        tpu.vector_store_idx %arg14[%add3A_27, %broadcast_in_dim3A_841], %add3A_854 : memref<128x64xf32, #tpu.memory_space<vmem>>[vector<16xi32>, vector<16xi32>], vector<16xf32>,
        %broadcast_in_dim3A_855 = arith.constant 4 : i32
        %broadcast_in_dim3A_856 = vector.broadcast %broadcast_in_dim3A_855 : i32 to vector<16xi32>
        %gather3A_857 = tpu.vector_load_idx %arg14[%add3A_27, %broadcast_in_dim3A_856] : memref<128x64xf32, #tpu.memory_space<vmem>>[vector<16xi32>, vector<16xi32>], vector<16xf32>,
        %get3A_858 = arith.constant 4 : i32
        %get3A_859 = arith.index_cast %get3A_858 : i32 to index
        %get3A_860 = arith.constant 0 : index
        %get3A_861 = tpu.vector_load %arg10[%get3A_859, %get3A_860] {strides = array<i32>} : memref<64x16xf32, #tpu.memory_space<vmem>>, vector<16xf32>,
        %get3A_862 = arith.constant 4 : i32
        %get3A_863 = arith.index_cast %get3A_862 : i32 to index
        %get3A_864 = arith.constant 0 : index
        %get3A_865 = tpu.vector_load %arg11[%get3A_863, %get3A_864] {strides = array<i32>} : memref<64x16xf32, #tpu.memory_space<vmem>>, vector<16xf32>,
        %sub3A_866 = arith.subf %gather3A_857, %mul3A_754 : vector<16xf32>
        %mul3A_867 = arith.mulf %sub3A_866, %mul3A_794 : vector<16xf32>
        %mul3A_868 = arith.mulf %mul3A_867, %get3A_861 : vector<16xf32>
        %add3A_869 = arith.addf %mul3A_868, %get3A_865 : vector<16xf32>
        tpu.vector_store_idx %arg14[%add3A_27, %broadcast_in_dim3A_856], %add3A_869 : memref<128x64xf32, #tpu.memory_space<vmem>>[vector<16xi32>, vector<16xi32>], vector<16xf32>,
        %broadcast_in_dim3A_870 = arith.constant 5 : i32
        %broadcast_in_dim3A_871 = vector.broadcast %broadcast_in_dim3A_870 : i32 to vector<16xi32>
        %gather3A_872 = tpu.vector_load_idx %arg14[%add3A_27, %broadcast_in_dim3A_871] : memref<128x64xf32, #tpu.memory_space<vmem>>[vector<16xi32>, vector<16xi32>], vector<16xf32>,
        %get3A_873 = arith.constant 5 : i32
        %get3A_874 = arith.index_cast %get3A_873 : i32 to index
        %get3A_875 = arith.constant 0 : index
        %get3A_876 = tpu.vector_load %arg10[%get3A_874, %get3A_875] {strides = array<i32>} : memref<64x16xf32, #tpu.memory_space<vmem>>, vector<16xf32>,
        %get3A_877 = arith.constant 5 : i32
        %get3A_878 = arith.index_cast %get3A_877 : i32 to index
        %get3A_879 = arith.constant 0 : index
        %get3A_880 = tpu.vector_load %arg11[%get3A_878, %get3A_879] {strides = array<i32>} : memref<64x16xf32, #tpu.memory_space<vmem>>, vector<16xf32>,
        %sub3A_881 = arith.subf %gather3A_872, %mul3A_754 : vector<16xf32>
        %mul3A_882 = arith.mulf %sub3A_881, %mul3A_794 : vector<16xf32>
        %mul3A_883 = arith.mulf %mul3A_882, %get3A_876 : vector<16xf32>
        %add3A_884 = arith.addf %mul3A_883, %get3A_880 : vector<16xf32>
        tpu.vector_store_idx %arg14[%add3A_27, %broadcast_in_dim3A_871], %add3A_884 : memref<128x64xf32, #tpu.memory_space<vmem>>[vector<16xi32>, vector<16xi32>], vector<16xf32>,
        %broadcast_in_dim3A_885 = arith.constant 6 : i32
        %broadcast_in_dim3A_886 = vector.broadcast %broadcast_in_dim3A_885 : i32 to vector<16xi32>
        %gather3A_887 = tpu.vector_load_idx %arg14[%add3A_27, %broadcast_in_dim3A_886] : memref<128x64xf32, #tpu.memory_space<vmem>>[vector<16xi32>, vector<16xi32>], vector<16xf32>,
        %get3A_888 = arith.constant 6 : i32
        %get3A_889 = arith.index_cast %get3A_888 : i32 to index
        %get3A_890 = arith.constant 0 : index
        %get3A_891 = tpu.vector_load %arg10[%get3A_889, %get3A_890] {strides = array<i32>} : memref<64x16xf32, #tpu.memory_space<vmem>>, vector<16xf32>,
        %get3A_892 = arith.constant 6 : i32
        %get3A_893 = arith.index_cast %get3A_892 : i32 to index
        %get3A_894 = arith.constant 0 : index
        %get3A_895 = tpu.vector_load %arg11[%get3A_893, %get3A_894] {strides = array<i32>} : memref<64x16xf32, #tpu.memory_space<vmem>>, vector<16xf32>,
        %sub3A_896 = arith.subf %gather3A_887, %mul3A_754 : vector<16xf32>
        %mul3A_897 = arith.mulf %sub3A_896, %mul3A_794 : vector<16xf32>
        %mul3A_898 = arith.mulf %mul3A_897, %get3A_891 : vector<16xf32>
        %add3A_899 = arith.addf %mul3A_898, %get3A_895 : vector<16xf32>
        tpu.vector_store_idx %arg14[%add3A_27, %broadcast_in_dim3A_886], %add3A_899 : memref<128x64xf32, #tpu.memory_space<vmem>>[vector<16xi32>, vector<16xi32>], vector<16xf32>,
        %broadcast_in_dim3A_900 = arith.constant 7 : i32
        %broadcast_in_dim3A_901 = vector.broadcast %broadcast_in_dim3A_900 : i32 to vector<16xi32>
        %gather3A_902 = tpu.vector_load_idx %arg14[%add3A_27, %broadcast_in_dim3A_901] : memref<128x64xf32, #tpu.memory_space<vmem>>[vector<16xi32>, vector<16xi32>], vector<16xf32>,
        %get3A_903 = arith.constant 7 : i32
        %get3A_904 = arith.index_cast %get3A_903 : i32 to index
        %get3A_905 = arith.constant 0 : index
        %get3A_906 = tpu.vector_load %arg10[%get3A_904, %get3A_905] {strides = array<i32>} : memref<64x16xf32, #tpu.memory_space<vmem>>, vector<16xf32>,
        %get3A_907 = arith.constant 7 : i32
        %get3A_908 = arith.index_cast %get3A_907 : i32 to index
        %get3A_909 = arith.constant 0 : index
        %get3A_910 = tpu.vector_load %arg11[%get3A_908, %get3A_909] {strides = array<i32>} : memref<64x16xf32, #tpu.memory_space<vmem>>, vector<16xf32>,
        %sub3A_911 = arith.subf %gather3A_902, %mul3A_754 : vector<16xf32>
        %mul3A_912 = arith.mulf %sub3A_911, %mul3A_794 : vector<16xf32>
        %mul3A_913 = arith.mulf %mul3A_912, %get3A_906 : vector<16xf32>
        %add3A_914 = arith.addf %mul3A_913, %get3A_910 : vector<16xf32>
        tpu.vector_store_idx %arg14[%add3A_27, %broadcast_in_dim3A_901], %add3A_914 : memref<128x64xf32, #tpu.memory_space<vmem>>[vector<16xi32>, vector<16xi32>], vector<16xf32>,
        %broadcast_in_dim3A_915 = arith.constant 8 : i32
        %broadcast_in_dim3A_916 = vector.broadcast %broadcast_in_dim3A_915 : i32 to vector<16xi32>
        %gather3A_917 = tpu.vector_load_idx %arg14[%add3A_27, %broadcast_in_dim3A_916] : memref<128x64xf32, #tpu.memory_space<vmem>>[vector<16xi32>, vector<16xi32>], vector<16xf32>,
        %get3A_918 = arith.constant 8 : i32
        %get3A_919 = arith.index_cast %get3A_918 : i32 to index
        %get3A_920 = arith.constant 0 : index
        %get3A_921 = tpu.vector_load %arg10[%get3A_919, %get3A_920] {strides = array<i32>} : memref<64x16xf32, #tpu.memory_space<vmem>>, vector<16xf32>,
        %get3A_922 = arith.constant 8 : i32
        %get3A_923 = arith.index_cast %get3A_922 : i32 to index
        %get3A_924 = arith.constant 0 : index
        %get3A_925 = tpu.vector_load %arg11[%get3A_923, %get3A_924] {strides = array<i32>} : memref<64x16xf32, #tpu.memory_space<vmem>>, vector<16xf32>,
        %sub3A_926 = arith.subf %gather3A_917, %mul3A_754 : vector<16xf32>
        %mul3A_927 = arith.mulf %sub3A_926, %mul3A_794 : vector<16xf32>
        %mul3A_928 = arith.mulf %mul3A_927, %get3A_921 : vector<16xf32>
        %add3A_929 = arith.addf %mul3A_928, %get3A_925 : vector<16xf32>
        tpu.vector_store_idx %arg14[%add3A_27, %broadcast_in_dim3A_916], %add3A_929 : memref<128x64xf32, #tpu.memory_space<vmem>>[vector<16xi32>, vector<16xi32>], vector<16xf32>,
        %broadcast_in_dim3A_930 = arith.constant 9 : i32
        %broadcast_in_dim3A_931 = vector.broadcast %broadcast_in_dim3A_930 : i32 to vector<16xi32>
        %gather3A_932 = tpu.vector_load_idx %arg14[%add3A_27, %broadcast_in_dim3A_931] : memref<128x64xf32, #tpu.memory_space<vmem>>[vector<16xi32>, vector<16xi32>], vector<16xf32>,
        %get3A_933 = arith.constant 9 : i32
        %get3A_934 = arith.index_cast %get3A_933 : i32 to index
        %get3A_935 = arith.constant 0 : index
        %get3A_936 = tpu.vector_load %arg10[%get3A_934, %get3A_935] {strides = array<i32>} : memref<64x16xf32, #tpu.memory_space<vmem>>, vector<16xf32>,
        %get3A_937 = arith.constant 9 : i32
        %get3A_938 = arith.index_cast %get3A_937 : i32 to index
        %get3A_939 = arith.constant 0 : index
        %get3A_940 = tpu.vector_load %arg11[%get3A_938, %get3A_939] {strides = array<i32>} : memref<64x16xf32, #tpu.memory_space<vmem>>, vector<16xf32>,
        %sub3A_941 = arith.subf %gather3A_932, %mul3A_754 : vector<16xf32>
        %mul3A_942 = arith.mulf %sub3A_941, %mul3A_794 : vector<16xf32>
        %mul3A_943 = arith.mulf %mul3A_942, %get3A_936 : vector<16xf32>
        %add3A_944 = arith.addf %mul3A_943, %get3A_940 : vector<16xf32>
        tpu.vector_store_idx %arg14[%add3A_27, %broadcast_in_dim3A_931], %add3A_944 : memref<128x64xf32, #tpu.memory_space<vmem>>[vector<16xi32>, vector<16xi32>], vector<16xf32>,
        %broadcast_in_dim3A_945 = arith.constant 10 : i32
        %broadcast_in_dim3A_946 = vector.broadcast %broadcast_in_dim3A_945 : i32 to vector<16xi32>
        %gather3A_947 = tpu.vector_load_idx %arg14[%add3A_27, %broadcast_in_dim3A_946] : memref<128x64xf32, #tpu.memory_space<vmem>>[vector<16xi32>, vector<16xi32>], vector<16xf32>,
        %get3A_948 = arith.constant 10 : i32
        %get3A_949 = arith.index_cast %get3A_948 : i32 to index
        %get3A_950 = arith.constant 0 : index
        %get3A_951 = tpu.vector_load %arg10[%get3A_949, %get3A_950] {strides = array<i32>} : memref<64x16xf32, #tpu.memory_space<vmem>>, vector<16xf32>,
        %get3A_952 = arith.constant 10 : i32
        %get3A_953 = arith.index_cast %get3A_952 : i32 to index
        %get3A_954 = arith.constant 0 : index
        %get3A_955 = tpu.vector_load %arg11[%get3A_953, %get3A_954] {strides = array<i32>} : memref<64x16xf32, #tpu.memory_space<vmem>>, vector<16xf32>,
        %sub3A_956 = arith.subf %gather3A_947, %mul3A_754 : vector<16xf32>
        %mul3A_957 = arith.mulf %sub3A_956, %mul3A_794 : vector<16xf32>
        %mul3A_958 = arith.mulf %mul3A_957, %get3A_951 : vector<16xf32>
        %add3A_959 = arith.addf %mul3A_958, %get3A_955 : vector<16xf32>
        tpu.vector_store_idx %arg14[%add3A_27, %broadcast_in_dim3A_946], %add3A_959 : memref<128x64xf32, #tpu.memory_space<vmem>>[vector<16xi32>, vector<16xi32>], vector<16xf32>,
        %broadcast_in_dim3A_960 = arith.constant 11 : i32
        %broadcast_in_dim3A_961 = vector.broadcast %broadcast_in_dim3A_960 : i32 to vector<16xi32>
        %gather3A_962 = tpu.vector_load_idx %arg14[%add3A_27, %broadcast_in_dim3A_961] : memref<128x64xf32, #tpu.memory_space<vmem>>[vector<16xi32>, vector<16xi32>], vector<16xf32>,
        %get3A_963 = arith.constant 11 : i32
        %get3A_964 = arith.index_cast %get3A_963 : i32 to index
        %get3A_965 = arith.constant 0 : index
        %get3A_966 = tpu.vector_load %arg10[%get3A_964, %get3A_965] {strides = array<i32>} : memref<64x16xf32, #tpu.memory_space<vmem>>, vector<16xf32>,
        %get3A_967 = arith.constant 11 : i32
        %get3A_968 = arith.index_cast %get3A_967 : i32 to index
        %get3A_969 = arith.constant 0 : index
        %get3A_970 = tpu.vector_load %arg11[%get3A_968, %get3A_969] {strides = array<i32>} : memref<64x16xf32, #tpu.memory_space<vmem>>, vector<16xf32>,
        %sub3A_971 = arith.subf %gather3A_962, %mul3A_754 : vector<16xf32>
        %mul3A_972 = arith.mulf %sub3A_971, %mul3A_794 : vector<16xf32>
        %mul3A_973 = arith.mulf %mul3A_972, %get3A_966 : vector<16xf32>
        %add3A_974 = arith.addf %mul3A_973, %get3A_970 : vector<16xf32>
        tpu.vector_store_idx %arg14[%add3A_27, %broadcast_in_dim3A_961], %add3A_974 : memref<128x64xf32, #tpu.memory_space<vmem>>[vector<16xi32>, vector<16xi32>], vector<16xf32>,
        %broadcast_in_dim3A_975 = arith.constant 12 : i32
        %broadcast_in_dim3A_976 = vector.broadcast %broadcast_in_dim3A_975 : i32 to vector<16xi32>
        %gather3A_977 = tpu.vector_load_idx %arg14[%add3A_27, %broadcast_in_dim3A_976] : memref<128x64xf32, #tpu.memory_space<vmem>>[vector<16xi32>, vector<16xi32>], vector<16xf32>,
        %get3A_978 = arith.constant 12 : i32
        %get3A_979 = arith.index_cast %get3A_978 : i32 to index
        %get3A_980 = arith.constant 0 : index
        %get3A_981 = tpu.vector_load %arg10[%get3A_979, %get3A_980] {strides = array<i32>} : memref<64x16xf32, #tpu.memory_space<vmem>>, vector<16xf32>,
        %get3A_982 = arith.constant 12 : i32
        %get3A_983 = arith.index_cast %get3A_982 : i32 to index
        %get3A_984 = arith.constant 0 : index
        %get3A_985 = tpu.vector_load %arg11[%get3A_983, %get3A_984] {strides = array<i32>} : memref<64x16xf32, #tpu.memory_space<vmem>>, vector<16xf32>,
        %sub3A_986 = arith.subf %gather3A_977, %mul3A_754 : vector<16xf32>
        %mul3A_987 = arith.mulf %sub3A_986, %mul3A_794 : vector<16xf32>
        %mul3A_988 = arith.mulf %mul3A_987, %get3A_981 : vector<16xf32>
        %add3A_989 = arith.addf %mul3A_988, %get3A_985 : vector<16xf32>
        tpu.vector_store_idx %arg14[%add3A_27, %broadcast_in_dim3A_976], %add3A_989 : memref<128x64xf32, #tpu.memory_space<vmem>>[vector<16xi32>, vector<16xi32>], vector<16xf32>,
        %broadcast_in_dim3A_990 = arith.constant 13 : i32
        %broadcast_in_dim3A_991 = vector.broadcast %broadcast_in_dim3A_990 : i32 to vector<16xi32>
        %gather3A_992 = tpu.vector_load_idx %arg14[%add3A_27, %broadcast_in_dim3A_991] : memref<128x64xf32, #tpu.memory_space<vmem>>[vector<16xi32>, vector<16xi32>], vector<16xf32>,
        %get3A_993 = arith.constant 13 : i32
        %get3A_994 = arith.index_cast %get3A_993 : i32 to index
        %get3A_995 = arith.constant 0 : index
        %get3A_996 = tpu.vector_load %arg10[%get3A_994, %get3A_995] {strides = array<i32>} : memref<64x16xf32, #tpu.memory_space<vmem>>, vector<16xf32>,
        %get3A_997 = arith.constant 13 : i32
        %get3A_998 = arith.index_cast %get3A_997 : i32 to index
        %get3A_999 = arith.constant 0 : index
        %get3A_1000 = tpu.vector_load %arg11[%get3A_998, %get3A_999] {strides = array<i32>} : memref<64x16xf32, #tpu.memory_space<vmem>>, vector<16xf32>,
        %sub3A_1001 = arith.subf %gather3A_992, %mul3A_754 : vector<16xf32>
        %mul3A_1002 = arith.mulf %sub3A_1001, %mul3A_794 : vector<16xf32>
        %mul3A_1003 = arith.mulf %mul3A_1002, %get3A_996 : vector<16xf32>
        %add3A_1004 = arith.addf %mul3A_1003, %get3A_1000 : vector<16xf32>
        tpu.vector_store_idx %arg14[%add3A_27, %broadcast_in_dim3A_991], %add3A_1004 : memref<128x64xf32, #tpu.memory_space<vmem>>[vector<16xi32>, vector<16xi32>], vector<16xf32>,
        %broadcast_in_dim3A_1005 = arith.constant 14 : i32
        %broadcast_in_dim3A_1006 = vector.broadcast %broadcast_in_dim3A_1005 : i32 to vector<16xi32>
        %gather3A_1007 = tpu.vector_load_idx %arg14[%add3A_27, %broadcast_in_dim3A_1006] : memref<128x64xf32, #tpu.memory_space<vmem>>[vector<16xi32>, vector<16xi32>], vector<16xf32>,
        %get3A_1008 = arith.constant 14 : i32
        %get3A_1009 = arith.index_cast %get3A_1008 : i32 to index
        %get3A_1010 = arith.constant 0 : index
        %get3A_1011 = tpu.vector_load %arg10[%get3A_1009, %get3A_1010] {strides = array<i32>} : memref<64x16xf32, #tpu.memory_space<vmem>>, vector<16xf32>,
        %get3A_1012 = arith.constant 14 : i32
        %get3A_1013 = arith.index_cast %get3A_1012 : i32 to index
        %get3A_1014 = arith.constant 0 : index
        %get3A_1015 = tpu.vector_load %arg11[%get3A_1013, %get3A_1014] {strides = array<i32>} : memref<64x16xf32, #tpu.memory_space<vmem>>, vector<16xf32>,
        %sub3A_1016 = arith.subf %gather3A_1007, %mul3A_754 : vector<16xf32>
        %mul3A_1017 = arith.mulf %sub3A_1016, %mul3A_794 : vector<16xf32>
        %mul3A_1018 = arith.mulf %mul3A_1017, %get3A_1011 : vector<16xf32>
        %add3A_1019 = arith.addf %mul3A_1018, %get3A_1015 : vector<16xf32>
        tpu.vector_store_idx %arg14[%add3A_27, %broadcast_in_dim3A_1006], %add3A_1019 : memref<128x64xf32, #tpu.memory_space<vmem>>[vector<16xi32>, vector<16xi32>], vector<16xf32>,
        %broadcast_in_dim3A_1020 = arith.constant 15 : i32
        %broadcast_in_dim3A_1021 = vector.broadcast %broadcast_in_dim3A_1020 : i32 to vector<16xi32>
        %gather3A_1022 = tpu.vector_load_idx %arg14[%add3A_27, %broadcast_in_dim3A_1021] : memref<128x64xf32, #tpu.memory_space<vmem>>[vector<16xi32>, vector<16xi32>], vector<16xf32>,
        %get3A_1023 = arith.constant 15 : i32
        %get3A_1024 = arith.index_cast %get3A_1023 : i32 to index
        %get3A_1025 = arith.constant 0 : index
        %get3A_1026 = tpu.vector_load %arg10[%get3A_1024, %get3A_1025] {strides = array<i32>} : memref<64x16xf32, #tpu.memory_space<vmem>>, vector<16xf32>,
        %get3A_1027 = arith.constant 15 : i32
        %get3A_1028 = arith.index_cast %get3A_1027 : i32 to index
        %get3A_1029 = arith.constant 0 : index
        %get3A_1030 = tpu.vector_load %arg11[%get3A_1028, %get3A_1029] {strides = array<i32>} : memref<64x16xf32, #tpu.memory_space<vmem>>, vector<16xf32>,
        %sub3A_1031 = arith.subf %gather3A_1022, %mul3A_754 : vector<16xf32>
        %mul3A_1032 = arith.mulf %sub3A_1031, %mul3A_794 : vector<16xf32>
        %mul3A_1033 = arith.mulf %mul3A_1032, %get3A_1026 : vector<16xf32>
        %add3A_1034 = arith.addf %mul3A_1033, %get3A_1030 : vector<16xf32>
        tpu.vector_store_idx %arg14[%add3A_27, %broadcast_in_dim3A_1021], %add3A_1034 : memref<128x64xf32, #tpu.memory_space<vmem>>[vector<16xi32>, vector<16xi32>], vector<16xf32>,
        %broadcast_in_dim3A_1035 = arith.constant 16 : i32
        %broadcast_in_dim3A_1036 = vector.broadcast %broadcast_in_dim3A_1035 : i32 to vector<16xi32>
        %gather3A_1037 = tpu.vector_load_idx %arg14[%add3A_27, %broadcast_in_dim3A_1036] : memref<128x64xf32, #tpu.memory_space<vmem>>[vector<16xi32>, vector<16xi32>], vector<16xf32>,
        %get3A_1038 = arith.constant 16 : i32
        %get3A_1039 = arith.index_cast %get3A_1038 : i32 to index
        %get3A_1040 = arith.constant 0 : index
        %get3A_1041 = tpu.vector_load %arg10[%get3A_1039, %get3A_1040] {strides = array<i32>} : memref<64x16xf32, #tpu.memory_space<vmem>>, vector<16xf32>,
        %get3A_1042 = arith.constant 16 : i32
        %get3A_1043 = arith.index_cast %get3A_1042 : i32 to index
        %get3A_1044 = arith.constant 0 : index
        %get3A_1045 = tpu.vector_load %arg11[%get3A_1043, %get3A_1044] {strides = array<i32>} : memref<64x16xf32, #tpu.memory_space<vmem>>, vector<16xf32>,
        %sub3A_1046 = arith.subf %gather3A_1037, %mul3A_754 : vector<16xf32>
        %mul3A_1047 = arith.mulf %sub3A_1046, %mul3A_794 : vector<16xf32>
        %mul3A_1048 = arith.mulf %mul3A_1047, %get3A_1041 : vector<16xf32>
        %add3A_1049 = arith.addf %mul3A_1048, %get3A_1045 : vector<16xf32>
        tpu.vector_store_idx %arg14[%add3A_27, %broadcast_in_dim3A_1036], %add3A_1049 : memref<128x64xf32, #tpu.memory_space<vmem>>[vector<16xi32>, vector<16xi32>], vector<16xf32>,
        %broadcast_in_dim3A_1050 = arith.constant 17 : i32
        %broadcast_in_dim3A_1051 = vector.broadcast %broadcast_in_dim3A_1050 : i32 to vector<16xi32>
        %gather3A_1052 = tpu.vector_load_idx %arg14[%add3A_27, %broadcast_in_dim3A_1051] : memref<128x64xf32, #tpu.memory_space<vmem>>[vector<16xi32>, vector<16xi32>], vector<16xf32>,
        %get3A_1053 = arith.constant 17 : i32
        %get3A_1054 = arith.index_cast %get3A_1053 : i32 to index
        %get3A_1055 = arith.constant 0 : index
        %get3A_1056 = tpu.vector_load %arg10[%get3A_1054, %get3A_1055] {strides = array<i32>} : memref<64x16xf32, #tpu.memory_space<vmem>>, vector<16xf32>,
        %get3A_1057 = arith.constant 17 : i32
        %get3A_1058 = arith.index_cast %get3A_1057 : i32 to index
        %get3A_1059 = arith.constant 0 : index
        %get3A_1060 = tpu.vector_load %arg11[%get3A_1058, %get3A_1059] {strides = array<i32>} : memref<64x16xf32, #tpu.memory_space<vmem>>, vector<16xf32>,
        %sub3A_1061 = arith.subf %gather3A_1052, %mul3A_754 : vector<16xf32>
        %mul3A_1062 = arith.mulf %sub3A_1061, %mul3A_794 : vector<16xf32>
        %mul3A_1063 = arith.mulf %mul3A_1062, %get3A_1056 : vector<16xf32>
        %add3A_1064 = arith.addf %mul3A_1063, %get3A_1060 : vector<16xf32>
        tpu.vector_store_idx %arg14[%add3A_27, %broadcast_in_dim3A_1051], %add3A_1064 : memref<128x64xf32, #tpu.memory_space<vmem>>[vector<16xi32>, vector<16xi32>], vector<16xf32>,
        %broadcast_in_dim3A_1065 = arith.constant 18 : i32
        %broadcast_in_dim3A_1066 = vector.broadcast %broadcast_in_dim3A_1065 : i32 to vector<16xi32>
        %gather3A_1067 = tpu.vector_load_idx %arg14[%add3A_27, %broadcast_in_dim3A_1066] : memref<128x64xf32, #tpu.memory_space<vmem>>[vector<16xi32>, vector<16xi32>], vector<16xf32>,
        %get3A_1068 = arith.constant 18 : i32
        %get3A_1069 = arith.index_cast %get3A_1068 : i32 to index
        %get3A_1070 = arith.constant 0 : index
        %get3A_1071 = tpu.vector_load %arg10[%get3A_1069, %get3A_1070] {strides = array<i32>} : memref<64x16xf32, #tpu.memory_space<vmem>>, vector<16xf32>,
        %get3A_1072 = arith.constant 18 : i32
        %get3A_1073 = arith.index_cast %get3A_1072 : i32 to index
        %get3A_1074 = arith.constant 0 : index
        %get3A_1075 = tpu.vector_load %arg11[%get3A_1073, %get3A_1074] {strides = array<i32>} : memref<64x16xf32, #tpu.memory_space<vmem>>, vector<16xf32>,
        %sub3A_1076 = arith.subf %gather3A_1067, %mul3A_754 : vector<16xf32>
        %mul3A_1077 = arith.mulf %sub3A_1076, %mul3A_794 : vector<16xf32>
        %mul3A_1078 = arith.mulf %mul3A_1077, %get3A_1071 : vector<16xf32>
        %add3A_1079 = arith.addf %mul3A_1078, %get3A_1075 : vector<16xf32>
        tpu.vector_store_idx %arg14[%add3A_27, %broadcast_in_dim3A_1066], %add3A_1079 : memref<128x64xf32, #tpu.memory_space<vmem>>[vector<16xi32>, vector<16xi32>], vector<16xf32>,
        %broadcast_in_dim3A_1080 = arith.constant 19 : i32
        %broadcast_in_dim3A_1081 = vector.broadcast %broadcast_in_dim3A_1080 : i32 to vector<16xi32>
        %gather3A_1082 = tpu.vector_load_idx %arg14[%add3A_27, %broadcast_in_dim3A_1081] : memref<128x64xf32, #tpu.memory_space<vmem>>[vector<16xi32>, vector<16xi32>], vector<16xf32>,
        %get3A_1083 = arith.constant 19 : i32
        %get3A_1084 = arith.index_cast %get3A_1083 : i32 to index
        %get3A_1085 = arith.constant 0 : index
        %get3A_1086 = tpu.vector_load %arg10[%get3A_1084, %get3A_1085] {strides = array<i32>} : memref<64x16xf32, #tpu.memory_space<vmem>>, vector<16xf32>,
        %get3A_1087 = arith.constant 19 : i32
        %get3A_1088 = arith.index_cast %get3A_1087 : i32 to index
        %get3A_1089 = arith.constant 0 : index
        %get3A_1090 = tpu.vector_load %arg11[%get3A_1088, %get3A_1089] {strides = array<i32>} : memref<64x16xf32, #tpu.memory_space<vmem>>, vector<16xf32>,
        %sub3A_1091 = arith.subf %gather3A_1082, %mul3A_754 : vector<16xf32>
        %mul3A_1092 = arith.mulf %sub3A_1091, %mul3A_794 : vector<16xf32>
        %mul3A_1093 = arith.mulf %mul3A_1092, %get3A_1086 : vector<16xf32>
        %add3A_1094 = arith.addf %mul3A_1093, %get3A_1090 : vector<16xf32>
        tpu.vector_store_idx %arg14[%add3A_27, %broadcast_in_dim3A_1081], %add3A_1094 : memref<128x64xf32, #tpu.memory_space<vmem>>[vector<16xi32>, vector<16xi32>], vector<16xf32>,
        %broadcast_in_dim3A_1095 = arith.constant 20 : i32
        %broadcast_in_dim3A_1096 = vector.broadcast %broadcast_in_dim3A_1095 : i32 to vector<16xi32>
        %gather3A_1097 = tpu.vector_load_idx %arg14[%add3A_27, %broadcast_in_dim3A_1096] : memref<128x64xf32, #tpu.memory_space<vmem>>[vector<16xi32>, vector<16xi32>], vector<16xf32>,
        %get3A_1098 = arith.constant 20 : i32
        %get3A_1099 = arith.index_cast %get3A_1098 : i32 to index
        %get3A_1100 = arith.constant 0 : index
        %get3A_1101 = tpu.vector_load %arg10[%get3A_1099, %get3A_1100] {strides = array<i32>} : memref<64x16xf32, #tpu.memory_space<vmem>>, vector<16xf32>,
        %get3A_1102 = arith.constant 20 : i32
        %get3A_1103 = arith.index_cast %get3A_1102 : i32 to index
        %get3A_1104 = arith.constant 0 : index
        %get3A_1105 = tpu.vector_load %arg11[%get3A_1103, %get3A_1104] {strides = array<i32>} : memref<64x16xf32, #tpu.memory_space<vmem>>, vector<16xf32>,
        %sub3A_1106 = arith.subf %gather3A_1097, %mul3A_754 : vector<16xf32>
        %mul3A_1107 = arith.mulf %sub3A_1106, %mul3A_794 : vector<16xf32>
        %mul3A_1108 = arith.mulf %mul3A_1107, %get3A_1101 : vector<16xf32>
        %add3A_1109 = arith.addf %mul3A_1108, %get3A_1105 : vector<16xf32>
        tpu.vector_store_idx %arg14[%add3A_27, %broadcast_in_dim3A_1096], %add3A_1109 : memref<128x64xf32, #tpu.memory_space<vmem>>[vector<16xi32>, vector<16xi32>], vector<16xf32>,
        %broadcast_in_dim3A_1110 = arith.constant 21 : i32
        %broadcast_in_dim3A_1111 = vector.broadcast %broadcast_in_dim3A_1110 : i32 to vector<16xi32>
        %gather3A_1112 = tpu.vector_load_idx %arg14[%add3A_27, %broadcast_in_dim3A_1111] : memref<128x64xf32, #tpu.memory_space<vmem>>[vector<16xi32>, vector<16xi32>], vector<16xf32>,
        %get3A_1113 = arith.constant 21 : i32
        %get3A_1114 = arith.index_cast %get3A_1113 : i32 to index
        %get3A_1115 = arith.constant 0 : index
        %get3A_1116 = tpu.vector_load %arg10[%get3A_1114, %get3A_1115] {strides = array<i32>} : memref<64x16xf32, #tpu.memory_space<vmem>>, vector<16xf32>,
        %get3A_1117 = arith.constant 21 : i32
        %get3A_1118 = arith.index_cast %get3A_1117 : i32 to index
        %get3A_1119 = arith.constant 0 : index
        %get3A_1120 = tpu.vector_load %arg11[%get3A_1118, %get3A_1119] {strides = array<i32>} : memref<64x16xf32, #tpu.memory_space<vmem>>, vector<16xf32>,
        %sub3A_1121 = arith.subf %gather3A_1112, %mul3A_754 : vector<16xf32>
        %mul3A_1122 = arith.mulf %sub3A_1121, %mul3A_794 : vector<16xf32>
        %mul3A_1123 = arith.mulf %mul3A_1122, %get3A_1116 : vector<16xf32>
        %add3A_1124 = arith.addf %mul3A_1123, %get3A_1120 : vector<16xf32>
        tpu.vector_store_idx %arg14[%add3A_27, %broadcast_in_dim3A_1111], %add3A_1124 : memref<128x64xf32, #tpu.memory_space<vmem>>[vector<16xi32>, vector<16xi32>], vector<16xf32>,
        %broadcast_in_dim3A_1125 = arith.constant 22 : i32
        %broadcast_in_dim3A_1126 = vector.broadcast %broadcast_in_dim3A_1125 : i32 to vector<16xi32>
        %gather3A_1127 = tpu.vector_load_idx %arg14[%add3A_27, %broadcast_in_dim3A_1126] : memref<128x64xf32, #tpu.memory_space<vmem>>[vector<16xi32>, vector<16xi32>], vector<16xf32>,
        %get3A_1128 = arith.constant 22 : i32
        %get3A_1129 = arith.index_cast %get3A_1128 : i32 to index
        %get3A_1130 = arith.constant 0 : index
        %get3A_1131 = tpu.vector_load %arg10[%get3A_1129, %get3A_1130] {strides = array<i32>} : memref<64x16xf32, #tpu.memory_space<vmem>>, vector<16xf32>,
        %get3A_1132 = arith.constant 22 : i32
        %get3A_1133 = arith.index_cast %get3A_1132 : i32 to index
        %get3A_1134 = arith.constant 0 : index
        %get3A_1135 = tpu.vector_load %arg11[%get3A_1133, %get3A_1134] {strides = array<i32>} : memref<64x16xf32, #tpu.memory_space<vmem>>, vector<16xf32>,
        %sub3A_1136 = arith.subf %gather3A_1127, %mul3A_754 : vector<16xf32>
        %mul3A_1137 = arith.mulf %sub3A_1136, %mul3A_794 : vector<16xf32>
        %mul3A_1138 = arith.mulf %mul3A_1137, %get3A_1131 : vector<16xf32>
        %add3A_1139 = arith.addf %mul3A_1138, %get3A_1135 : vector<16xf32>
        tpu.vector_store_idx %arg14[%add3A_27, %broadcast_in_dim3A_1126], %add3A_1139 : memref<128x64xf32, #tpu.memory_space<vmem>>[vector<16xi32>, vector<16xi32>], vector<16xf32>,
        %broadcast_in_dim3A_1140 = arith.constant 23 : i32
        %broadcast_in_dim3A_1141 = vector.broadcast %broadcast_in_dim3A_1140 : i32 to vector<16xi32>
        %gather3A_1142 = tpu.vector_load_idx %arg14[%add3A_27, %broadcast_in_dim3A_1141] : memref<128x64xf32, #tpu.memory_space<vmem>>[vector<16xi32>, vector<16xi32>], vector<16xf32>,
        %get3A_1143 = arith.constant 23 : i32
        %get3A_1144 = arith.index_cast %get3A_1143 : i32 to index
        %get3A_1145 = arith.constant 0 : index
        %get3A_1146 = tpu.vector_load %arg10[%get3A_1144, %get3A_1145] {strides = array<i32>} : memref<64x16xf32, #tpu.memory_space<vmem>>, vector<16xf32>,
        %get3A_1147 = arith.constant 23 : i32
        %get3A_1148 = arith.index_cast %get3A_1147 : i32 to index
        %get3A_1149 = arith.constant 0 : index
        %get3A_1150 = tpu.vector_load %arg11[%get3A_1148, %get3A_1149] {strides = array<i32>} : memref<64x16xf32, #tpu.memory_space<vmem>>, vector<16xf32>,
        %sub3A_1151 = arith.subf %gather3A_1142, %mul3A_754 : vector<16xf32>
        %mul3A_1152 = arith.mulf %sub3A_1151, %mul3A_794 : vector<16xf32>
        %mul3A_1153 = arith.mulf %mul3A_1152, %get3A_1146 : vector<16xf32>
        %add3A_1154 = arith.addf %mul3A_1153, %get3A_1150 : vector<16xf32>
        tpu.vector_store_idx %arg14[%add3A_27, %broadcast_in_dim3A_1141], %add3A_1154 : memref<128x64xf32, #tpu.memory_space<vmem>>[vector<16xi32>, vector<16xi32>], vector<16xf32>,
        %broadcast_in_dim3A_1155 = arith.constant 24 : i32
        %broadcast_in_dim3A_1156 = vector.broadcast %broadcast_in_dim3A_1155 : i32 to vector<16xi32>
        %gather3A_1157 = tpu.vector_load_idx %arg14[%add3A_27, %broadcast_in_dim3A_1156] : memref<128x64xf32, #tpu.memory_space<vmem>>[vector<16xi32>, vector<16xi32>], vector<16xf32>,
        %get3A_1158 = arith.constant 24 : i32
        %get3A_1159 = arith.index_cast %get3A_1158 : i32 to index
        %get3A_1160 = arith.constant 0 : index
        %get3A_1161 = tpu.vector_load %arg10[%get3A_1159, %get3A_1160] {strides = array<i32>} : memref<64x16xf32, #tpu.memory_space<vmem>>, vector<16xf32>,
        %get3A_1162 = arith.constant 24 : i32
        %get3A_1163 = arith.index_cast %get3A_1162 : i32 to index
        %get3A_1164 = arith.constant 0 : index
        %get3A_1165 = tpu.vector_load %arg11[%get3A_1163, %get3A_1164] {strides = array<i32>} : memref<64x16xf32, #tpu.memory_space<vmem>>, vector<16xf32>,
        %sub3A_1166 = arith.subf %gather3A_1157, %mul3A_754 : vector<16xf32>
        %mul3A_1167 = arith.mulf %sub3A_1166, %mul3A_794 : vector<16xf32>
        %mul3A_1168 = arith.mulf %mul3A_1167, %get3A_1161 : vector<16xf32>
        %add3A_1169 = arith.addf %mul3A_1168, %get3A_1165 : vector<16xf32>
        tpu.vector_store_idx %arg14[%add3A_27, %broadcast_in_dim3A_1156], %add3A_1169 : memref<128x64xf32, #tpu.memory_space<vmem>>[vector<16xi32>, vector<16xi32>], vector<16xf32>,
        %broadcast_in_dim3A_1170 = arith.constant 25 : i32
        %broadcast_in_dim3A_1171 = vector.broadcast %broadcast_in_dim3A_1170 : i32 to vector<16xi32>
        %gather3A_1172 = tpu.vector_load_idx %arg14[%add3A_27, %broadcast_in_dim3A_1171] : memref<128x64xf32, #tpu.memory_space<vmem>>[vector<16xi32>, vector<16xi32>], vector<16xf32>,
        %get3A_1173 = arith.constant 25 : i32
        %get3A_1174 = arith.index_cast %get3A_1173 : i32 to index
        %get3A_1175 = arith.constant 0 : index
        %get3A_1176 = tpu.vector_load %arg10[%get3A_1174, %get3A_1175] {strides = array<i32>} : memref<64x16xf32, #tpu.memory_space<vmem>>, vector<16xf32>,
        %get3A_1177 = arith.constant 25 : i32
        %get3A_1178 = arith.index_cast %get3A_1177 : i32 to index
        %get3A_1179 = arith.constant 0 : index
        %get3A_1180 = tpu.vector_load %arg11[%get3A_1178, %get3A_1179] {strides = array<i32>} : memref<64x16xf32, #tpu.memory_space<vmem>>, vector<16xf32>,
        %sub3A_1181 = arith.subf %gather3A_1172, %mul3A_754 : vector<16xf32>
        %mul3A_1182 = arith.mulf %sub3A_1181, %mul3A_794 : vector<16xf32>
        %mul3A_1183 = arith.mulf %mul3A_1182, %get3A_1176 : vector<16xf32>
        %add3A_1184 = arith.addf %mul3A_1183, %get3A_1180 : vector<16xf32>
        tpu.vector_store_idx %arg14[%add3A_27, %broadcast_in_dim3A_1171], %add3A_1184 : memref<128x64xf32, #tpu.memory_space<vmem>>[vector<16xi32>, vector<16xi32>], vector<16xf32>,
        %broadcast_in_dim3A_1185 = arith.constant 26 : i32
        %broadcast_in_dim3A_1186 = vector.broadcast %broadcast_in_dim3A_1185 : i32 to vector<16xi32>
        %gather3A_1187 = tpu.vector_load_idx %arg14[%add3A_27, %broadcast_in_dim3A_1186] : memref<128x64xf32, #tpu.memory_space<vmem>>[vector<16xi32>, vector<16xi32>], vector<16xf32>,
        %get3A_1188 = arith.constant 26 : i32
        %get3A_1189 = arith.index_cast %get3A_1188 : i32 to index
        %get3A_1190 = arith.constant 0 : index
        %get3A_1191 = tpu.vector_load %arg10[%get3A_1189, %get3A_1190] {strides = array<i32>} : memref<64x16xf32, #tpu.memory_space<vmem>>, vector<16xf32>,
        %get3A_1192 = arith.constant 26 : i32
        %get3A_1193 = arith.index_cast %get3A_1192 : i32 to index
        %get3A_1194 = arith.constant 0 : index
        %get3A_1195 = tpu.vector_load %arg11[%get3A_1193, %get3A_1194] {strides = array<i32>} : memref<64x16xf32, #tpu.memory_space<vmem>>, vector<16xf32>,
        %sub3A_1196 = arith.subf %gather3A_1187, %mul3A_754 : vector<16xf32>
        %mul3A_1197 = arith.mulf %sub3A_1196, %mul3A_794 : vector<16xf32>
        %mul3A_1198 = arith.mulf %mul3A_1197, %get3A_1191 : vector<16xf32>
        %add3A_1199 = arith.addf %mul3A_1198, %get3A_1195 : vector<16xf32>
        tpu.vector_store_idx %arg14[%add3A_27, %broadcast_in_dim3A_1186], %add3A_1199 : memref<128x64xf32, #tpu.memory_space<vmem>>[vector<16xi32>, vector<16xi32>], vector<16xf32>,
        %broadcast_in_dim3A_1200 = arith.constant 27 : i32
        %broadcast_in_dim3A_1201 = vector.broadcast %broadcast_in_dim3A_1200 : i32 to vector<16xi32>
        %gather3A_1202 = tpu.vector_load_idx %arg14[%add3A_27, %broadcast_in_dim3A_1201] : memref<128x64xf32, #tpu.memory_space<vmem>>[vector<16xi32>, vector<16xi32>], vector<16xf32>,
        %get3A_1203 = arith.constant 27 : i32
        %get3A_1204 = arith.index_cast %get3A_1203 : i32 to index
        %get3A_1205 = arith.constant 0 : index
        %get3A_1206 = tpu.vector_load %arg10[%get3A_1204, %get3A_1205] {strides = array<i32>} : memref<64x16xf32, #tpu.memory_space<vmem>>, vector<16xf32>,
        %get3A_1207 = arith.constant 27 : i32
        %get3A_1208 = arith.index_cast %get3A_1207 : i32 to index
        %get3A_1209 = arith.constant 0 : index
        %get3A_1210 = tpu.vector_load %arg11[%get3A_1208, %get3A_1209] {strides = array<i32>} : memref<64x16xf32, #tpu.memory_space<vmem>>, vector<16xf32>,
        %sub3A_1211 = arith.subf %gather3A_1202, %mul3A_754 : vector<16xf32>
        %mul3A_1212 = arith.mulf %sub3A_1211, %mul3A_794 : vector<16xf32>
        %mul3A_1213 = arith.mulf %mul3A_1212, %get3A_1206 : vector<16xf32>
        %add3A_1214 = arith.addf %mul3A_1213, %get3A_1210 : vector<16xf32>
        tpu.vector_store_idx %arg14[%add3A_27, %broadcast_in_dim3A_1201], %add3A_1214 : memref<128x64xf32, #tpu.memory_space<vmem>>[vector<16xi32>, vector<16xi32>], vector<16xf32>,
        %broadcast_in_dim3A_1215 = arith.constant 28 : i32
        %broadcast_in_dim3A_1216 = vector.broadcast %broadcast_in_dim3A_1215 : i32 to vector<16xi32>
        %gather3A_1217 = tpu.vector_load_idx %arg14[%add3A_27, %broadcast_in_dim3A_1216] : memref<128x64xf32, #tpu.memory_space<vmem>>[vector<16xi32>, vector<16xi32>], vector<16xf32>,
        %get3A_1218 = arith.constant 28 : i32
        %get3A_1219 = arith.index_cast %get3A_1218 : i32 to index
        %get3A_1220 = arith.constant 0 : index
        %get3A_1221 = tpu.vector_load %arg10[%get3A_1219, %get3A_1220] {strides = array<i32>} : memref<64x16xf32, #tpu.memory_space<vmem>>, vector<16xf32>,
        %get3A_1222 = arith.constant 28 : i32
        %get3A_1223 = arith.index_cast %get3A_1222 : i32 to index
        %get3A_1224 = arith.constant 0 : index
        %get3A_1225 = tpu.vector_load %arg11[%get3A_1223, %get3A_1224] {strides = array<i32>} : memref<64x16xf32, #tpu.memory_space<vmem>>, vector<16xf32>,
        %sub3A_1226 = arith.subf %gather3A_1217, %mul3A_754 : vector<16xf32>
        %mul3A_1227 = arith.mulf %sub3A_1226, %mul3A_794 : vector<16xf32>
        %mul3A_1228 = arith.mulf %mul3A_1227, %get3A_1221 : vector<16xf32>
        %add3A_1229 = arith.addf %mul3A_1228, %get3A_1225 : vector<16xf32>
        tpu.vector_store_idx %arg14[%add3A_27, %broadcast_in_dim3A_1216], %add3A_1229 : memref<128x64xf32, #tpu.memory_space<vmem>>[vector<16xi32>, vector<16xi32>], vector<16xf32>,
        %broadcast_in_dim3A_1230 = arith.constant 29 : i32
        %broadcast_in_dim3A_1231 = vector.broadcast %broadcast_in_dim3A_1230 : i32 to vector<16xi32>
        %gather3A_1232 = tpu.vector_load_idx %arg14[%add3A_27, %broadcast_in_dim3A_1231] : memref<128x64xf32, #tpu.memory_space<vmem>>[vector<16xi32>, vector<16xi32>], vector<16xf32>,
        %get3A_1233 = arith.constant 29 : i32
        %get3A_1234 = arith.index_cast %get3A_1233 : i32 to index
        %get3A_1235 = arith.constant 0 : index
        %get3A_1236 = tpu.vector_load %arg10[%get3A_1234, %get3A_1235] {strides = array<i32>} : memref<64x16xf32, #tpu.memory_space<vmem>>, vector<16xf32>,
        %get3A_1237 = arith.constant 29 : i32
        %get3A_1238 = arith.index_cast %get3A_1237 : i32 to index
        %get3A_1239 = arith.constant 0 : index
        %get3A_1240 = tpu.vector_load %arg11[%get3A_1238, %get3A_1239] {strides = array<i32>} : memref<64x16xf32, #tpu.memory_space<vmem>>, vector<16xf32>,
        %sub3A_1241 = arith.subf %gather3A_1232, %mul3A_754 : vector<16xf32>
        %mul3A_1242 = arith.mulf %sub3A_1241, %mul3A_794 : vector<16xf32>
        %mul3A_1243 = arith.mulf %mul3A_1242, %get3A_1236 : vector<16xf32>
        %add3A_1244 = arith.addf %mul3A_1243, %get3A_1240 : vector<16xf32>
        tpu.vector_store_idx %arg14[%add3A_27, %broadcast_in_dim3A_1231], %add3A_1244 : memref<128x64xf32, #tpu.memory_space<vmem>>[vector<16xi32>, vector<16xi32>], vector<16xf32>,
        %broadcast_in_dim3A_1245 = arith.constant 30 : i32
        %broadcast_in_dim3A_1246 = vector.broadcast %broadcast_in_dim3A_1245 : i32 to vector<16xi32>
        %gather3A_1247 = tpu.vector_load_idx %arg14[%add3A_27, %broadcast_in_dim3A_1246] : memref<128x64xf32, #tpu.memory_space<vmem>>[vector<16xi32>, vector<16xi32>], vector<16xf32>,
        %get3A_1248 = arith.constant 30 : i32
        %get3A_1249 = arith.index_cast %get3A_1248 : i32 to index
        %get3A_1250 = arith.constant 0 : index
        %get3A_1251 = tpu.vector_load %arg10[%get3A_1249, %get3A_1250] {strides = array<i32>} : memref<64x16xf32, #tpu.memory_space<vmem>>, vector<16xf32>,
        %get3A_1252 = arith.constant 30 : i32
        %get3A_1253 = arith.index_cast %get3A_1252 : i32 to index
        %get3A_1254 = arith.constant 0 : index
        %get3A_1255 = tpu.vector_load %arg11[%get3A_1253, %get3A_1254] {strides = array<i32>} : memref<64x16xf32, #tpu.memory_space<vmem>>, vector<16xf32>,
        %sub3A_1256 = arith.subf %gather3A_1247, %mul3A_754 : vector<16xf32>
        %mul3A_1257 = arith.mulf %sub3A_1256, %mul3A_794 : vector<16xf32>
        %mul3A_1258 = arith.mulf %mul3A_1257, %get3A_1251 : vector<16xf32>
        %add3A_1259 = arith.addf %mul3A_1258, %get3A_1255 : vector<16xf32>
        tpu.vector_store_idx %arg14[%add3A_27, %broadcast_in_dim3A_1246], %add3A_1259 : memref<128x64xf32, #tpu.memory_space<vmem>>[vector<16xi32>, vector<16xi32>], vector<16xf32>,
        %broadcast_in_dim3A_1260 = arith.constant 31 : i32
        %broadcast_in_dim3A_1261 = vector.broadcast %broadcast_in_dim3A_1260 : i32 to vector<16xi32>
        %gather3A_1262 = tpu.vector_load_idx %arg14[%add3A_27, %broadcast_in_dim3A_1261] : memref<128x64xf32, #tpu.memory_space<vmem>>[vector<16xi32>, vector<16xi32>], vector<16xf32>,
        %get3A_1263 = arith.constant 31 : i32
        %get3A_1264 = arith.index_cast %get3A_1263 : i32 to index
        %get3A_1265 = arith.constant 0 : index
        %get3A_1266 = tpu.vector_load %arg10[%get3A_1264, %get3A_1265] {strides = array<i32>} : memref<64x16xf32, #tpu.memory_space<vmem>>, vector<16xf32>,
        %get3A_1267 = arith.constant 31 : i32
        %get3A_1268 = arith.index_cast %get3A_1267 : i32 to index
        %get3A_1269 = arith.constant 0 : index
        %get3A_1270 = tpu.vector_load %arg11[%get3A_1268, %get3A_1269] {strides = array<i32>} : memref<64x16xf32, #tpu.memory_space<vmem>>, vector<16xf32>,
        %sub3A_1271 = arith.subf %gather3A_1262, %mul3A_754 : vector<16xf32>
        %mul3A_1272 = arith.mulf %sub3A_1271, %mul3A_794 : vector<16xf32>
        %mul3A_1273 = arith.mulf %mul3A_1272, %get3A_1266 : vector<16xf32>
        %add3A_1274 = arith.addf %mul3A_1273, %get3A_1270 : vector<16xf32>
        tpu.vector_store_idx %arg14[%add3A_27, %broadcast_in_dim3A_1261], %add3A_1274 : memref<128x64xf32, #tpu.memory_space<vmem>>[vector<16xi32>, vector<16xi32>], vector<16xf32>,
        %broadcast_in_dim3A_1275 = arith.constant 32 : i32
        %broadcast_in_dim3A_1276 = vector.broadcast %broadcast_in_dim3A_1275 : i32 to vector<16xi32>
        %gather3A_1277 = tpu.vector_load_idx %arg14[%add3A_27, %broadcast_in_dim3A_1276] : memref<128x64xf32, #tpu.memory_space<vmem>>[vector<16xi32>, vector<16xi32>], vector<16xf32>,
        %get3A_1278 = arith.constant 32 : i32
        %get3A_1279 = arith.index_cast %get3A_1278 : i32 to index
        %get3A_1280 = arith.constant 0 : index
        %get3A_1281 = tpu.vector_load %arg10[%get3A_1279, %get3A_1280] {strides = array<i32>} : memref<64x16xf32, #tpu.memory_space<vmem>>, vector<16xf32>,
        %get3A_1282 = arith.constant 32 : i32
        %get3A_1283 = arith.index_cast %get3A_1282 : i32 to index
        %get3A_1284 = arith.constant 0 : index
        %get3A_1285 = tpu.vector_load %arg11[%get3A_1283, %get3A_1284] {strides = array<i32>} : memref<64x16xf32, #tpu.memory_space<vmem>>, vector<16xf32>,
        %sub3A_1286 = arith.subf %gather3A_1277, %mul3A_754 : vector<16xf32>
        %mul3A_1287 = arith.mulf %sub3A_1286, %mul3A_794 : vector<16xf32>
        %mul3A_1288 = arith.mulf %mul3A_1287, %get3A_1281 : vector<16xf32>
        %add3A_1289 = arith.addf %mul3A_1288, %get3A_1285 : vector<16xf32>
        tpu.vector_store_idx %arg14[%add3A_27, %broadcast_in_dim3A_1276], %add3A_1289 : memref<128x64xf32, #tpu.memory_space<vmem>>[vector<16xi32>, vector<16xi32>], vector<16xf32>,
        %broadcast_in_dim3A_1290 = arith.constant 33 : i32
        %broadcast_in_dim3A_1291 = vector.broadcast %broadcast_in_dim3A_1290 : i32 to vector<16xi32>
        %gather3A_1292 = tpu.vector_load_idx %arg14[%add3A_27, %broadcast_in_dim3A_1291] : memref<128x64xf32, #tpu.memory_space<vmem>>[vector<16xi32>, vector<16xi32>], vector<16xf32>,
        %get3A_1293 = arith.constant 33 : i32
        %get3A_1294 = arith.index_cast %get3A_1293 : i32 to index
        %get3A_1295 = arith.constant 0 : index
        %get3A_1296 = tpu.vector_load %arg10[%get3A_1294, %get3A_1295] {strides = array<i32>} : memref<64x16xf32, #tpu.memory_space<vmem>>, vector<16xf32>,
        %get3A_1297 = arith.constant 33 : i32
        %get3A_1298 = arith.index_cast %get3A_1297 : i32 to index
        %get3A_1299 = arith.constant 0 : index
        %get3A_1300 = tpu.vector_load %arg11[%get3A_1298, %get3A_1299] {strides = array<i32>} : memref<64x16xf32, #tpu.memory_space<vmem>>, vector<16xf32>,
        %sub3A_1301 = arith.subf %gather3A_1292, %mul3A_754 : vector<16xf32>
        %mul3A_1302 = arith.mulf %sub3A_1301, %mul3A_794 : vector<16xf32>
        %mul3A_1303 = arith.mulf %mul3A_1302, %get3A_1296 : vector<16xf32>
        %add3A_1304 = arith.addf %mul3A_1303, %get3A_1300 : vector<16xf32>
        tpu.vector_store_idx %arg14[%add3A_27, %broadcast_in_dim3A_1291], %add3A_1304 : memref<128x64xf32, #tpu.memory_space<vmem>>[vector<16xi32>, vector<16xi32>], vector<16xf32>,
        %broadcast_in_dim3A_1305 = arith.constant 34 : i32
        %broadcast_in_dim3A_1306 = vector.broadcast %broadcast_in_dim3A_1305 : i32 to vector<16xi32>
        %gather3A_1307 = tpu.vector_load_idx %arg14[%add3A_27, %broadcast_in_dim3A_1306] : memref<128x64xf32, #tpu.memory_space<vmem>>[vector<16xi32>, vector<16xi32>], vector<16xf32>,
        %get3A_1308 = arith.constant 34 : i32
        %get3A_1309 = arith.index_cast %get3A_1308 : i32 to index
        %get3A_1310 = arith.constant 0 : index
        %get3A_1311 = tpu.vector_load %arg10[%get3A_1309, %get3A_1310] {strides = array<i32>} : memref<64x16xf32, #tpu.memory_space<vmem>>, vector<16xf32>,
        %get3A_1312 = arith.constant 34 : i32
        %get3A_1313 = arith.index_cast %get3A_1312 : i32 to index
        %get3A_1314 = arith.constant 0 : index
        %get3A_1315 = tpu.vector_load %arg11[%get3A_1313, %get3A_1314] {strides = array<i32>} : memref<64x16xf32, #tpu.memory_space<vmem>>, vector<16xf32>,
        %sub3A_1316 = arith.subf %gather3A_1307, %mul3A_754 : vector<16xf32>
        %mul3A_1317 = arith.mulf %sub3A_1316, %mul3A_794 : vector<16xf32>
        %mul3A_1318 = arith.mulf %mul3A_1317, %get3A_1311 : vector<16xf32>
        %add3A_1319 = arith.addf %mul3A_1318, %get3A_1315 : vector<16xf32>
        tpu.vector_store_idx %arg14[%add3A_27, %broadcast_in_dim3A_1306], %add3A_1319 : memref<128x64xf32, #tpu.memory_space<vmem>>[vector<16xi32>, vector<16xi32>], vector<16xf32>,
        %broadcast_in_dim3A_1320 = arith.constant 35 : i32
        %broadcast_in_dim3A_1321 = vector.broadcast %broadcast_in_dim3A_1320 : i32 to vector<16xi32>
        %gather3A_1322 = tpu.vector_load_idx %arg14[%add3A_27, %broadcast_in_dim3A_1321] : memref<128x64xf32, #tpu.memory_space<vmem>>[vector<16xi32>, vector<16xi32>], vector<16xf32>,
        %get3A_1323 = arith.constant 35 : i32
        %get3A_1324 = arith.index_cast %get3A_1323 : i32 to index
        %get3A_1325 = arith.constant 0 : index
        %get3A_1326 = tpu.vector_load %arg10[%get3A_1324, %get3A_1325] {strides = array<i32>} : memref<64x16xf32, #tpu.memory_space<vmem>>, vector<16xf32>,
        %get3A_1327 = arith.constant 35 : i32
        %get3A_1328 = arith.index_cast %get3A_1327 : i32 to index
        %get3A_1329 = arith.constant 0 : index
        %get3A_1330 = tpu.vector_load %arg11[%get3A_1328, %get3A_1329] {strides = array<i32>} : memref<64x16xf32, #tpu.memory_space<vmem>>, vector<16xf32>,
        %sub3A_1331 = arith.subf %gather3A_1322, %mul3A_754 : vector<16xf32>
        %mul3A_1332 = arith.mulf %sub3A_1331, %mul3A_794 : vector<16xf32>
        %mul3A_1333 = arith.mulf %mul3A_1332, %get3A_1326 : vector<16xf32>
        %add3A_1334 = arith.addf %mul3A_1333, %get3A_1330 : vector<16xf32>
        tpu.vector_store_idx %arg14[%add3A_27, %broadcast_in_dim3A_1321], %add3A_1334 : memref<128x64xf32, #tpu.memory_space<vmem>>[vector<16xi32>, vector<16xi32>], vector<16xf32>,
        %broadcast_in_dim3A_1335 = arith.constant 36 : i32
        %broadcast_in_dim3A_1336 = vector.broadcast %broadcast_in_dim3A_1335 : i32 to vector<16xi32>
        %gather3A_1337 = tpu.vector_load_idx %arg14[%add3A_27, %broadcast_in_dim3A_1336] : memref<128x64xf32, #tpu.memory_space<vmem>>[vector<16xi32>, vector<16xi32>], vector<16xf32>,
        %get3A_1338 = arith.constant 36 : i32
        %get3A_1339 = arith.index_cast %get3A_1338 : i32 to index
        %get3A_1340 = arith.constant 0 : index
        %get3A_1341 = tpu.vector_load %arg10[%get3A_1339, %get3A_1340] {strides = array<i32>} : memref<64x16xf32, #tpu.memory_space<vmem>>, vector<16xf32>,
        %get3A_1342 = arith.constant 36 : i32
        %get3A_1343 = arith.index_cast %get3A_1342 : i32 to index
        %get3A_1344 = arith.constant 0 : index
        %get3A_1345 = tpu.vector_load %arg11[%get3A_1343, %get3A_1344] {strides = array<i32>} : memref<64x16xf32, #tpu.memory_space<vmem>>, vector<16xf32>,
        %sub3A_1346 = arith.subf %gather3A_1337, %mul3A_754 : vector<16xf32>
        %mul3A_1347 = arith.mulf %sub3A_1346, %mul3A_794 : vector<16xf32>
        %mul3A_1348 = arith.mulf %mul3A_1347, %get3A_1341 : vector<16xf32>
        %add3A_1349 = arith.addf %mul3A_1348, %get3A_1345 : vector<16xf32>
        tpu.vector_store_idx %arg14[%add3A_27, %broadcast_in_dim3A_1336], %add3A_1349 : memref<128x64xf32, #tpu.memory_space<vmem>>[vector<16xi32>, vector<16xi32>], vector<16xf32>,
        %broadcast_in_dim3A_1350 = arith.constant 37 : i32
        %broadcast_in_dim3A_1351 = vector.broadcast %broadcast_in_dim3A_1350 : i32 to vector<16xi32>
        %gather3A_1352 = tpu.vector_load_idx %arg14[%add3A_27, %broadcast_in_dim3A_1351] : memref<128x64xf32, #tpu.memory_space<vmem>>[vector<16xi32>, vector<16xi32>], vector<16xf32>,
        %get3A_1353 = arith.constant 37 : i32
        %get3A_1354 = arith.index_cast %get3A_1353 : i32 to index
        %get3A_1355 = arith.constant 0 : index
        %get3A_1356 = tpu.vector_load %arg10[%get3A_1354, %get3A_1355] {strides = array<i32>} : memref<64x16xf32, #tpu.memory_space<vmem>>, vector<16xf32>,
        %get3A_1357 = arith.constant 37 : i32
        %get3A_1358 = arith.index_cast %get3A_1357 : i32 to index
        %get3A_1359 = arith.constant 0 : index
        %get3A_1360 = tpu.vector_load %arg11[%get3A_1358, %get3A_1359] {strides = array<i32>} : memref<64x16xf32, #tpu.memory_space<vmem>>, vector<16xf32>,
        %sub3A_1361 = arith.subf %gather3A_1352, %mul3A_754 : vector<16xf32>
        %mul3A_1362 = arith.mulf %sub3A_1361, %mul3A_794 : vector<16xf32>
        %mul3A_1363 = arith.mulf %mul3A_1362, %get3A_1356 : vector<16xf32>
        %add3A_1364 = arith.addf %mul3A_1363, %get3A_1360 : vector<16xf32>
        tpu.vector_store_idx %arg14[%add3A_27, %broadcast_in_dim3A_1351], %add3A_1364 : memref<128x64xf32, #tpu.memory_space<vmem>>[vector<16xi32>, vector<16xi32>], vector<16xf32>,
        %broadcast_in_dim3A_1365 = arith.constant 38 : i32
        %broadcast_in_dim3A_1366 = vector.broadcast %broadcast_in_dim3A_1365 : i32 to vector<16xi32>
        %gather3A_1367 = tpu.vector_load_idx %arg14[%add3A_27, %broadcast_in_dim3A_1366] : memref<128x64xf32, #tpu.memory_space<vmem>>[vector<16xi32>, vector<16xi32>], vector<16xf32>,
        %get3A_1368 = arith.constant 38 : i32
        %get3A_1369 = arith.index_cast %get3A_1368 : i32 to index
        %get3A_1370 = arith.constant 0 : index
        %get3A_1371 = tpu.vector_load %arg10[%get3A_1369, %get3A_1370] {strides = array<i32>} : memref<64x16xf32, #tpu.memory_space<vmem>>, vector<16xf32>,
        %get3A_1372 = arith.constant 38 : i32
        %get3A_1373 = arith.index_cast %get3A_1372 : i32 to index
        %get3A_1374 = arith.constant 0 : index
        %get3A_1375 = tpu.vector_load %arg11[%get3A_1373, %get3A_1374] {strides = array<i32>} : memref<64x16xf32, #tpu.memory_space<vmem>>, vector<16xf32>,
        %sub3A_1376 = arith.subf %gather3A_1367, %mul3A_754 : vector<16xf32>
        %mul3A_1377 = arith.mulf %sub3A_1376, %mul3A_794 : vector<16xf32>
        %mul3A_1378 = arith.mulf %mul3A_1377, %get3A_1371 : vector<16xf32>
        %add3A_1379 = arith.addf %mul3A_1378, %get3A_1375 : vector<16xf32>
        tpu.vector_store_idx %arg14[%add3A_27, %broadcast_in_dim3A_1366], %add3A_1379 : memref<128x64xf32, #tpu.memory_space<vmem>>[vector<16xi32>, vector<16xi32>], vector<16xf32>,
        %broadcast_in_dim3A_1380 = arith.constant 39 : i32
        %broadcast_in_dim3A_1381 = vector.broadcast %broadcast_in_dim3A_1380 : i32 to vector<16xi32>
        %gather3A_1382 = tpu.vector_load_idx %arg14[%add3A_27, %broadcast_in_dim3A_1381] : memref<128x64xf32, #tpu.memory_space<vmem>>[vector<16xi32>, vector<16xi32>], vector<16xf32>,
        %get3A_1383 = arith.constant 39 : i32
        %get3A_1384 = arith.index_cast %get3A_1383 : i32 to index
        %get3A_1385 = arith.constant 0 : index
        %get3A_1386 = tpu.vector_load %arg10[%get3A_1384, %get3A_1385] {strides = array<i32>} : memref<64x16xf32, #tpu.memory_space<vmem>>, vector<16xf32>,
        %get3A_1387 = arith.constant 39 : i32
        %get3A_1388 = arith.index_cast %get3A_1387 : i32 to index
        %get3A_1389 = arith.constant 0 : index
        %get3A_1390 = tpu.vector_load %arg11[%get3A_1388, %get3A_1389] {strides = array<i32>} : memref<64x16xf32, #tpu.memory_space<vmem>>, vector<16xf32>,
        %sub3A_1391 = arith.subf %gather3A_1382, %mul3A_754 : vector<16xf32>
        %mul3A_1392 = arith.mulf %sub3A_1391, %mul3A_794 : vector<16xf32>
        %mul3A_1393 = arith.mulf %mul3A_1392, %get3A_1386 : vector<16xf32>
        %add3A_1394 = arith.addf %mul3A_1393, %get3A_1390 : vector<16xf32>
        tpu.vector_store_idx %arg14[%add3A_27, %broadcast_in_dim3A_1381], %add3A_1394 : memref<128x64xf32, #tpu.memory_space<vmem>>[vector<16xi32>, vector<16xi32>], vector<16xf32>,
        %broadcast_in_dim3A_1395 = arith.constant 40 : i32
        %broadcast_in_dim3A_1396 = vector.broadcast %broadcast_in_dim3A_1395 : i32 to vector<16xi32>
        %gather3A_1397 = tpu.vector_load_idx %arg14[%add3A_27, %broadcast_in_dim3A_1396] : memref<128x64xf32, #tpu.memory_space<vmem>>[vector<16xi32>, vector<16xi32>], vector<16xf32>,
        %get3A_1398 = arith.constant 40 : i32
        %get3A_1399 = arith.index_cast %get3A_1398 : i32 to index
        %get3A_1400 = arith.constant 0 : index
        %get3A_1401 = tpu.vector_load %arg10[%get3A_1399, %get3A_1400] {strides = array<i32>} : memref<64x16xf32, #tpu.memory_space<vmem>>, vector<16xf32>,
        %get3A_1402 = arith.constant 40 : i32
        %get3A_1403 = arith.index_cast %get3A_1402 : i32 to index
        %get3A_1404 = arith.constant 0 : index
        %get3A_1405 = tpu.vector_load %arg11[%get3A_1403, %get3A_1404] {strides = array<i32>} : memref<64x16xf32, #tpu.memory_space<vmem>>, vector<16xf32>,
        %sub3A_1406 = arith.subf %gather3A_1397, %mul3A_754 : vector<16xf32>
        %mul3A_1407 = arith.mulf %sub3A_1406, %mul3A_794 : vector<16xf32>
        %mul3A_1408 = arith.mulf %mul3A_1407, %get3A_1401 : vector<16xf32>
        %add3A_1409 = arith.addf %mul3A_1408, %get3A_1405 : vector<16xf32>
        tpu.vector_store_idx %arg14[%add3A_27, %broadcast_in_dim3A_1396], %add3A_1409 : memref<128x64xf32, #tpu.memory_space<vmem>>[vector<16xi32>, vector<16xi32>], vector<16xf32>,
        %broadcast_in_dim3A_1410 = arith.constant 41 : i32
        %broadcast_in_dim3A_1411 = vector.broadcast %broadcast_in_dim3A_1410 : i32 to vector<16xi32>
        %gather3A_1412 = tpu.vector_load_idx %arg14[%add3A_27, %broadcast_in_dim3A_1411] : memref<128x64xf32, #tpu.memory_space<vmem>>[vector<16xi32>, vector<16xi32>], vector<16xf32>,
        %get3A_1413 = arith.constant 41 : i32
        %get3A_1414 = arith.index_cast %get3A_1413 : i32 to index
        %get3A_1415 = arith.constant 0 : index
        %get3A_1416 = tpu.vector_load %arg10[%get3A_1414, %get3A_1415] {strides = array<i32>} : memref<64x16xf32, #tpu.memory_space<vmem>>, vector<16xf32>,
        %get3A_1417 = arith.constant 41 : i32
        %get3A_1418 = arith.index_cast %get3A_1417 : i32 to index
        %get3A_1419 = arith.constant 0 : index
        %get3A_1420 = tpu.vector_load %arg11[%get3A_1418, %get3A_1419] {strides = array<i32>} : memref<64x16xf32, #tpu.memory_space<vmem>>, vector<16xf32>,
        %sub3A_1421 = arith.subf %gather3A_1412, %mul3A_754 : vector<16xf32>
        %mul3A_1422 = arith.mulf %sub3A_1421, %mul3A_794 : vector<16xf32>
        %mul3A_1423 = arith.mulf %mul3A_1422, %get3A_1416 : vector<16xf32>
        %add3A_1424 = arith.addf %mul3A_1423, %get3A_1420 : vector<16xf32>
        tpu.vector_store_idx %arg14[%add3A_27, %broadcast_in_dim3A_1411], %add3A_1424 : memref<128x64xf32, #tpu.memory_space<vmem>>[vector<16xi32>, vector<16xi32>], vector<16xf32>,
        %broadcast_in_dim3A_1425 = arith.constant 42 : i32
        %broadcast_in_dim3A_1426 = vector.broadcast %broadcast_in_dim3A_1425 : i32 to vector<16xi32>
        %gather3A_1427 = tpu.vector_load_idx %arg14[%add3A_27, %broadcast_in_dim3A_1426] : memref<128x64xf32, #tpu.memory_space<vmem>>[vector<16xi32>, vector<16xi32>], vector<16xf32>,
        %get3A_1428 = arith.constant 42 : i32
        %get3A_1429 = arith.index_cast %get3A_1428 : i32 to index
        %get3A_1430 = arith.constant 0 : index
        %get3A_1431 = tpu.vector_load %arg10[%get3A_1429, %get3A_1430] {strides = array<i32>} : memref<64x16xf32, #tpu.memory_space<vmem>>, vector<16xf32>,
        %get3A_1432 = arith.constant 42 : i32
        %get3A_1433 = arith.index_cast %get3A_1432 : i32 to index
        %get3A_1434 = arith.constant 0 : index
        %get3A_1435 = tpu.vector_load %arg11[%get3A_1433, %get3A_1434] {strides = array<i32>} : memref<64x16xf32, #tpu.memory_space<vmem>>, vector<16xf32>,
        %sub3A_1436 = arith.subf %gather3A_1427, %mul3A_754 : vector<16xf32>
        %mul3A_1437 = arith.mulf %sub3A_1436, %mul3A_794 : vector<16xf32>
        %mul3A_1438 = arith.mulf %mul3A_1437, %get3A_1431 : vector<16xf32>
        %add3A_1439 = arith.addf %mul3A_1438, %get3A_1435 : vector<16xf32>
        tpu.vector_store_idx %arg14[%add3A_27, %broadcast_in_dim3A_1426], %add3A_1439 : memref<128x64xf32, #tpu.memory_space<vmem>>[vector<16xi32>, vector<16xi32>], vector<16xf32>,
        %broadcast_in_dim3A_1440 = arith.constant 43 : i32
        %broadcast_in_dim3A_1441 = vector.broadcast %broadcast_in_dim3A_1440 : i32 to vector<16xi32>
        %gather3A_1442 = tpu.vector_load_idx %arg14[%add3A_27, %broadcast_in_dim3A_1441] : memref<128x64xf32, #tpu.memory_space<vmem>>[vector<16xi32>, vector<16xi32>], vector<16xf32>,
        %get3A_1443 = arith.constant 43 : i32
        %get3A_1444 = arith.index_cast %get3A_1443 : i32 to index
        %get3A_1445 = arith.constant 0 : index
        %get3A_1446 = tpu.vector_load %arg10[%get3A_1444, %get3A_1445] {strides = array<i32>} : memref<64x16xf32, #tpu.memory_space<vmem>>, vector<16xf32>,
        %get3A_1447 = arith.constant 43 : i32
        %get3A_1448 = arith.index_cast %get3A_1447 : i32 to index
        %get3A_1449 = arith.constant 0 : index
        %get3A_1450 = tpu.vector_load %arg11[%get3A_1448, %get3A_1449] {strides = array<i32>} : memref<64x16xf32, #tpu.memory_space<vmem>>, vector<16xf32>,
        %sub3A_1451 = arith.subf %gather3A_1442, %mul3A_754 : vector<16xf32>
        %mul3A_1452 = arith.mulf %sub3A_1451, %mul3A_794 : vector<16xf32>
        %mul3A_1453 = arith.mulf %mul3A_1452, %get3A_1446 : vector<16xf32>
        %add3A_1454 = arith.addf %mul3A_1453, %get3A_1450 : vector<16xf32>
        tpu.vector_store_idx %arg14[%add3A_27, %broadcast_in_dim3A_1441], %add3A_1454 : memref<128x64xf32, #tpu.memory_space<vmem>>[vector<16xi32>, vector<16xi32>], vector<16xf32>,
        %broadcast_in_dim3A_1455 = arith.constant 44 : i32
        %broadcast_in_dim3A_1456 = vector.broadcast %broadcast_in_dim3A_1455 : i32 to vector<16xi32>
        %gather3A_1457 = tpu.vector_load_idx %arg14[%add3A_27, %broadcast_in_dim3A_1456] : memref<128x64xf32, #tpu.memory_space<vmem>>[vector<16xi32>, vector<16xi32>], vector<16xf32>,
        %get3A_1458 = arith.constant 44 : i32
        %get3A_1459 = arith.index_cast %get3A_1458 : i32 to index
        %get3A_1460 = arith.constant 0 : index
        %get3A_1461 = tpu.vector_load %arg10[%get3A_1459, %get3A_1460] {strides = array<i32>} : memref<64x16xf32, #tpu.memory_space<vmem>>, vector<16xf32>,
        %get3A_1462 = arith.constant 44 : i32
        %get3A_1463 = arith.index_cast %get3A_1462 : i32 to index
        %get3A_1464 = arith.constant 0 : index
        %get3A_1465 = tpu.vector_load %arg11[%get3A_1463, %get3A_1464] {strides = array<i32>} : memref<64x16xf32, #tpu.memory_space<vmem>>, vector<16xf32>,
        %sub3A_1466 = arith.subf %gather3A_1457, %mul3A_754 : vector<16xf32>
        %mul3A_1467 = arith.mulf %sub3A_1466, %mul3A_794 : vector<16xf32>
        %mul3A_1468 = arith.mulf %mul3A_1467, %get3A_1461 : vector<16xf32>
        %add3A_1469 = arith.addf %mul3A_1468, %get3A_1465 : vector<16xf32>
        tpu.vector_store_idx %arg14[%add3A_27, %broadcast_in_dim3A_1456], %add3A_1469 : memref<128x64xf32, #tpu.memory_space<vmem>>[vector<16xi32>, vector<16xi32>], vector<16xf32>,
        %broadcast_in_dim3A_1470 = arith.constant 45 : i32
        %broadcast_in_dim3A_1471 = vector.broadcast %broadcast_in_dim3A_1470 : i32 to vector<16xi32>
        %gather3A_1472 = tpu.vector_load_idx %arg14[%add3A_27, %broadcast_in_dim3A_1471] : memref<128x64xf32, #tpu.memory_space<vmem>>[vector<16xi32>, vector<16xi32>], vector<16xf32>,
        %get3A_1473 = arith.constant 45 : i32
        %get3A_1474 = arith.index_cast %get3A_1473 : i32 to index
        %get3A_1475 = arith.constant 0 : index
        %get3A_1476 = tpu.vector_load %arg10[%get3A_1474, %get3A_1475] {strides = array<i32>} : memref<64x16xf32, #tpu.memory_space<vmem>>, vector<16xf32>,
        %get3A_1477 = arith.constant 45 : i32
        %get3A_1478 = arith.index_cast %get3A_1477 : i32 to index
        %get3A_1479 = arith.constant 0 : index
        %get3A_1480 = tpu.vector_load %arg11[%get3A_1478, %get3A_1479] {strides = array<i32>} : memref<64x16xf32, #tpu.memory_space<vmem>>, vector<16xf32>,
        %sub3A_1481 = arith.subf %gather3A_1472, %mul3A_754 : vector<16xf32>
        %mul3A_1482 = arith.mulf %sub3A_1481, %mul3A_794 : vector<16xf32>
        %mul3A_1483 = arith.mulf %mul3A_1482, %get3A_1476 : vector<16xf32>
        %add3A_1484 = arith.addf %mul3A_1483, %get3A_1480 : vector<16xf32>
        tpu.vector_store_idx %arg14[%add3A_27, %broadcast_in_dim3A_1471], %add3A_1484 : memref<128x64xf32, #tpu.memory_space<vmem>>[vector<16xi32>, vector<16xi32>], vector<16xf32>,
        %broadcast_in_dim3A_1485 = arith.constant 46 : i32
        %broadcast_in_dim3A_1486 = vector.broadcast %broadcast_in_dim3A_1485 : i32 to vector<16xi32>
        %gather3A_1487 = tpu.vector_load_idx %arg14[%add3A_27, %broadcast_in_dim3A_1486] : memref<128x64xf32, #tpu.memory_space<vmem>>[vector<16xi32>, vector<16xi32>], vector<16xf32>,
        %get3A_1488 = arith.constant 46 : i32
        %get3A_1489 = arith.index_cast %get3A_1488 : i32 to index
        %get3A_1490 = arith.constant 0 : index
        %get3A_1491 = tpu.vector_load %arg10[%get3A_1489, %get3A_1490] {strides = array<i32>} : memref<64x16xf32, #tpu.memory_space<vmem>>, vector<16xf32>,
        %get3A_1492 = arith.constant 46 : i32
        %get3A_1493 = arith.index_cast %get3A_1492 : i32 to index
        %get3A_1494 = arith.constant 0 : index
        %get3A_1495 = tpu.vector_load %arg11[%get3A_1493, %get3A_1494] {strides = array<i32>} : memref<64x16xf32, #tpu.memory_space<vmem>>, vector<16xf32>,
        %sub3A_1496 = arith.subf %gather3A_1487, %mul3A_754 : vector<16xf32>
        %mul3A_1497 = arith.mulf %sub3A_1496, %mul3A_794 : vector<16xf32>
        %mul3A_1498 = arith.mulf %mul3A_1497, %get3A_1491 : vector<16xf32>
        %add3A_1499 = arith.addf %mul3A_1498, %get3A_1495 : vector<16xf32>
        tpu.vector_store_idx %arg14[%add3A_27, %broadcast_in_dim3A_1486], %add3A_1499 : memref<128x64xf32, #tpu.memory_space<vmem>>[vector<16xi32>, vector<16xi32>], vector<16xf32>,
        %broadcast_in_dim3A_1500 = arith.constant 47 : i32
        %broadcast_in_dim3A_1501 = vector.broadcast %broadcast_in_dim3A_1500 : i32 to vector<16xi32>
        %gather3A_1502 = tpu.vector_load_idx %arg14[%add3A_27, %broadcast_in_dim3A_1501] : memref<128x64xf32, #tpu.memory_space<vmem>>[vector<16xi32>, vector<16xi32>], vector<16xf32>,
        %get3A_1503 = arith.constant 47 : i32
        %get3A_1504 = arith.index_cast %get3A_1503 : i32 to index
        %get3A_1505 = arith.constant 0 : index
        %get3A_1506 = tpu.vector_load %arg10[%get3A_1504, %get3A_1505] {strides = array<i32>} : memref<64x16xf32, #tpu.memory_space<vmem>>, vector<16xf32>,
        %get3A_1507 = arith.constant 47 : i32
        %get3A_1508 = arith.index_cast %get3A_1507 : i32 to index
        %get3A_1509 = arith.constant 0 : index
        %get3A_1510 = tpu.vector_load %arg11[%get3A_1508, %get3A_1509] {strides = array<i32>} : memref<64x16xf32, #tpu.memory_space<vmem>>, vector<16xf32>,
        %sub3A_1511 = arith.subf %gather3A_1502, %mul3A_754 : vector<16xf32>
        %mul3A_1512 = arith.mulf %sub3A_1511, %mul3A_794 : vector<16xf32>
        %mul3A_1513 = arith.mulf %mul3A_1512, %get3A_1506 : vector<16xf32>
        %add3A_1514 = arith.addf %mul3A_1513, %get3A_1510 : vector<16xf32>
        tpu.vector_store_idx %arg14[%add3A_27, %broadcast_in_dim3A_1501], %add3A_1514 : memref<128x64xf32, #tpu.memory_space<vmem>>[vector<16xi32>, vector<16xi32>], vector<16xf32>,
        %broadcast_in_dim3A_1515 = arith.constant 48 : i32
        %broadcast_in_dim3A_1516 = vector.broadcast %broadcast_in_dim3A_1515 : i32 to vector<16xi32>
        %gather3A_1517 = tpu.vector_load_idx %arg14[%add3A_27, %broadcast_in_dim3A_1516] : memref<128x64xf32, #tpu.memory_space<vmem>>[vector<16xi32>, vector<16xi32>], vector<16xf32>,
        %get3A_1518 = arith.constant 48 : i32
        %get3A_1519 = arith.index_cast %get3A_1518 : i32 to index
        %get3A_1520 = arith.constant 0 : index
        %get3A_1521 = tpu.vector_load %arg10[%get3A_1519, %get3A_1520] {strides = array<i32>} : memref<64x16xf32, #tpu.memory_space<vmem>>, vector<16xf32>,
        %get3A_1522 = arith.constant 48 : i32
        %get3A_1523 = arith.index_cast %get3A_1522 : i32 to index
        %get3A_1524 = arith.constant 0 : index
        %get3A_1525 = tpu.vector_load %arg11[%get3A_1523, %get3A_1524] {strides = array<i32>} : memref<64x16xf32, #tpu.memory_space<vmem>>, vector<16xf32>,
        %sub3A_1526 = arith.subf %gather3A_1517, %mul3A_754 : vector<16xf32>
        %mul3A_1527 = arith.mulf %sub3A_1526, %mul3A_794 : vector<16xf32>
        %mul3A_1528 = arith.mulf %mul3A_1527, %get3A_1521 : vector<16xf32>
        %add3A_1529 = arith.addf %mul3A_1528, %get3A_1525 : vector<16xf32>
        tpu.vector_store_idx %arg14[%add3A_27, %broadcast_in_dim3A_1516], %add3A_1529 : memref<128x64xf32, #tpu.memory_space<vmem>>[vector<16xi32>, vector<16xi32>], vector<16xf32>,
        %broadcast_in_dim3A_1530 = arith.constant 49 : i32
        %broadcast_in_dim3A_1531 = vector.broadcast %broadcast_in_dim3A_1530 : i32 to vector<16xi32>
        %gather3A_1532 = tpu.vector_load_idx %arg14[%add3A_27, %broadcast_in_dim3A_1531] : memref<128x64xf32, #tpu.memory_space<vmem>>[vector<16xi32>, vector<16xi32>], vector<16xf32>,
        %get3A_1533 = arith.constant 49 : i32
        %get3A_1534 = arith.index_cast %get3A_1533 : i32 to index
        %get3A_1535 = arith.constant 0 : index
        %get3A_1536 = tpu.vector_load %arg10[%get3A_1534, %get3A_1535] {strides = array<i32>} : memref<64x16xf32, #tpu.memory_space<vmem>>, vector<16xf32>,
        %get3A_1537 = arith.constant 49 : i32
        %get3A_1538 = arith.index_cast %get3A_1537 : i32 to index
        %get3A_1539 = arith.constant 0 : index
        %get3A_1540 = tpu.vector_load %arg11[%get3A_1538, %get3A_1539] {strides = array<i32>} : memref<64x16xf32, #tpu.memory_space<vmem>>, vector<16xf32>,
        %sub3A_1541 = arith.subf %gather3A_1532, %mul3A_754 : vector<16xf32>
        %mul3A_1542 = arith.mulf %sub3A_1541, %mul3A_794 : vector<16xf32>
        %mul3A_1543 = arith.mulf %mul3A_1542, %get3A_1536 : vector<16xf32>
        %add3A_1544 = arith.addf %mul3A_1543, %get3A_1540 : vector<16xf32>
        tpu.vector_store_idx %arg14[%add3A_27, %broadcast_in_dim3A_1531], %add3A_1544 : memref<128x64xf32, #tpu.memory_space<vmem>>[vector<16xi32>, vector<16xi32>], vector<16xf32>,
        %broadcast_in_dim3A_1545 = arith.constant 50 : i32
        %broadcast_in_dim3A_1546 = vector.broadcast %broadcast_in_dim3A_1545 : i32 to vector<16xi32>
        %gather3A_1547 = tpu.vector_load_idx %arg14[%add3A_27, %broadcast_in_dim3A_1546] : memref<128x64xf32, #tpu.memory_space<vmem>>[vector<16xi32>, vector<16xi32>], vector<16xf32>,
        %get3A_1548 = arith.constant 50 : i32
        %get3A_1549 = arith.index_cast %get3A_1548 : i32 to index
        %get3A_1550 = arith.constant 0 : index
        %get3A_1551 = tpu.vector_load %arg10[%get3A_1549, %get3A_1550] {strides = array<i32>} : memref<64x16xf32, #tpu.memory_space<vmem>>, vector<16xf32>,
        %get3A_1552 = arith.constant 50 : i32
        %get3A_1553 = arith.index_cast %get3A_1552 : i32 to index
        %get3A_1554 = arith.constant 0 : index
        %get3A_1555 = tpu.vector_load %arg11[%get3A_1553, %get3A_1554] {strides = array<i32>} : memref<64x16xf32, #tpu.memory_space<vmem>>, vector<16xf32>,
        %sub3A_1556 = arith.subf %gather3A_1547, %mul3A_754 : vector<16xf32>
        %mul3A_1557 = arith.mulf %sub3A_1556, %mul3A_794 : vector<16xf32>
        %mul3A_1558 = arith.mulf %mul3A_1557, %get3A_1551 : vector<16xf32>
        %add3A_1559 = arith.addf %mul3A_1558, %get3A_1555 : vector<16xf32>
        tpu.vector_store_idx %arg14[%add3A_27, %broadcast_in_dim3A_1546], %add3A_1559 : memref<128x64xf32, #tpu.memory_space<vmem>>[vector<16xi32>, vector<16xi32>], vector<16xf32>,
        %broadcast_in_dim3A_1560 = arith.constant 51 : i32
        %broadcast_in_dim3A_1561 = vector.broadcast %broadcast_in_dim3A_1560 : i32 to vector<16xi32>
        %gather3A_1562 = tpu.vector_load_idx %arg14[%add3A_27, %broadcast_in_dim3A_1561] : memref<128x64xf32, #tpu.memory_space<vmem>>[vector<16xi32>, vector<16xi32>], vector<16xf32>,
        %get3A_1563 = arith.constant 51 : i32
        %get3A_1564 = arith.index_cast %get3A_1563 : i32 to index
        %get3A_1565 = arith.constant 0 : index
        %get3A_1566 = tpu.vector_load %arg10[%get3A_1564, %get3A_1565] {strides = array<i32>} : memref<64x16xf32, #tpu.memory_space<vmem>>, vector<16xf32>,
        %get3A_1567 = arith.constant 51 : i32
        %get3A_1568 = arith.index_cast %get3A_1567 : i32 to index
        %get3A_1569 = arith.constant 0 : index
        %get3A_1570 = tpu.vector_load %arg11[%get3A_1568, %get3A_1569] {strides = array<i32>} : memref<64x16xf32, #tpu.memory_space<vmem>>, vector<16xf32>,
        %sub3A_1571 = arith.subf %gather3A_1562, %mul3A_754 : vector<16xf32>
        %mul3A_1572 = arith.mulf %sub3A_1571, %mul3A_794 : vector<16xf32>
        %mul3A_1573 = arith.mulf %mul3A_1572, %get3A_1566 : vector<16xf32>
        %add3A_1574 = arith.addf %mul3A_1573, %get3A_1570 : vector<16xf32>
        tpu.vector_store_idx %arg14[%add3A_27, %broadcast_in_dim3A_1561], %add3A_1574 : memref<128x64xf32, #tpu.memory_space<vmem>>[vector<16xi32>, vector<16xi32>], vector<16xf32>,
        %broadcast_in_dim3A_1575 = arith.constant 52 : i32
        %broadcast_in_dim3A_1576 = vector.broadcast %broadcast_in_dim3A_1575 : i32 to vector<16xi32>
        %gather3A_1577 = tpu.vector_load_idx %arg14[%add3A_27, %broadcast_in_dim3A_1576] : memref<128x64xf32, #tpu.memory_space<vmem>>[vector<16xi32>, vector<16xi32>], vector<16xf32>,
        %get3A_1578 = arith.constant 52 : i32
        %get3A_1579 = arith.index_cast %get3A_1578 : i32 to index
        %get3A_1580 = arith.constant 0 : index
        %get3A_1581 = tpu.vector_load %arg10[%get3A_1579, %get3A_1580] {strides = array<i32>} : memref<64x16xf32, #tpu.memory_space<vmem>>, vector<16xf32>,
        %get3A_1582 = arith.constant 52 : i32
        %get3A_1583 = arith.index_cast %get3A_1582 : i32 to index
        %get3A_1584 = arith.constant 0 : index
        %get3A_1585 = tpu.vector_load %arg11[%get3A_1583, %get3A_1584] {strides = array<i32>} : memref<64x16xf32, #tpu.memory_space<vmem>>, vector<16xf32>,
        %sub3A_1586 = arith.subf %gather3A_1577, %mul3A_754 : vector<16xf32>
        %mul3A_1587 = arith.mulf %sub3A_1586, %mul3A_794 : vector<16xf32>
        %mul3A_1588 = arith.mulf %mul3A_1587, %get3A_1581 : vector<16xf32>
        %add3A_1589 = arith.addf %mul3A_1588, %get3A_1585 : vector<16xf32>
        tpu.vector_store_idx %arg14[%add3A_27, %broadcast_in_dim3A_1576], %add3A_1589 : memref<128x64xf32, #tpu.memory_space<vmem>>[vector<16xi32>, vector<16xi32>], vector<16xf32>,
        %broadcast_in_dim3A_1590 = arith.constant 53 : i32
        %broadcast_in_dim3A_1591 = vector.broadcast %broadcast_in_dim3A_1590 : i32 to vector<16xi32>
        %gather3A_1592 = tpu.vector_load_idx %arg14[%add3A_27, %broadcast_in_dim3A_1591] : memref<128x64xf32, #tpu.memory_space<vmem>>[vector<16xi32>, vector<16xi32>], vector<16xf32>,
        %get3A_1593 = arith.constant 53 : i32
        %get3A_1594 = arith.index_cast %get3A_1593 : i32 to index
        %get3A_1595 = arith.constant 0 : index
        %get3A_1596 = tpu.vector_load %arg10[%get3A_1594, %get3A_1595] {strides = array<i32>} : memref<64x16xf32, #tpu.memory_space<vmem>>, vector<16xf32>,
        %get3A_1597 = arith.constant 53 : i32
        %get3A_1598 = arith.index_cast %get3A_1597 : i32 to index
        %get3A_1599 = arith.constant 0 : index
        %get3A_1600 = tpu.vector_load %arg11[%get3A_1598, %get3A_1599] {strides = array<i32>} : memref<64x16xf32, #tpu.memory_space<vmem>>, vector<16xf32>,
        %sub3A_1601 = arith.subf %gather3A_1592, %mul3A_754 : vector<16xf32>
        %mul3A_1602 = arith.mulf %sub3A_1601, %mul3A_794 : vector<16xf32>
        %mul3A_1603 = arith.mulf %mul3A_1602, %get3A_1596 : vector<16xf32>
        %add3A_1604 = arith.addf %mul3A_1603, %get3A_1600 : vector<16xf32>
        tpu.vector_store_idx %arg14[%add3A_27, %broadcast_in_dim3A_1591], %add3A_1604 : memref<128x64xf32, #tpu.memory_space<vmem>>[vector<16xi32>, vector<16xi32>], vector<16xf32>,
        %broadcast_in_dim3A_1605 = arith.constant 54 : i32
        %broadcast_in_dim3A_1606 = vector.broadcast %broadcast_in_dim3A_1605 : i32 to vector<16xi32>
        %gather3A_1607 = tpu.vector_load_idx %arg14[%add3A_27, %broadcast_in_dim3A_1606] : memref<128x64xf32, #tpu.memory_space<vmem>>[vector<16xi32>, vector<16xi32>], vector<16xf32>,
        %get3A_1608 = arith.constant 54 : i32
        %get3A_1609 = arith.index_cast %get3A_1608 : i32 to index
        %get3A_1610 = arith.constant 0 : index
        %get3A_1611 = tpu.vector_load %arg10[%get3A_1609, %get3A_1610] {strides = array<i32>} : memref<64x16xf32, #tpu.memory_space<vmem>>, vector<16xf32>,
        %get3A_1612 = arith.constant 54 : i32
        %get3A_1613 = arith.index_cast %get3A_1612 : i32 to index
        %get3A_1614 = arith.constant 0 : index
        %get3A_1615 = tpu.vector_load %arg11[%get3A_1613, %get3A_1614] {strides = array<i32>} : memref<64x16xf32, #tpu.memory_space<vmem>>, vector<16xf32>,
        %sub3A_1616 = arith.subf %gather3A_1607, %mul3A_754 : vector<16xf32>
        %mul3A_1617 = arith.mulf %sub3A_1616, %mul3A_794 : vector<16xf32>
        %mul3A_1618 = arith.mulf %mul3A_1617, %get3A_1611 : vector<16xf32>
        %add3A_1619 = arith.addf %mul3A_1618, %get3A_1615 : vector<16xf32>
        tpu.vector_store_idx %arg14[%add3A_27, %broadcast_in_dim3A_1606], %add3A_1619 : memref<128x64xf32, #tpu.memory_space<vmem>>[vector<16xi32>, vector<16xi32>], vector<16xf32>,
        %broadcast_in_dim3A_1620 = arith.constant 55 : i32
        %broadcast_in_dim3A_1621 = vector.broadcast %broadcast_in_dim3A_1620 : i32 to vector<16xi32>
        %gather3A_1622 = tpu.vector_load_idx %arg14[%add3A_27, %broadcast_in_dim3A_1621] : memref<128x64xf32, #tpu.memory_space<vmem>>[vector<16xi32>, vector<16xi32>], vector<16xf32>,
        %get3A_1623 = arith.constant 55 : i32
        %get3A_1624 = arith.index_cast %get3A_1623 : i32 to index
        %get3A_1625 = arith.constant 0 : index
        %get3A_1626 = tpu.vector_load %arg10[%get3A_1624, %get3A_1625] {strides = array<i32>} : memref<64x16xf32, #tpu.memory_space<vmem>>, vector<16xf32>,
        %get3A_1627 = arith.constant 55 : i32
        %get3A_1628 = arith.index_cast %get3A_1627 : i32 to index
        %get3A_1629 = arith.constant 0 : index
        %get3A_1630 = tpu.vector_load %arg11[%get3A_1628, %get3A_1629] {strides = array<i32>} : memref<64x16xf32, #tpu.memory_space<vmem>>, vector<16xf32>,
        %sub3A_1631 = arith.subf %gather3A_1622, %mul3A_754 : vector<16xf32>
        %mul3A_1632 = arith.mulf %sub3A_1631, %mul3A_794 : vector<16xf32>
        %mul3A_1633 = arith.mulf %mul3A_1632, %get3A_1626 : vector<16xf32>
        %add3A_1634 = arith.addf %mul3A_1633, %get3A_1630 : vector<16xf32>
        tpu.vector_store_idx %arg14[%add3A_27, %broadcast_in_dim3A_1621], %add3A_1634 : memref<128x64xf32, #tpu.memory_space<vmem>>[vector<16xi32>, vector<16xi32>], vector<16xf32>,
        %broadcast_in_dim3A_1635 = arith.constant 56 : i32
        %broadcast_in_dim3A_1636 = vector.broadcast %broadcast_in_dim3A_1635 : i32 to vector<16xi32>
        %gather3A_1637 = tpu.vector_load_idx %arg14[%add3A_27, %broadcast_in_dim3A_1636] : memref<128x64xf32, #tpu.memory_space<vmem>>[vector<16xi32>, vector<16xi32>], vector<16xf32>,
        %get3A_1638 = arith.constant 56 : i32
        %get3A_1639 = arith.index_cast %get3A_1638 : i32 to index
        %get3A_1640 = arith.constant 0 : index
        %get3A_1641 = tpu.vector_load %arg10[%get3A_1639, %get3A_1640] {strides = array<i32>} : memref<64x16xf32, #tpu.memory_space<vmem>>, vector<16xf32>,
        %get3A_1642 = arith.constant 56 : i32
        %get3A_1643 = arith.index_cast %get3A_1642 : i32 to index
        %get3A_1644 = arith.constant 0 : index
        %get3A_1645 = tpu.vector_load %arg11[%get3A_1643, %get3A_1644] {strides = array<i32>} : memref<64x16xf32, #tpu.memory_space<vmem>>, vector<16xf32>,
        %sub3A_1646 = arith.subf %gather3A_1637, %mul3A_754 : vector<16xf32>
        %mul3A_1647 = arith.mulf %sub3A_1646, %mul3A_794 : vector<16xf32>
        %mul3A_1648 = arith.mulf %mul3A_1647, %get3A_1641 : vector<16xf32>
        %add3A_1649 = arith.addf %mul3A_1648, %get3A_1645 : vector<16xf32>
        tpu.vector_store_idx %arg14[%add3A_27, %broadcast_in_dim3A_1636], %add3A_1649 : memref<128x64xf32, #tpu.memory_space<vmem>>[vector<16xi32>, vector<16xi32>], vector<16xf32>,
        %broadcast_in_dim3A_1650 = arith.constant 57 : i32
        %broadcast_in_dim3A_1651 = vector.broadcast %broadcast_in_dim3A_1650 : i32 to vector<16xi32>
        %gather3A_1652 = tpu.vector_load_idx %arg14[%add3A_27, %broadcast_in_dim3A_1651] : memref<128x64xf32, #tpu.memory_space<vmem>>[vector<16xi32>, vector<16xi32>], vector<16xf32>,
        %get3A_1653 = arith.constant 57 : i32
        %get3A_1654 = arith.index_cast %get3A_1653 : i32 to index
        %get3A_1655 = arith.constant 0 : index
        %get3A_1656 = tpu.vector_load %arg10[%get3A_1654, %get3A_1655] {strides = array<i32>} : memref<64x16xf32, #tpu.memory_space<vmem>>, vector<16xf32>,
        %get3A_1657 = arith.constant 57 : i32
        %get3A_1658 = arith.index_cast %get3A_1657 : i32 to index
        %get3A_1659 = arith.constant 0 : index
        %get3A_1660 = tpu.vector_load %arg11[%get3A_1658, %get3A_1659] {strides = array<i32>} : memref<64x16xf32, #tpu.memory_space<vmem>>, vector<16xf32>,
        %sub3A_1661 = arith.subf %gather3A_1652, %mul3A_754 : vector<16xf32>
        %mul3A_1662 = arith.mulf %sub3A_1661, %mul3A_794 : vector<16xf32>
        %mul3A_1663 = arith.mulf %mul3A_1662, %get3A_1656 : vector<16xf32>
        %add3A_1664 = arith.addf %mul3A_1663, %get3A_1660 : vector<16xf32>
        tpu.vector_store_idx %arg14[%add3A_27, %broadcast_in_dim3A_1651], %add3A_1664 : memref<128x64xf32, #tpu.memory_space<vmem>>[vector<16xi32>, vector<16xi32>], vector<16xf32>,
        %broadcast_in_dim3A_1665 = arith.constant 58 : i32
        %broadcast_in_dim3A_1666 = vector.broadcast %broadcast_in_dim3A_1665 : i32 to vector<16xi32>
        %gather3A_1667 = tpu.vector_load_idx %arg14[%add3A_27, %broadcast_in_dim3A_1666] : memref<128x64xf32, #tpu.memory_space<vmem>>[vector<16xi32>, vector<16xi32>], vector<16xf32>,
        %get3A_1668 = arith.constant 58 : i32
        %get3A_1669 = arith.index_cast %get3A_1668 : i32 to index
        %get3A_1670 = arith.constant 0 : index
        %get3A_1671 = tpu.vector_load %arg10[%get3A_1669, %get3A_1670] {strides = array<i32>} : memref<64x16xf32, #tpu.memory_space<vmem>>, vector<16xf32>,
        %get3A_1672 = arith.constant 58 : i32
        %get3A_1673 = arith.index_cast %get3A_1672 : i32 to index
        %get3A_1674 = arith.constant 0 : index
        %get3A_1675 = tpu.vector_load %arg11[%get3A_1673, %get3A_1674] {strides = array<i32>} : memref<64x16xf32, #tpu.memory_space<vmem>>, vector<16xf32>,
        %sub3A_1676 = arith.subf %gather3A_1667, %mul3A_754 : vector<16xf32>
        %mul3A_1677 = arith.mulf %sub3A_1676, %mul3A_794 : vector<16xf32>
        %mul3A_1678 = arith.mulf %mul3A_1677, %get3A_1671 : vector<16xf32>
        %add3A_1679 = arith.addf %mul3A_1678, %get3A_1675 : vector<16xf32>
        tpu.vector_store_idx %arg14[%add3A_27, %broadcast_in_dim3A_1666], %add3A_1679 : memref<128x64xf32, #tpu.memory_space<vmem>>[vector<16xi32>, vector<16xi32>], vector<16xf32>,
        %broadcast_in_dim3A_1680 = arith.constant 59 : i32
        %broadcast_in_dim3A_1681 = vector.broadcast %broadcast_in_dim3A_1680 : i32 to vector<16xi32>
        %gather3A_1682 = tpu.vector_load_idx %arg14[%add3A_27, %broadcast_in_dim3A_1681] : memref<128x64xf32, #tpu.memory_space<vmem>>[vector<16xi32>, vector<16xi32>], vector<16xf32>,
        %get3A_1683 = arith.constant 59 : i32
        %get3A_1684 = arith.index_cast %get3A_1683 : i32 to index
        %get3A_1685 = arith.constant 0 : index
        %get3A_1686 = tpu.vector_load %arg10[%get3A_1684, %get3A_1685] {strides = array<i32>} : memref<64x16xf32, #tpu.memory_space<vmem>>, vector<16xf32>,
        %get3A_1687 = arith.constant 59 : i32
        %get3A_1688 = arith.index_cast %get3A_1687 : i32 to index
        %get3A_1689 = arith.constant 0 : index
        %get3A_1690 = tpu.vector_load %arg11[%get3A_1688, %get3A_1689] {strides = array<i32>} : memref<64x16xf32, #tpu.memory_space<vmem>>, vector<16xf32>,
        %sub3A_1691 = arith.subf %gather3A_1682, %mul3A_754 : vector<16xf32>
        %mul3A_1692 = arith.mulf %sub3A_1691, %mul3A_794 : vector<16xf32>
        %mul3A_1693 = arith.mulf %mul3A_1692, %get3A_1686 : vector<16xf32>
        %add3A_1694 = arith.addf %mul3A_1693, %get3A_1690 : vector<16xf32>
        tpu.vector_store_idx %arg14[%add3A_27, %broadcast_in_dim3A_1681], %add3A_1694 : memref<128x64xf32, #tpu.memory_space<vmem>>[vector<16xi32>, vector<16xi32>], vector<16xf32>,
        %broadcast_in_dim3A_1695 = arith.constant 60 : i32
        %broadcast_in_dim3A_1696 = vector.broadcast %broadcast_in_dim3A_1695 : i32 to vector<16xi32>
        %gather3A_1697 = tpu.vector_load_idx %arg14[%add3A_27, %broadcast_in_dim3A_1696] : memref<128x64xf32, #tpu.memory_space<vmem>>[vector<16xi32>, vector<16xi32>], vector<16xf32>,
        %get3A_1698 = arith.constant 60 : i32
        %get3A_1699 = arith.index_cast %get3A_1698 : i32 to index
        %get3A_1700 = arith.constant 0 : index
        %get3A_1701 = tpu.vector_load %arg10[%get3A_1699, %get3A_1700] {strides = array<i32>} : memref<64x16xf32, #tpu.memory_space<vmem>>, vector<16xf32>,
        %get3A_1702 = arith.constant 60 : i32
        %get3A_1703 = arith.index_cast %get3A_1702 : i32 to index
        %get3A_1704 = arith.constant 0 : index
        %get3A_1705 = tpu.vector_load %arg11[%get3A_1703, %get3A_1704] {strides = array<i32>} : memref<64x16xf32, #tpu.memory_space<vmem>>, vector<16xf32>,
        %sub3A_1706 = arith.subf %gather3A_1697, %mul3A_754 : vector<16xf32>
        %mul3A_1707 = arith.mulf %sub3A_1706, %mul3A_794 : vector<16xf32>
        %mul3A_1708 = arith.mulf %mul3A_1707, %get3A_1701 : vector<16xf32>
        %add3A_1709 = arith.addf %mul3A_1708, %get3A_1705 : vector<16xf32>
        tpu.vector_store_idx %arg14[%add3A_27, %broadcast_in_dim3A_1696], %add3A_1709 : memref<128x64xf32, #tpu.memory_space<vmem>>[vector<16xi32>, vector<16xi32>], vector<16xf32>,
        %broadcast_in_dim3A_1710 = arith.constant 61 : i32
        %broadcast_in_dim3A_1711 = vector.broadcast %broadcast_in_dim3A_1710 : i32 to vector<16xi32>
        %gather3A_1712 = tpu.vector_load_idx %arg14[%add3A_27, %broadcast_in_dim3A_1711] : memref<128x64xf32, #tpu.memory_space<vmem>>[vector<16xi32>, vector<16xi32>], vector<16xf32>,
        %get3A_1713 = arith.constant 61 : i32
        %get3A_1714 = arith.index_cast %get3A_1713 : i32 to index
        %get3A_1715 = arith.constant 0 : index
        %get3A_1716 = tpu.vector_load %arg10[%get3A_1714, %get3A_1715] {strides = array<i32>} : memref<64x16xf32, #tpu.memory_space<vmem>>, vector<16xf32>,
        %get3A_1717 = arith.constant 61 : i32
        %get3A_1718 = arith.index_cast %get3A_1717 : i32 to index
        %get3A_1719 = arith.constant 0 : index
        %get3A_1720 = tpu.vector_load %arg11[%get3A_1718, %get3A_1719] {strides = array<i32>} : memref<64x16xf32, #tpu.memory_space<vmem>>, vector<16xf32>,
        %sub3A_1721 = arith.subf %gather3A_1712, %mul3A_754 : vector<16xf32>
        %mul3A_1722 = arith.mulf %sub3A_1721, %mul3A_794 : vector<16xf32>
        %mul3A_1723 = arith.mulf %mul3A_1722, %get3A_1716 : vector<16xf32>
        %add3A_1724 = arith.addf %mul3A_1723, %get3A_1720 : vector<16xf32>
        tpu.vector_store_idx %arg14[%add3A_27, %broadcast_in_dim3A_1711], %add3A_1724 : memref<128x64xf32, #tpu.memory_space<vmem>>[vector<16xi32>, vector<16xi32>], vector<16xf32>,
        %broadcast_in_dim3A_1725 = arith.constant 62 : i32
        %broadcast_in_dim3A_1726 = vector.broadcast %broadcast_in_dim3A_1725 : i32 to vector<16xi32>
        %gather3A_1727 = tpu.vector_load_idx %arg14[%add3A_27, %broadcast_in_dim3A_1726] : memref<128x64xf32, #tpu.memory_space<vmem>>[vector<16xi32>, vector<16xi32>], vector<16xf32>,
        %get3A_1728 = arith.constant 62 : i32
        %get3A_1729 = arith.index_cast %get3A_1728 : i32 to index
        %get3A_1730 = arith.constant 0 : index
        %get3A_1731 = tpu.vector_load %arg10[%get3A_1729, %get3A_1730] {strides = array<i32>} : memref<64x16xf32, #tpu.memory_space<vmem>>, vector<16xf32>,
        %get3A_1732 = arith.constant 62 : i32
        %get3A_1733 = arith.index_cast %get3A_1732 : i32 to index
        %get3A_1734 = arith.constant 0 : index
        %get3A_1735 = tpu.vector_load %arg11[%get3A_1733, %get3A_1734] {strides = array<i32>} : memref<64x16xf32, #tpu.memory_space<vmem>>, vector<16xf32>,
        %sub3A_1736 = arith.subf %gather3A_1727, %mul3A_754 : vector<16xf32>
        %mul3A_1737 = arith.mulf %sub3A_1736, %mul3A_794 : vector<16xf32>
        %mul3A_1738 = arith.mulf %mul3A_1737, %get3A_1731 : vector<16xf32>
        %add3A_1739 = arith.addf %mul3A_1738, %get3A_1735 : vector<16xf32>
        tpu.vector_store_idx %arg14[%add3A_27, %broadcast_in_dim3A_1726], %add3A_1739 : memref<128x64xf32, #tpu.memory_space<vmem>>[vector<16xi32>, vector<16xi32>], vector<16xf32>,
        %broadcast_in_dim3A_1740 = arith.constant 63 : i32
        %broadcast_in_dim3A_1741 = vector.broadcast %broadcast_in_dim3A_1740 : i32 to vector<16xi32>
        %gather3A_1742 = tpu.vector_load_idx %arg14[%add3A_27, %broadcast_in_dim3A_1741] : memref<128x64xf32, #tpu.memory_space<vmem>>[vector<16xi32>, vector<16xi32>], vector<16xf32>,
        %get3A_1743 = arith.constant 63 : i32
        %get3A_1744 = arith.index_cast %get3A_1743 : i32 to index
        %get3A_1745 = arith.constant 0 : index
        %get3A_1746 = tpu.vector_load %arg10[%get3A_1744, %get3A_1745] {strides = array<i32>} : memref<64x16xf32, #tpu.memory_space<vmem>>, vector<16xf32>,
        %get3A_1747 = arith.constant 63 : i32
        %get3A_1748 = arith.index_cast %get3A_1747 : i32 to index
        %get3A_1749 = arith.constant 0 : index
        %get3A_1750 = tpu.vector_load %arg11[%get3A_1748, %get3A_1749] {strides = array<i32>} : memref<64x16xf32, #tpu.memory_space<vmem>>, vector<16xf32>,
        %sub3A_1751 = arith.subf %gather3A_1742, %mul3A_754 : vector<16xf32>
        %mul3A_1752 = arith.mulf %sub3A_1751, %mul3A_794 : vector<16xf32>
        %mul3A_1753 = arith.mulf %mul3A_1752, %get3A_1746 : vector<16xf32>
        %add3A_1754 = arith.addf %mul3A_1753, %get3A_1750 : vector<16xf32>
        tpu.vector_store_idx %arg14[%add3A_27, %broadcast_in_dim3A_1741], %add3A_1754 : memref<128x64xf32, #tpu.memory_space<vmem>>[vector<16xi32>, vector<16xi32>], vector<16xf32>,
      }
      %scan3A_22 = arith.constant 8 : i32
      "tpu.region"() ({
        %run_scoped3A = tpu.sem_alloc : memref<!tpu.dma_semaphore, #tpu.memory_space<semaphore_mem>>
        %dma_start3A_23 = arith.constant 0 : i32
        %dma_start3A_24 = tpu.memref_slice %arg8[%add3A_12, %dma_start3A_23] : memref<819200x64xf32, #tpu.memory_space<hbm>> -> memref<128x64xf32, #tpu.memory_space<hbm>>
        %dma_start3A_25 = arith.constant 0 : i32
        %dma_start3A_26 = tpu.memref_slice %arg8[%add3A_12, %dma_start3A_25] : memref<819200x64xf32, #tpu.memory_space<hbm>> -> memref<128x64xf32, #tpu.memory_space<hbm>>
        tpu.enqueue_dma source(%arg14 : memref<128x64xf32, #tpu.memory_space<vmem>>) target(%dma_start3A_26 : memref<128x64xf32, #tpu.memory_space<hbm>>) target_semaphore(%run_scoped3A : memref<!tpu.dma_semaphore, #tpu.memory_space<semaphore_mem>>)
        %dma_wait3A_27 = arith.constant 0 : i32
        %dma_wait3A_28 = tpu.memref_slice %arg8[%add3A_12, %dma_wait3A_27] : memref<819200x64xf32, #tpu.memory_space<hbm>> -> memref<128x64xf32, #tpu.memory_space<hbm>>
        %dma_wait3A_29 = arith.constant 0 : i32
        %dma_wait3A_30 = tpu.memref_slice %arg8[%add3A_12, %dma_wait3A_29] : memref<819200x64xf32, #tpu.memory_space<hbm>> -> memref<128x64xf32, #tpu.memory_space<hbm>>
        tpu.wait_dma2 semaphore(%run_scoped3A : memref<!tpu.dma_semaphore, #tpu.memory_space<semaphore_mem>>) src(%arg14 : memref<128x64xf32, #tpu.memory_space<vmem>>) dst(%dma_wait3A_30 : memref<128x64xf32, #tpu.memory_space<hbm>>)
        tpu.yield
      }) : () -> ()
    }
    %scan3A_8 = arith.constant 200 : i32
    return
  }
}

</mosaic_0001>

<sc_bundles>
// kernel: kernel.3.cloned.1.call-start
scs
__scs_entry_jumppad:
0x0: {  	(pc) =	sbr.rel $0x88, $3  }
0x1: {  	(tag) =	ssettag $0x0;
	lr =	simm.s32 $0x1  }
0x2: {  	[smem:$0x3F9A] =	sst lr;
	_ =	strace $0xD0000000  }
0x3: {  	_ = 	snop  }
0x4: {  	_ = 	snop  }
0x5: {  	_ = 	snop  }
0x6: {  	_ = 	snop  }
0x7: {  	_ = 	snop  }
__scs_overlays_trampoline_lowered:
0x8: {  	[smem:$0x3FA9] =	sst s0  }
0x9: {  	[smem:$0x3FAA] =	sst s1  }
0xa: {  	[smem:$0x3FAB] =	sst s2  }
0xb: {  	[smem:$0x3FAC] =	sst s3  }
0xc: {  	[smem:$0x3FAD] =	sst s4  }
0xd: {  	[smem:$0x3FAE] =	sst s5  }
0xe: {  	[smem:$0x3FAF] =	sst s6  }
0xf: {  	[smem:$0x3FB0] =	sst s7  }
0x10: {  	[smem:$0x3FB1] =	sst s8  }
0x11: {  	[smem:$0x3FB2] =	sst s9;
	s0 =	simm.s32 @!p0 $0x0  }
0x12: {  	s1 =	sld [smem:$0x3F98];
	s0 =	simm.s32 @p0 $0x1  }
0x13: {  	[smem:$0x3FB3] =	sst s0;
	s0 =	simm.s32 @!p1 $0x0  }
0x14: {  	s2 =	sld [smem:$0x3F97];
	s0 =	simm.s32 @p1 $0x1  }
0x15: {  	[smem:$0x3FB4] =	sst s0;
	s0 =	simm.s32 @!p2 $0x0  }
0x16: {  	s3 =	sld [smem:$0x3FDB];
	s0 =	simm.s32 @p2 $0x1  }
0x17: {  	s4 =	simm.s32 $0x1BF5;
	[smem:$0x3FB6] =	sst s0  }
0x18: {  	s0 =	sld [smem:$0x3F99];
	_ =	swait.ge [sflag:s4], $0x0  }
0x19: {  	s7 =	sld [smem:$0x3F9A]  }
0x1a: {  	s8 =	sadd.s32 $0xFFFFE003, lr  }
0x1b: {  	s9 =	sadd.s32 $0xFFFFFEF7, lr;
	s5 =	simm.s32 $0xFFFFFFFF;
	p2 =	slt.u32 s8, $0xFFFFF086  }
0x1c: {  	p1 =	slt.u32 s9, $0xF7A;
	s5 =	simm.s32 @!p2 $0x0  }
0x1d: {  	s5 =	simm.s32 @p1 $0x1;
	p0 =	seq.s32 s7, s2  }
0x1e: {  	s7 =	smul.u32 @!p0 $0xF7A, s2;
	p2 =	seq.s32 @!p0 s5, $0x0  }
0x1f: {  	s9 =	smul.u32 $0xF7A, s1;
	s8 =	simm.s32 @!p0 $0x1BF5;
	p2 =	por !p2, p0  }
0x20: {  	[sflag:s8] =	ssyncset.s32 @!p0 $0xFFFFF086;
	s6 =	sadd.s32 @!p0 s3, s7;
	s7 =	simm.s32 @!p0 $0x108  }
0x21: {  	s3 =	sadd.s32 s3, s9;
	s6 =	sadd.s32 @!p0 $0x88, s6;
	s7 =	simm.s32 @p2 $0x1082  }
0x22: {  	[simem:s7], [sflag:s8] =	dma.local @!p0 [hbm:s6], $0xF7A  }
0x23: {  	s9 =	sor.u32 $0xD0000000, s2;
	s6 =	simm.s32 $0x108;
	_ =	swait.ge @!p0 [sflag:s8], $0x0  }
0x24: {  	s3 =	sadd.s32 $0x88, s3;
	s6 =	simm.s32 @!p1 $0x1082;
	[sflag:s4] =	ssyncset.s32 $0xFFFFF086  }
0x25: {  	[simem:s6], [sflag:s4] =	dma.local [hbm:s3], $0xF7A  }
0x26: {  	[smem:$0x3F9A] =	sst s1;
	(tag) =	ssettag s2;
	_ =	strace s9  }
0x27: {  	s1 =	sld [smem:$0x3FAA]  }
0x28: {  	s2 =	sld [smem:$0x3FAB]  }
0x29: {  	s4 =	sld [smem:$0x3FAD]  }
0x2a: {  	p0 =	seq.s32 s5, $0x0;
	s5 =	sld [smem:$0x3FAE]  }
0x2b: {  	s6 =	sld [smem:$0x3FAF]  }
0x2c: {  	s7 =	sld [smem:$0x3FB0]  }
0x2d: {  	s3 =	simm.s32 $0x108;
	s8 =	sld [smem:$0x3FB1]  }
0x2e: {  	s3 =	simm.s32 @!p0 $0x1082;
	s9 =	sld [smem:$0x3FB2]  }
0x2f: {  	lr =	sadd.s32 s0, s3;
	s0 =	sld [smem:$0x3FA9]  }
0x30: {  	s3 =	sld [smem:$0x3FAC]  }
0x31: {  	[smem:$0x3FB5] =	sst s10  }
0x32: {  	s10 =	sld [smem:$0x3FB3];
	_ =	sdelay $0x3  }
0x33: {  	p0 =	seq.s32 s10, $0x1;
	s10 =	sld [smem:$0x3FB5];
	_ =	sdelay $0x3  }
0x34: {  	[smem:$0x3FB5] =	sst s10  }
0x35: {  	s10 =	sld [smem:$0x3FB4];
	_ =	sdelay $0x3  }
0x36: {  	p1 =	seq.s32 s10, $0x1;
	s10 =	sld [smem:$0x3FB5];
	_ =	sdelay $0x3  }
0x37: {  	[smem:$0x3FB5] =	sst s10  }
0x38: {  	s10 =	sld [smem:$0x3FB6]  }
0x39: {  	_ = 	snop;
	(pc) =	sbr.ind lr, $3  }
0x3a: {  	_ = 	snop  }
0x3b: {  	_ = 	snop  }
0x3c: {  	p2 =	seq.s32 s10, $0x1;
	s10 =	sld [smem:$0x3FB5]  }
0x3d: {  	_ =	shalt  }
0x3e: {  	_ =	shalt  }
0x3f: {  	_ =	shalt  }
0x40: {  	_ =	shalt  }
0x41: {  	_ =	shalt  }
0x42: {  	_ =	shalt  }
0x43: {  	_ =	shalt  }
0x44: {  	_ =	shalt  }
0x45: {  	_ =	shalt  }
0x46: {  	_ =	shalt  }
0x47: {  	_ =	shalt  }
0x48: {  	_ =	shalt  }
0x49: {  	_ =	shalt  }
0x4a: {  	_ =	shalt  }
0x4b: {  	_ =	shalt  }
0x4c: {  	_ =	shalt  }
0x4d: {  	_ =	shalt  }
0x4e: {  	_ =	shalt  }
0x4f: {  	_ =	shalt  }
0x50: {  	_ =	shalt  }
0x51: {  	_ =	shalt  }
0x52: {  	_ =	shalt  }
0x53: {  	_ =	shalt  }
0x54: {  	_ =	shalt  }
0x55: {  	_ =	shalt  }
0x56: {  	_ =	shalt  }
0x57: {  	_ =	shalt  }
0x58: {  	_ =	shalt  }
0x59: {  	_ =	shalt  }
0x5a: {  	_ =	shalt  }
0x5b: {  	_ =	shalt  }
0x5c: {  	_ =	shalt  }
0x5d: {  	_ =	shalt  }
0x5e: {  	_ =	shalt  }
0x5f: {  	_ =	shalt  }
0x60: {  	_ =	shalt  }
0x61: {  	_ =	shalt  }
0x62: {  	_ =	shalt  }
0x63: {  	_ =	shalt  }
0x64: {  	_ =	shalt  }
0x65: {  	_ =	shalt  }
0x66: {  	_ =	shalt  }
0x67: {  	_ =	shalt  }
0x68: {  	_ =	shalt  }
0x69: {  	_ =	shalt  }
0x6a: {  	_ =	shalt  }
0x6b: {  	_ =	shalt  }
0x6c: {  	_ =	shalt  }
0x6d: {  	_ =	shalt  }
0x6e: {  	_ =	shalt  }
0x6f: {  	_ =	shalt  }
0x70: {  	_ =	shalt  }
0x71: {  	_ =	shalt  }
0x72: {  	_ =	shalt  }
0x73: {  	_ =	shalt  }
0x74: {  	_ =	shalt  }
0x75: {  	_ =	shalt  }
0x76: {  	_ =	shalt  }
0x77: {  	_ =	shalt  }
0x78: {  	_ =	shalt  }
0x79: {  	_ =	shalt  }
0x7a: {  	_ =	shalt  }
0x7b: {  	_ =	shalt  }
0x7c: {  	_ =	shalt  }
0x7d: {  	_ =	shalt  }
0x7e: {  	_ =	shalt  }
0x7f: {  	_ =	shalt  }
0x80: {  	_ =	shalt  }
0x81: {  	_ =	shalt  }
0x82: {  	_ =	shalt  }
0x83: {  	_ =	shalt  }
0x84: {  	_ =	shalt  }
0x85: {  	_ =	shalt  }
0x86: {  	_ =	shalt  }
0x87: {  	_ =	shalt  }
.Lfunc_end0:
.L_simem_size_0:
called_computation.1_lowered:
.L_overlay_start_0:
0x88: {  	s2 =	sld [smem:$0x3FD9]  }
0x89: {  	s3 =	sld [smem:$0x3FFE];
	_ =	sdelay $0x1  }
0x8a: {  	s1 =	srdreg.scid  }
0x8b: {  	s0 =	sand.u32 $0x1, s1  }
0x8c: {  	s17 =	sshll.u32 s0, $0xA;
	s2 =	sadd.s32 s3, s2  }
0x8d: {  	s2 =	sadd.s32 s2, s17  }
0x8e: {  	[smem:$0x3FC1] =	sst s2  }
0x8f: {  	_ = 	snop  }
0x90: {  	s2 =	sld [smem:$0x3FD0];
	(tm) =	ssettm $0x1  }
0x91: {  	s18 =	sld [smem:$0x3FFB];
	_ =	sdelay $0x3  }
0x92: {  	_ =	strace s18  }
0x93: {  	s3 =	sld [smem:$0x3FFC];
	_ =	sdelay $0x3  }
0x94: {  	_ =	strace s3  }
0x95: {  	s3 =	sld [smem:$0x3FFD];
	_ =	sdelay $0x3  }
0x96: {  	_ =	strace s3  }
0x97: {  	_ =	strace $0x8FFFFFFF  }
0x98: {  	s19 =	sld [smem:$0x3FDB];
	_ =	sdelay $0x1  }
0x99: {  	s4 =	simm.s32 $_scs_section_size  }
0x9a: {  	s5 =	simm.s32 $_size__tile_overlayer_lowered;
	s6 =	simm.s32 $_tile_overlayer_lowered  }
0x9b: {  	s22 =	simm.s32 $0x1BFF;
	s21 =	sshll.u32 s6, $0x1;
	s3 =	sadd.s32 s4, s19  }
0x9c: {  	s7 =	simm.s32 $0x0;
	s20 =	sshll.u32 s5, $0x1;
	s5 =	sadd.s32 s21, s3  }
0x9d: {  	[timem:s7], [sflag:s22] =	dma.local [hbm:s5], s20  }
0x9e: {  	_ =	swait.ge [sflag:s22], s20  }
0x9f: {  	s4 =	ssub.s32 $0x0, s20;
	[sflag:s22] =	ssyncset.done $0x0  }
0xa0: {  	[sflag:s22] =	ssyncadd.s32 s4;
	_ =	sdelay $0x1  }
0xa1: {  	s23 =	simm.s32 $0x1B8B  }
0xa2: {  	_ =	swait.ge [sflag:s23], $0x1  }
0xa3: {  	[sflag:s23] =	ssyncset.done $0x0  }
0xa4: {  	s25 =	simm.s32 $0x1B8E;
	s24 =	sld [smem:$0x3FFE];
	[sflag:s23] =	ssyncadd.s32 $0xFFFFFFFF  }
0xa5: {  	s26 =	simm.s32 $execute0_lowered;
	[smem:$0x3FD2] =	sst s25  }
0xa6: {  	s5 =	sshll.u32 s26, $0x1;
	_ =	strace $0x80000046;
	[dreg:$0x1] =	wrdreg $0xFFFFFFFF  }
0xa7: {  	s28 =	simm.s32 $_size_execute0_lowered;
	s3 =	sadd.s32 s3, s5;
	[dreg:$0x0] =	wrdreg $0x0  }
0xa8: {  	s5 =	sshll.u32 s28, $0x1;
	[dreg:$0x2] =	wrdreg s3  }
0xa9: {  	[dreg:$0x3] =	wrdreg s5  }
0xaa: {  	[dreg:$0x4] =	wrdreg $0xC0  }
0xab: {  	_ =	task [dreg:s7], $0x5FFFF  }
0xac: {  	[dreg:$0x1] =	wrdreg $0xFFFFFFFF  }
0xad: {  	[dreg:$0x0] =	wrdreg $0x60  }
0xae: {  	[dreg:$0x2] =	wrdreg s24  }
0xaf: {  	[dreg:$0x3] =	wrdreg s2  }
0xb0: {  	[dreg:$0x4] =	wrdreg $0x9  }
0xb1: {  	_ =	task.clear_ibuf [dreg:s7], $0x5FFFF;
	_ =	strace $0x90000046  }
0xb2: {  	s29 =	simm.s32 $0x9;
	_ =	strace $0x80000048  }
0xb3: {  	_ =	swait.ge [sflag:s29], $0x1  }
0xb4: {  	[sflag:s29] =	ssyncadd.s32 $0xFFFFFFFF  }
0xb5: {  	_ =	strace $0x90000048  }
0xb6: {  	_ =	sfence  }
0xb7: {  	s30 =	sld [smem:$0x0];
	_ =	sdelay $0x2  }
0xb8: {  	s31 =	sshll.u32 s1, $0xD;
	s1 =	sshrl.u32 s1, $0x2  }
0xb9: {  	s3 =	sand.u32 $0x4000, s31;
	s1 =	sadd.s32 s1, s30  }
0xba: {  	s0 =	sor.u32 s3, s0;
	s1 =	sshll.u32 s1, $0x11  }
0xbb: {  	s0 =	sor.u32 s1, s0  }
0xbc: {  	s0 =	sadd.s32 $0x8F2B, s0  }
0xbd: {  	[sflag:s0] =	ssyncadd.remote.s32 $0x1  }
0xbe: {  	_ =	sfence.sel $0xFFFF  }
0xbf: {  	[dreg:$0x0] =	wrdreg $0xFFFFFFFF;
	(pc) =	sbr.abs _section_cstart, $3  }
0xc0: {  	[dreg:$0x1] =	wrdreg $0xFFFFFFFF  }
0xc1: {  	_ =	task.clear_ibuf [dreg:s7], $0x2FFFF;
	_ =	strace $0x9FFFFFFF  }
0xc2: {  	(tm) =	ssettm $0x7FFFFFFF  }
0xc3: {  	_ =	shalt  }
tec
execute0_lowered:
.L_overlay_start_1:
0x0: {  	(tag) =	ssettag $0x1  }
0x1: {  	v22 =	vlaneseq.u32  }
0x2: {  	v29 =	vand.u32 $0x7, v22  }
0x3: {  	v0 =	vor.u32 $0x1878, v29  }
0x4: {  	[tilespmem:$0x1FC10] =	vst v0;
	v0 =	vor.u32 $0x1950, v29  }
0x5: {  	[tilespmem:$0x1FC20] =	vst v0;
	v0 =	vor.u32 $0x1A28, v29  }
0x6: {  	[tilespmem:$0x1FC30] =	vst v0;
	v0 =	vor.u32 $0x1B00, v29  }
0x7: {  	s9 =	rddreg [dreg:$0x0];
	[tilespmem:$0x1FC40] =	vst v0;
	v0 =	vor.u32 $0x1BD8, v29  }
0x8: {  	s1 =	rddreg [dreg:$0x1];
	s2 =	simm.s32 $0x0;
	[tilespmem:$0x1FC50] =	vst v0;
	v0 =	vor.u32 $0x1CB0, v29  }
0x9: {  	[smem:$0x7FF] =	sst s2;
	[tilespmem:$0x1FC60] =	vst v0;
	v0 =	vor.u32 $0x1D88, v29  }
0xa: {  	s0 =	rddreg [dreg:$0x2];
	v3 =	vmul.u32 $0x40, v22;
	_ =	strace $0x80000047;
	[tilespmem:$0x1FC70] =	vst v0  }
0xb: {  	[tilespmem:$0x1FDE0] =	vst v29  }
0xc: {  	v4 =	vor.u32 $0xD8, v29;
	[tilespmem:$0x1FDF0] =	vst v3  }
0xd: {  	v5 =	vor.u32 $0x1B0, v29;
	[tilespmem:$0x1FE00] =	vst v4  }
0xe: {  	v6 =	vor.u32 $0x288, v29;
	[tilespmem:$0x1FE10] =	vst v5  }
0xf: {  	v7 =	vor.u32 $0x360, v29;
	[tilespmem:$0x1FE20] =	vst v6  }
0x10: {  	v8 =	vor.u32 $0x438, v29;
	[tilespmem:$0x1FE30] =	vst v7  }
0x11: {  	v9 =	vor.u32 $0x510, v29;
	[tilespmem:$0x1FE40] =	vst v8  }
0x12: {  	v10 =	vor.u32 $0x5E8, v29;
	[tilespmem:$0x1FE50] =	vst v9  }
0x13: {  	v11 =	vor.u32 $0x6C0, v29;
	[tilespmem:$0x1FE60] =	vst v10  }
0x14: {  	v12 =	vor.u32 $0x798, v29;
	[tilespmem:$0x1FE70] =	vst v11  }
0x15: {  	v13 =	vor.u32 $0x870, v29;
	[tilespmem:$0x1FE80] =	vst v12  }
0x16: {  	v14 =	vor.u32 $0x948, v29;
	[tilespmem:$0x1FE90] =	vst v13  }
0x17: {  	v15 =	vor.u32 $0xA20, v29;
	[tilespmem:$0x1FEA0] =	vst v14  }
0x18: {  	v16 =	vor.u32 $0xAF8, v29;
	[tilespmem:$0x1FEB0] =	vst v15  }
0x19: {  	v17 =	vor.u32 $0xBD0, v29;
	[tilespmem:$0x1FEC0] =	vst v16  }
0x1a: {  	v18 =	vor.u32 $0xCA8, v29;
	[tilespmem:$0x1FED0] =	vst v17  }
0x1b: {  	v19 =	vor.u32 $0xD80, v29;
	[tilespmem:$0x1FEE0] =	vst v18  }
0x1c: {  	v20 =	vor.u32 $0xE58, v29;
	[tilespmem:$0x1FEF0] =	vst v19  }
0x1d: {  	v21 =	vor.u32 $0xF30, v29;
	[tilespmem:$0x1FF00] =	vst v20  }
0x1e: {  	v23 =	vor.u32 $0x1008, v29;
	[tilespmem:$0x1FF10] =	vst v21  }
0x1f: {  	v24 =	vor.u32 $0x10E0, v29;
	[tilespmem:$0x1FF20] =	vst v23  }
0x20: {  	v25 =	vor.u32 $0x11B8, v29;
	[tilespmem:$0x1FF30] =	vst v24  }
0x21: {  	v26 =	vor.u32 $0x1290, v29;
	[tilespmem:$0x1FF40] =	vst v25  }
0x22: {  	v27 =	vor.u32 $0x1368, v29;
	[tilespmem:$0x1FF50] =	vst v26  }
0x23: {  	v28 =	vor.u32 $0x1440, v29;
	[tilespmem:$0x1FF60] =	vst v27  }
0x24: {  	v30 =	vor.u32 $0x1518, v29;
	[tilespmem:$0x1FF70] =	vst v28  }
0x25: {  	v31 =	vor.u32 $0x15F0, v29;
	[tilespmem:$0x1FF80] =	vst v30  }
0x26: {  	v33 =	vor.u32 $0x16C8, v29;
	[tilespmem:$0x1FF90] =	vst v31  }
0x27: {  	v34 =	vor.u32 $0x17A0, v29;
	[tilespmem:$0x1FFA0] =	vst v33  }
0x28: {  	v58 =	vor.u32 $0x30F0, v29;
	[tilespmem:$0x1FFB0] =	vst v34  }
0x29: {  	v52 =	vor.u32 $0x31C8, v29;
	[tilespmem:$0x1FFC0] =	vst v58  }
0x2a: {  	v41 =	vor.u32 $0x32A0, v29;
	[tilespmem:$0x1FFD0] =	vst v52  }
0x2b: {  	v35 =	vor.u32 $0x3378, v29;
	[tilespmem:$0x1FFE0] =	vst v41  }
0x2c: {  	v0 =	vor.u32 $0x1E60, v29;
	[tilespmem:$0x1FFF0] =	vst v35  }
0x2d: {  	[tilespmem:$0x1FC80] =	vst v0;
	v0 =	vor.u32 $0x1F38, v29  }
0x2e: {  	[tilespmem:$0x1FC90] =	vst v0;
	v0 =	vor.u32 $0x2010, v29  }
0x2f: {  	[tilespmem:$0x1FCA0] =	vst v0;
	v0 =	vor.u32 $0x20E8, v29  }
0x30: {  	[tilespmem:$0x1FCB0] =	vst v0;
	v0 =	vor.u32 $0x21C0, v29  }
0x31: {  	[tilespmem:$0x1FCC0] =	vst v0;
	v0 =	vor.u32 $0x2298, v29  }
0x32: {  	[tilespmem:$0x1FCD0] =	vst v0;
	v0 =	vor.u32 $0x2370, v29  }
0x33: {  	[tilespmem:$0x1FCE0] =	vst v0;
	v0 =	vor.u32 $0x2448, v29  }
0x34: {  	[tilespmem:$0x1FCF0] =	vst v0;
	v0 =	vor.u32 $0x2520, v29  }
0x35: {  	[tilespmem:$0x1FD00] =	vst v0;
	v0 =	vor.u32 $0x25F8, v29  }
0x36: {  	[tilespmem:$0x1FD10] =	vst v0;
	v0 =	vor.u32 $0x26D0, v29  }
0x37: {  	[tilespmem:$0x1FD20] =	vst v0;
	v0 =	vor.u32 $0x27A8, v29  }
0x38: {  	[tilespmem:$0x1FD30] =	vst v0;
	v0 =	vor.u32 $0x2880, v29  }
0x39: {  	[tilespmem:$0x1FD40] =	vst v0;
	v0 =	vor.u32 $0x2958, v29  }
0x3a: {  	[tilespmem:$0x1FD50] =	vst v0;
	v0 =	vor.u32 $0x2A30, v29  }
0x3b: {  	s7 =	srdreg.scid;
	s5 =	stileid.u32;
	s14 =	simm.s32 $0x7000;
	[tilespmem:$0x1FD60] =	vst v0;
	v0 =	vor.u32 $0x2B08, v29  }
0x3c: {  	s15 =	simm.s32 $0x7400;
	s16 =	simm.s32 $0x80;
	s17 =	simm.s32 $0x7500;
	[tilespmem:$0x1FD70] =	vst v0;
	v0 =	vor.u32 $0x2BE0, v29  }
0x3d: {  	s18 =	simm.s32 $0x1;
	s19 =	simm.s32 $0x0;
	s3 =	sadd.s32 $0x1AE00, s9;
	[tilespmem:$0x1FD80] =	vst v0;
	v0 =	vor.u32 $0x2CB8, v29  }
0x3e: {  	s4 =	sadd.s32 $0x1E00, s9;
	s6 =	sadd.s32 $0xF44200, s9;
	s10 =	sand.u32 $0x1, s7;
	[tilespmem:$0x1FD90] =	vst v0;
	v0 =	vor.u32 $0x2D90, v29  }
0x3f: {  	s7 =	sadd.s32 $0x1000, s9;
	s12 =	sshll.u32 s5, $0x1;
	s11 =	ssub.s32 $0x2, s10;
	[tilespmem:$0x1FDA0] =	vst v0;
	v0 =	vor.u32 $0x2E68, v29  }
0x40: {  	s8 =	sadd.s32 $0x34000, s9;
	s9 =	sadd.s32 $0x33E00, s9;
	s13 =	sshrl.u32 s11, $0x1;
	[tilespmem:$0x1FDB0] =	vst v0;
	v0 =	vor.u32 $0x2F40, v29  }
0x41: {  	s10 =	sor.u32 s10, s12;
	s12 =	simm.s32 $0x2;
	s11 =	ssub.s32 s11, s13;
	[tilespmem:$0x1FDC0] =	vst v0;
	v0 =	vor.u32 $0x3018, v29  }
0x42: {  	s10 =	smul.u32 $0x6400, s10;
	s13 =	simm.s32 $0x6C00;
	s11 =	smax.u32 s11, $0x1;
	[tilespmem:$0x1FDD0] =	vst v0  }
.LBB2_1:
0x43: {  	[tilespmem:s2], [sflag:$0x2] =	stream.linear.gather [hbm4b:s7+s2], $0x6C00, $0x38;
	[tilespmem:$0x9500] =	vst v63  }
0x44: {  	_ =	swait.ge [sflag:s12], $0x6C00  }
0x45: {  	[sflag:s12] =	ssyncset.done $0x0  }
0x46: {  	[sflag:s12] =	ssyncadd.s32 $0xFFFF9400  }
0x47: {  	[tilespmem:s13], [sflag:$0x2] =	stream.linear.gather [hbm4b:s8+s2], $0x400, $0x38;
	[tilespmem:$0x9500] =	vst v63  }
0x48: {  	_ =	swait.ge [sflag:s12], $0x400  }
0x49: {  	[sflag:s12] =	ssyncset.done $0x0  }
0x4a: {  	[sflag:s12] =	ssyncadd.s32 $0xFFFFFC00  }
0x4b: {  	[tilespmem:s14], [sflag:$0x2] =	stream.linear.gather [hbm4b:s9+s2], $0x400, $0x38;
	[tilespmem:$0x9500] =	vst v63  }
0x4c: {  	_ =	swait.ge [sflag:s12], $0x400  }
0x4d: {  	[sflag:s12] =	ssyncset.done $0x0  }
0x4e: {  	s20 =	simm.s32 $0x0;
	s21 =	simm.s32 $0x0;
	[sflag:s12] =	ssyncadd.s32 $0xFFFFFC00  }
.LBB2_2:
0x4f: {  	s22 =	sshll.u32 s21, $0x7  }
0x50: {  	s22 =	sadd.s32 s10, s22  }
0x51: {  	s24 =	sshrl.u32 s22, $0x3  }
0x52: {  	s23 =	simm.s32 $0x0;
	s25 =	sadd.s32 s3, s24  }
0x53: {  	[tilespmem:s15], [sflag:$0x2] =	stream.linear.gather [hbm4b:s25+s23], $0x80, $0x38;
	[tilespmem:$0x9500] =	vst v63  }
0x54: {  	_ =	swait.ge [sflag:s12], $0x80  }
0x55: {  	[sflag:s12] =	ssyncset.done $0x0  }
0x56: {  	s31 =	sadd.s32 s4, s24;
	s24 =	simm.s32 $0x7480;
	[sflag:s12] =	ssyncadd.s32 $0xFFFFFF80  }
0x57: {  	[tilespmem:s24], [sflag:$0x2] =	stream.linear.gather [hbm4b:s31+s23], $0x80, $0x38;
	[tilespmem:$0x9500] =	vst v63  }
0x58: {  	_ =	swait.ge [sflag:s12], $0x80  }
0x59: {  	[sflag:s12] =	ssyncset.done $0x0  }
0x5a: {  	[sflag:s12] =	ssyncadd.s32 $0xFFFFFF80  }
0x5b: {  	[tilespmem:s17], [sflag:$0x1] =	stream.indirect.gather [hbm4b:s6+s16], $0x40, s15, s16, $0xb8;
	[tilespmem:$0x9500] =	vst v63  }
0x5c: {  	_ =	swait.ge [sflag:s18], $0x2000  }
0x5d: {  	[sflag:s18] =	ssyncset.done $0x0  }
0x5e: {  	s25 =	smov.u32 s20;
	[sflag:s18] =	ssyncadd.s32 $0xFFFFE000  }
.LBB2_3:
0x5f: {  	s26 =	smulhi.u32 $0x51EB851F, s25;
	_ =	sdelay $0x1  }
0x60: {  	v0 =	vld [tilespmem:s24+$0x0];
	s26 =	sshrl.u32 s26, $0x6  }
0x61: {  	s26 =	smul.u32 $0xC8, s26;
	_ =	sdelay $0x1  }
0x62: {  	s26 =	ssub.s32 s20, s26  }
0x63: {  	s26 =	sadd.s32 s26, s23  }
0x64: {  	v1 =	vmov s23;
	v0 =	vmul.u32 $0x3600, v0;
	v2 =	vadd.s32 s26, v22  }
0x65: {  	v1 =	vshll.u32 v1, $0x6;
	v2 =	vand.u32 $0x1F8, v2  }
0x66: {  	v62 =	vor.u32 v3, v1;
	v1 =	vor.u32 v2, v0  }
0x67: {  	v0 =	vor.u32 v29, v1;
	_ =	sdelay $0x3  }
0x68: {  	v2 =	vld.idx.msk [tilespmem:v62+s17+$0x0], $0xffff  }
0x69: {  	v0 =	vld.idx.msk [tilespmem:v0+s2+$0x0], $0xffff;
	_ =	sdelay $0x2  }
0x6a: {  	v29 =	vor.u32 $0x1, v62  }
0x6b: {  	v3 =	vadd.s32 v4, v1  }
0x6c: {  	v50 =	vadd.f32 v0, v2;
	_ =	sdelay $0x1  }
0x6d: {  	[tilespmem:v62+s17+$0x0] =	vst.idx.msk $0xffff, v50  }
0x6e: {  	v0 =	vld.idx.msk [tilespmem:v29+s17+$0x0], $0xffff  }
0x6f: {  	v2 =	vld.idx.msk [tilespmem:v3+s2+$0x0], $0xffff;
	_ =	sdelay $0x2  }
0x70: {  	v22 =	vor.u32 $0x2, v62  }
0x71: {  	v3 =	vadd.s32 v5, v1  }
0x72: {  	v59 =	vadd.f32 v2, v0;
	_ =	sdelay $0x1  }
0x73: {  	[tilespmem:v29+s17+$0x0] =	vst.idx.msk $0xffff, v59  }
0x74: {  	v0 =	vld.idx.msk [tilespmem:v22+s17+$0x0], $0xffff  }
0x75: {  	v2 =	vld.idx.msk [tilespmem:v3+s2+$0x0], $0xffff;
	_ =	sdelay $0x2  }
0x76: {  	v4 =	vor.u32 $0x3, v62  }
0x77: {  	v3 =	vadd.s32 v6, v1  }
0x78: {  	v60 =	vadd.f32 v2, v0;
	_ =	sdelay $0x1  }
0x79: {  	[tilespmem:v22+s17+$0x0] =	vst.idx.msk $0xffff, v60  }
0x7a: {  	v0 =	vld.idx.msk [tilespmem:v4+s17+$0x0], $0xffff  }
0x7b: {  	v2 =	vld.idx.msk [tilespmem:v3+s2+$0x0], $0xffff;
	_ =	sdelay $0x2  }
0x7c: {  	v5 =	vor.u32 $0x4, v62  }
0x7d: {  	v3 =	vadd.s32 v7, v1  }
0x7e: {  	v58 =	vadd.f32 v2, v0;
	_ =	sdelay $0x1  }
0x7f: {  	[tilespmem:v4+s17+$0x0] =	vst.idx.msk $0xffff, v58  }
0x80: {  	v0 =	vld.idx.msk [tilespmem:v5+s17+$0x0], $0xffff  }
0x81: {  	v2 =	vld.idx.msk [tilespmem:v3+s2+$0x0], $0xffff;
	_ =	sdelay $0x2  }
0x82: {  	[tilespmem:$0x1F8C0] =	vst v4;
	v4 =	vor.u32 $0x5, v62  }
0x83: {  	v3 =	vadd.s32 v8, v1  }
0x84: {  	v57 =	vadd.f32 v2, v0;
	_ =	sdelay $0x1  }
0x85: {  	[tilespmem:v5+s17+$0x0] =	vst.idx.msk $0xffff, v57  }
0x86: {  	v0 =	vld.idx.msk [tilespmem:v4+s17+$0x0], $0xffff  }
0x87: {  	v2 =	vld.idx.msk [tilespmem:v3+s2+$0x0], $0xffff;
	_ =	sdelay $0x2  }
0x88: {  	[tilespmem:$0x1F8D0] =	vst v5;
	v5 =	vor.u32 $0x6, v62  }
0x89: {  	v3 =	vadd.s32 v9, v1  }
0x8a: {  	v54 =	vadd.f32 v2, v0;
	_ =	sdelay $0x1  }
0x8b: {  	[tilespmem:v4+s17+$0x0] =	vst.idx.msk $0xffff, v54  }
0x8c: {  	v0 =	vld.idx.msk [tilespmem:v5+s17+$0x0], $0xffff  }
0x8d: {  	v2 =	vld.idx.msk [tilespmem:v3+s2+$0x0], $0xffff;
	_ =	sdelay $0x2  }
0x8e: {  	[tilespmem:$0x1F8E0] =	vst v4;
	v4 =	vor.u32 $0x7, v62  }
0x8f: {  	v3 =	vadd.s32 v10, v1  }
0x90: {  	v56 =	vadd.f32 v2, v0;
	_ =	sdelay $0x1  }
0x91: {  	[tilespmem:v5+s17+$0x0] =	vst.idx.msk $0xffff, v56  }
0x92: {  	v0 =	vld.idx.msk [tilespmem:v4+s17+$0x0], $0xffff  }
0x93: {  	v2 =	vld.idx.msk [tilespmem:v3+s2+$0x0], $0xffff;
	_ =	sdelay $0x2  }
0x94: {  	[tilespmem:$0x1F8F0] =	vst v5;
	v5 =	vor.u32 $0x8, v62  }
0x95: {  	v3 =	vadd.s32 v11, v1  }
0x96: {  	v55 =	vadd.f32 v2, v0;
	_ =	sdelay $0x1  }
0x97: {  	[tilespmem:v4+s17+$0x0] =	vst.idx.msk $0xffff, v55  }
0x98: {  	v0 =	vld.idx.msk [tilespmem:v5+s17+$0x0], $0xffff  }
0x99: {  	v2 =	vld.idx.msk [tilespmem:v3+s2+$0x0], $0xffff;
	_ =	sdelay $0x2  }
0x9a: {  	[tilespmem:$0x1F900] =	vst v4;
	v4 =	vor.u32 $0x9, v62  }
0x9b: {  	v3 =	vadd.s32 v12, v1  }
0x9c: {  	v63 =	vadd.f32 v2, v0;
	_ =	sdelay $0x1  }
0x9d: {  	[tilespmem:v5+s17+$0x0] =	vst.idx.msk $0xffff, v63  }
0x9e: {  	v0 =	vld.idx.msk [tilespmem:v4+s17+$0x0], $0xffff  }
0x9f: {  	v2 =	vld.idx.msk [tilespmem:v3+s2+$0x0], $0xffff;
	_ =	sdelay $0x2  }
0xa0: {  	[tilespmem:$0x1F910] =	vst v5;
	v5 =	vor.u32 $0xA, v62  }
0xa1: {  	v3 =	vadd.s32 v13, v1  }
0xa2: {  	v48 =	vadd.f32 v2, v0;
	_ =	sdelay $0x1  }
0xa3: {  	[tilespmem:v4+s17+$0x0] =	vst.idx.msk $0xffff, v48  }
0xa4: {  	v0 =	vld.idx.msk [tilespmem:v5+s17+$0x0], $0xffff  }
0xa5: {  	v2 =	vld.idx.msk [tilespmem:v3+s2+$0x0], $0xffff;
	_ =	sdelay $0x2  }
0xa6: {  	[tilespmem:$0x1F920] =	vst v4;
	v4 =	vor.u32 $0xB, v62  }
0xa7: {  	v3 =	vadd.s32 v14, v1  }
0xa8: {  	v53 =	vadd.f32 v2, v0;
	_ =	sdelay $0x1  }
0xa9: {  	[tilespmem:v5+s17+$0x0] =	vst.idx.msk $0xffff, v53  }
0xaa: {  	v0 =	vld.idx.msk [tilespmem:v4+s17+$0x0], $0xffff  }
0xab: {  	v2 =	vld.idx.msk [tilespmem:v3+s2+$0x0], $0xffff;
	_ =	sdelay $0x2  }
0xac: {  	[tilespmem:$0x1F930] =	vst v5;
	v5 =	vor.u32 $0xC, v62  }
0xad: {  	v3 =	vadd.s32 v15, v1  }
0xae: {  	v52 =	vadd.f32 v2, v0;
	_ =	sdelay $0x1  }
0xaf: {  	[tilespmem:v4+s17+$0x0] =	vst.idx.msk $0xffff, v52  }
0xb0: {  	v0 =	vld.idx.msk [tilespmem:v5+s17+$0x0], $0xffff  }
0xb1: {  	v2 =	vld.idx.msk [tilespmem:v3+s2+$0x0], $0xffff;
	_ =	sdelay $0x2  }
0xb2: {  	[tilespmem:$0x1F940] =	vst v4;
	v4 =	vor.u32 $0xD, v62  }
0xb3: {  	v3 =	vadd.s32 v16, v1  }
0xb4: {  	v51 =	vadd.f32 v2, v0;
	_ =	sdelay $0x1  }
0xb5: {  	[tilespmem:v5+s17+$0x0] =	vst.idx.msk $0xffff, v51  }
0xb6: {  	v0 =	vld.idx.msk [tilespmem:v4+s17+$0x0], $0xffff  }
0xb7: {  	v2 =	vld.idx.msk [tilespmem:v3+s2+$0x0], $0xffff;
	_ =	sdelay $0x2  }
0xb8: {  	[tilespmem:$0x1F950] =	vst v5;
	v5 =	vor.u32 $0xE, v62  }
0xb9: {  	v3 =	vadd.s32 v17, v1  }
0xba: {  	v49 =	vadd.f32 v2, v0;
	_ =	sdelay $0x1  }
0xbb: {  	[tilespmem:v4+s17+$0x0] =	vst.idx.msk $0xffff, v49  }
0xbc: {  	v0 =	vld.idx.msk [tilespmem:v5+s17+$0x0], $0xffff  }
0xbd: {  	v2 =	vld.idx.msk [tilespmem:v3+s2+$0x0], $0xffff;
	_ =	sdelay $0x2  }
0xbe: {  	[tilespmem:$0x1F960] =	vst v4;
	v4 =	vor.u32 $0xF, v62  }
0xbf: {  	v3 =	vadd.s32 v18, v1  }
0xc0: {  	v47 =	vadd.f32 v2, v0;
	_ =	sdelay $0x1  }
0xc1: {  	[tilespmem:v5+s17+$0x0] =	vst.idx.msk $0xffff, v47  }
0xc2: {  	v0 =	vld.idx.msk [tilespmem:v4+s17+$0x0], $0xffff  }
0xc3: {  	v2 =	vld.idx.msk [tilespmem:v3+s2+$0x0], $0xffff;
	_ =	sdelay $0x2  }
0xc4: {  	[tilespmem:$0x1F970] =	vst v5;
	v5 =	vor.u32 $0x10, v62  }
0xc5: {  	v3 =	vadd.s32 v19, v1  }
0xc6: {  	v46 =	vadd.f32 v2, v0;
	_ =	sdelay $0x1  }
0xc7: {  	[tilespmem:v4+s17+$0x0] =	vst.idx.msk $0xffff, v46  }
0xc8: {  	v0 =	vld.idx.msk [tilespmem:v5+s17+$0x0], $0xffff  }
0xc9: {  	v2 =	vld.idx.msk [tilespmem:v3+s2+$0x0], $0xffff;
	_ =	sdelay $0x2  }
0xca: {  	[tilespmem:$0x1F980] =	vst v4;
	v4 =	vor.u32 $0x11, v62  }
0xcb: {  	v3 =	vadd.s32 v20, v1  }
0xcc: {  	v40 =	vadd.f32 v2, v0;
	_ =	sdelay $0x1  }
0xcd: {  	[tilespmem:v5+s17+$0x0] =	vst.idx.msk $0xffff, v40  }
0xce: {  	v0 =	vld.idx.msk [tilespmem:v4+s17+$0x0], $0xffff  }
0xcf: {  	v2 =	vld.idx.msk [tilespmem:v3+s2+$0x0], $0xffff;
	_ =	sdelay $0x2  }
0xd0: {  	[tilespmem:$0x1F990] =	vst v5;
	v5 =	vor.u32 $0x12, v62  }
0xd1: {  	v3 =	vadd.s32 v21, v1  }
0xd2: {  	v45 =	vadd.f32 v2, v0;
	_ =	sdelay $0x1  }
0xd3: {  	[tilespmem:v4+s17+$0x0] =	vst.idx.msk $0xffff, v45  }
0xd4: {  	v0 =	vld.idx.msk [tilespmem:v5+s17+$0x0], $0xffff  }
0xd5: {  	v2 =	vld.idx.msk [tilespmem:v3+s2+$0x0], $0xffff;
	_ =	sdelay $0x2  }
0xd6: {  	[tilespmem:$0x1F9A0] =	vst v4;
	v4 =	vor.u32 $0x13, v62  }
0xd7: {  	v3 =	vadd.s32 v23, v1  }
0xd8: {  	v44 =	vadd.f32 v2, v0;
	_ =	sdelay $0x1  }
0xd9: {  	[tilespmem:v5+s17+$0x0] =	vst.idx.msk $0xffff, v44  }
0xda: {  	v0 =	vld.idx.msk [tilespmem:v4+s17+$0x0], $0xffff  }
0xdb: {  	v2 =	vld.idx.msk [tilespmem:v3+s2+$0x0], $0xffff;
	_ =	sdelay $0x2  }
0xdc: {  	[tilespmem:$0x1F9B0] =	vst v5;
	v5 =	vor.u32 $0x14, v62  }
0xdd: {  	v3 =	vadd.s32 v24, v1  }
0xde: {  	v43 =	vadd.f32 v2, v0;
	_ =	sdelay $0x1  }
0xdf: {  	[tilespmem:v4+s17+$0x0] =	vst.idx.msk $0xffff, v43  }
0xe0: {  	v0 =	vld.idx.msk [tilespmem:v5+s17+$0x0], $0xffff  }
0xe1: {  	v2 =	vld.idx.msk [tilespmem:v3+s2+$0x0], $0xffff;
	_ =	sdelay $0x2  }
0xe2: {  	[tilespmem:$0x1F9C0] =	vst v4;
	v4 =	vor.u32 $0x15, v62  }
0xe3: {  	v3 =	vadd.s32 v25, v1  }
0xe4: {  	v42 =	vadd.f32 v2, v0;
	_ =	sdelay $0x1  }
0xe5: {  	[tilespmem:v5+s17+$0x0] =	vst.idx.msk $0xffff, v42  }
0xe6: {  	v0 =	vld.idx.msk [tilespmem:v4+s17+$0x0], $0xffff  }
0xe7: {  	v2 =	vld.idx.msk [tilespmem:v3+s2+$0x0], $0xffff;
	_ =	sdelay $0x2  }
0xe8: {  	[tilespmem:$0x1F9D0] =	vst v5;
	v5 =	vor.u32 $0x16, v62  }
0xe9: {  	v3 =	vadd.s32 v26, v1  }
0xea: {  	v41 =	vadd.f32 v2, v0;
	_ =	sdelay $0x1  }
0xeb: {  	[tilespmem:v4+s17+$0x0] =	vst.idx.msk $0xffff, v41  }
0xec: {  	v0 =	vld.idx.msk [tilespmem:v5+s17+$0x0], $0xffff  }
0xed: {  	v2 =	vld.idx.msk [tilespmem:v3+s2+$0x0], $0xffff;
	_ =	sdelay $0x2  }
0xee: {  	[tilespmem:$0x1F9E0] =	vst v4;
	v4 =	vor.u32 $0x17, v62  }
0xef: {  	v3 =	vadd.s32 v27, v1  }
0xf0: {  	v39 =	vadd.f32 v2, v0;
	_ =	sdelay $0x1  }
0xf1: {  	[tilespmem:v5+s17+$0x0] =	vst.idx.msk $0xffff, v39  }
0xf2: {  	v0 =	vld.idx.msk [tilespmem:v4+s17+$0x0], $0xffff  }
0xf3: {  	v2 =	vld.idx.msk [tilespmem:v3+s2+$0x0], $0xffff;
	_ =	sdelay $0x2  }
0xf4: {  	[tilespmem:$0x1F9F0] =	vst v5;
	v5 =	vor.u32 $0x18, v62  }
0xf5: {  	v3 =	vadd.s32 v28, v1  }
0xf6: {  	v32 =	vadd.f32 v2, v0;
	_ =	sdelay $0x1  }
0xf7: {  	[tilespmem:v4+s17+$0x0] =	vst.idx.msk $0xffff, v32  }
0xf8: {  	v0 =	vld.idx.msk [tilespmem:v5+s17+$0x0], $0xffff  }
0xf9: {  	v2 =	vld.idx.msk [tilespmem:v3+s2+$0x0], $0xffff;
	_ =	sdelay $0x2  }
0xfa: {  	[tilespmem:$0x1FA00] =	vst v4;
	v4 =	vor.u32 $0x19, v62  }
0xfb: {  	v3 =	vadd.s32 v30, v1  }
0xfc: {  	v38 =	vadd.f32 v2, v0;
	_ =	sdelay $0x1  }
0xfd: {  	[tilespmem:v5+s17+$0x0] =	vst.idx.msk $0xffff, v38  }
0xfe: {  	v0 =	vld.idx.msk [tilespmem:v4+s17+$0x0], $0xffff  }
0xff: {  	v2 =	vld.idx.msk [tilespmem:v3+s2+$0x0], $0xffff;
	_ =	sdelay $0x2  }
0x100: {  	[tilespmem:$0x1FA10] =	vst v5;
	v5 =	vor.u32 $0x1A, v62  }
0x101: {  	v3 =	vadd.s32 v31, v1  }
0x102: {  	v37 =	vadd.f32 v2, v0;
	_ =	sdelay $0x1  }
0x103: {  	[tilespmem:v4+s17+$0x0] =	vst.idx.msk $0xffff, v37  }
0x104: {  	v0 =	vld.idx.msk [tilespmem:v5+s17+$0x0], $0xffff  }
0x105: {  	v2 =	vld.idx.msk [tilespmem:v3+s2+$0x0], $0xffff;
	_ =	sdelay $0x2  }
0x106: {  	[tilespmem:$0x1FA20] =	vst v4;
	v4 =	vor.u32 $0x1B, v62  }
0x107: {  	v3 =	vadd.s32 v33, v1  }
0x108: {  	v36 =	vadd.f32 v2, v0;
	_ =	sdelay $0x1  }
0x109: {  	[tilespmem:v5+s17+$0x0] =	vst.idx.msk $0xffff, v36  }
0x10a: {  	v0 =	vld.idx.msk [tilespmem:v4+s17+$0x0], $0xffff  }
0x10b: {  	v2 =	vld.idx.msk [tilespmem:v3+s2+$0x0], $0xffff;
	_ =	sdelay $0x2  }
0x10c: {  	v3 =	vadd.s32 v34, v1;
	_ =	sdelay $0x1  }
0x10d: {  	v35 =	vadd.f32 v2, v0  }
0x10e: {  	[tilespmem:$0x1FA30] =	vst v5;
	v5 =	vor.u32 $0x1C, v62  }
0x10f: {  	[tilespmem:v4+s17+$0x0] =	vst.idx.msk $0xffff, v35  }
0x110: {  	v2 =	vld.idx.msk [tilespmem:v3+s2+$0x0], $0xffff  }
0x111: {  	v3 =	vld [tilespmem:$0x1FC10];
	_ =	sdelay $0x1  }
0x112: {  	v0 =	vld.idx.msk [tilespmem:v5+s17+$0x0], $0xffff;
	_ =	sdelay $0x2  }
0x113: {  	v3 =	vadd.s32 v3, v1;
	_ =	sdelay $0x1  }
0x114: {  	v34 =	vadd.f32 v2, v0  }
0x115: {  	[tilespmem:$0x1FA40] =	vst v4;
	v4 =	vor.u32 $0x1D, v62  }
0x116: {  	[tilespmem:v5+s17+$0x0] =	vst.idx.msk $0xffff, v34  }
0x117: {  	v2 =	vld.idx.msk [tilespmem:v3+s2+$0x0], $0xffff  }
0x118: {  	v3 =	vld [tilespmem:$0x1FC20];
	_ =	sdelay $0x1  }
0x119: {  	v0 =	vld.idx.msk [tilespmem:v4+s17+$0x0], $0xffff;
	_ =	sdelay $0x2  }
0x11a: {  	v3 =	vadd.s32 v3, v1;
	_ =	sdelay $0x1  }
0x11b: {  	v33 =	vadd.f32 v2, v0  }
0x11c: {  	[tilespmem:$0x1FA50] =	vst v5;
	v5 =	vor.u32 $0x1E, v62  }
0x11d: {  	[tilespmem:v4+s17+$0x0] =	vst.idx.msk $0xffff, v33  }
0x11e: {  	v2 =	vld.idx.msk [tilespmem:v3+s2+$0x0], $0xffff  }
0x11f: {  	v3 =	vld [tilespmem:$0x1FC30];
	_ =	sdelay $0x1  }
0x120: {  	v0 =	vld.idx.msk [tilespmem:v5+s17+$0x0], $0xffff;
	_ =	sdelay $0x1  }
0x121: {  	[tilespmem:$0x1F8B0] =	vst v22  }
0x122: {  	[tilespmem:$0x1F8A0] =	vst v29;
	v3 =	vadd.s32 v3, v1  }
0x123: {  	[tilespmem:$0x1FA60] =	vst v4  }
0x124: {  	[tilespmem:$0x1FA70] =	vst v5;
	v4 =	vor.u32 $0x1F, v62;
	v31 =	vadd.f32 v2, v0  }
0x125: {  	[tilespmem:$0x1FA80] =	vst v4  }
0x126: {  	[tilespmem:v5+s17+$0x0] =	vst.idx.msk $0xffff, v31  }
0x127: {  	v0 =	vld.idx.msk [tilespmem:v3+s2+$0x0], $0xffff  }
0x128: {  	v3 =	vld [tilespmem:$0x1FC40];
	_ =	sdelay $0x1  }
0x129: {  	v2 =	vld.idx.msk [tilespmem:v4+s17+$0x0], $0xffff;
	_ =	sdelay $0x2  }
0x12a: {  	v3 =	vadd.s32 v3, v1;
	_ =	sdelay $0x1  }
0x12b: {  	v30 =	vadd.f32 v0, v2  }
0x12c: {  	v5 =	vor.u32 $0x20, v62  }
0x12d: {  	[tilespmem:v4+s17+$0x0] =	vst.idx.msk $0xffff, v30  }
0x12e: {  	v0 =	vld.idx.msk [tilespmem:v3+s2+$0x0], $0xffff  }
0x12f: {  	v3 =	vld [tilespmem:$0x1FC50];
	_ =	sdelay $0x1  }
0x130: {  	v2 =	vld.idx.msk [tilespmem:v5+s17+$0x0], $0xffff;
	_ =	sdelay $0x2  }
0x131: {  	v3 =	vadd.s32 v3, v1;
	_ =	sdelay $0x1  }
0x132: {  	v29 =	vadd.f32 v0, v2  }
0x133: {  	v4 =	vor.u32 $0x21, v62  }
0x134: {  	[tilespmem:v5+s17+$0x0] =	vst.idx.msk $0xffff, v29  }
0x135: {  	v0 =	vld.idx.msk [tilespmem:v3+s2+$0x0], $0xffff  }
0x136: {  	v3 =	vld [tilespmem:$0x1FC60];
	_ =	sdelay $0x1  }
0x137: {  	v2 =	vld.idx.msk [tilespmem:v4+s17+$0x0], $0xffff;
	_ =	sdelay $0x2  }
0x138: {  	v3 =	vadd.s32 v3, v1;
	_ =	sdelay $0x1  }
0x139: {  	v28 =	vadd.f32 v0, v2  }
0x13a: {  	[tilespmem:$0x1FA90] =	vst v5;
	v5 =	vor.u32 $0x22, v62  }
0x13b: {  	[tilespmem:v4+s17+$0x0] =	vst.idx.msk $0xffff, v28  }
0x13c: {  	v0 =	vld.idx.msk [tilespmem:v3+s2+$0x0], $0xffff  }
0x13d: {  	v3 =	vld [tilespmem:$0x1FC70];
	_ =	sdelay $0x1  }
0x13e: {  	v2 =	vld.idx.msk [tilespmem:v5+s17+$0x0], $0xffff;
	_ =	sdelay $0x2  }
0x13f: {  	v3 =	vadd.s32 v3, v1;
	_ =	sdelay $0x1  }
0x140: {  	v27 =	vadd.f32 v0, v2  }
0x141: {  	[tilespmem:$0x1FAA0] =	vst v4;
	v4 =	vor.u32 $0x23, v62  }
0x142: {  	[tilespmem:v5+s17+$0x0] =	vst.idx.msk $0xffff, v27  }
0x143: {  	v0 =	vld.idx.msk [tilespmem:v3+s2+$0x0], $0xffff  }
0x144: {  	v3 =	vld [tilespmem:$0x1FC80];
	_ =	sdelay $0x1  }
0x145: {  	v2 =	vld.idx.msk [tilespmem:v4+s17+$0x0], $0xffff;
	_ =	sdelay $0x2  }
0x146: {  	v3 =	vadd.s32 v3, v1;
	_ =	sdelay $0x1  }
0x147: {  	v26 =	vadd.f32 v0, v2  }
0x148: {  	[tilespmem:$0x1FAB0] =	vst v5;
	v5 =	vor.u32 $0x24, v62  }
0x149: {  	[tilespmem:v4+s17+$0x0] =	vst.idx.msk $0xffff, v26  }
0x14a: {  	v0 =	vld.idx.msk [tilespmem:v3+s2+$0x0], $0xffff  }
0x14b: {  	v3 =	vld [tilespmem:$0x1FC90];
	_ =	sdelay $0x1  }
0x14c: {  	v2 =	vld.idx.msk [tilespmem:v5+s17+$0x0], $0xffff;
	_ =	sdelay $0x2  }
0x14d: {  	v3 =	vadd.s32 v3, v1;
	_ =	sdelay $0x1  }
0x14e: {  	v25 =	vadd.f32 v0, v2  }
0x14f: {  	[tilespmem:$0x1FAC0] =	vst v4;
	v4 =	vor.u32 $0x25, v62  }
0x150: {  	[tilespmem:v5+s17+$0x0] =	vst.idx.msk $0xffff, v25  }
0x151: {  	v0 =	vld.idx.msk [tilespmem:v3+s2+$0x0], $0xffff  }
0x152: {  	v3 =	vld [tilespmem:$0x1FCA0];
	_ =	sdelay $0x1  }
0x153: {  	v2 =	vld.idx.msk [tilespmem:v4+s17+$0x0], $0xffff;
	_ =	sdelay $0x2  }
0x154: {  	v3 =	vadd.s32 v3, v1;
	_ =	sdelay $0x1  }
0x155: {  	v24 =	vadd.f32 v0, v2  }
0x156: {  	[tilespmem:$0x1FAD0] =	vst v5;
	v5 =	vor.u32 $0x26, v62  }
0x157: {  	[tilespmem:v4+s17+$0x0] =	vst.idx.msk $0xffff, v24  }
0x158: {  	v0 =	vld.idx.msk [tilespmem:v3+s2+$0x0], $0xffff  }
0x159: {  	v3 =	vld [tilespmem:$0x1FCB0];
	_ =	sdelay $0x1  }
0x15a: {  	v2 =	vld.idx.msk [tilespmem:v5+s17+$0x0], $0xffff;
	_ =	sdelay $0x2  }
0x15b: {  	v3 =	vadd.s32 v3, v1;
	_ =	sdelay $0x1  }
0x15c: {  	v23 =	vadd.f32 v0, v2  }
0x15d: {  	[tilespmem:$0x1FAE0] =	vst v4;
	v4 =	vor.u32 $0x27, v62  }
0x15e: {  	[tilespmem:v5+s17+$0x0] =	vst.idx.msk $0xffff, v23  }
0x15f: {  	v0 =	vld.idx.msk [tilespmem:v3+s2+$0x0], $0xffff  }
0x160: {  	v3 =	vld [tilespmem:$0x1FCC0];
	_ =	sdelay $0x1  }
0x161: {  	v2 =	vld.idx.msk [tilespmem:v4+s17+$0x0], $0xffff;
	_ =	sdelay $0x2  }
0x162: {  	v3 =	vadd.s32 v3, v1;
	_ =	sdelay $0x1  }
0x163: {  	v22 =	vadd.f32 v0, v2  }
0x164: {  	[tilespmem:$0x1FAF0] =	vst v5;
	v5 =	vor.u32 $0x28, v62  }
0x165: {  	[tilespmem:v4+s17+$0x0] =	vst.idx.msk $0xffff, v22  }
0x166: {  	v0 =	vld.idx.msk [tilespmem:v3+s2+$0x0], $0xffff  }
0x167: {  	v3 =	vld [tilespmem:$0x1FCD0];
	_ =	sdelay $0x1  }
0x168: {  	v2 =	vld.idx.msk [tilespmem:v5+s17+$0x0], $0xffff;
	_ =	sdelay $0x2  }
0x169: {  	v3 =	vadd.s32 v3, v1;
	_ =	sdelay $0x1  }
0x16a: {  	v21 =	vadd.f32 v0, v2  }
0x16b: {  	[tilespmem:$0x1FB00] =	vst v4;
	v4 =	vor.u32 $0x29, v62  }
0x16c: {  	[tilespmem:v5+s17+$0x0] =	vst.idx.msk $0xffff, v21  }
0x16d: {  	v0 =	vld.idx.msk [tilespmem:v3+s2+$0x0], $0xffff  }
0x16e: {  	v3 =	vld [tilespmem:$0x1FCE0];
	_ =	sdelay $0x1  }
0x16f: {  	v2 =	vld.idx.msk [tilespmem:v4+s17+$0x0], $0xffff;
	_ =	sdelay $0x2  }
0x170: {  	v3 =	vadd.s32 v3, v1;
	_ =	sdelay $0x1  }
0x171: {  	v20 =	vadd.f32 v0, v2  }
0x172: {  	[tilespmem:$0x1FB10] =	vst v5;
	v5 =	vor.u32 $0x2A, v62  }
0x173: {  	[tilespmem:v4+s17+$0x0] =	vst.idx.msk $0xffff, v20  }
0x174: {  	v0 =	vld.idx.msk [tilespmem:v3+s2+$0x0], $0xffff  }
0x175: {  	v3 =	vld [tilespmem:$0x1FCF0];
	_ =	sdelay $0x1  }
0x176: {  	v2 =	vld.idx.msk [tilespmem:v5+s17+$0x0], $0xffff;
	_ =	sdelay $0x2  }
0x177: {  	v3 =	vadd.s32 v3, v1;
	_ =	sdelay $0x1  }
0x178: {  	v19 =	vadd.f32 v0, v2  }
0x179: {  	[tilespmem:$0x1FB20] =	vst v4;
	v4 =	vor.u32 $0x2B, v62  }
0x17a: {  	[tilespmem:v5+s17+$0x0] =	vst.idx.msk $0xffff, v19  }
0x17b: {  	v0 =	vld.idx.msk [tilespmem:v3+s2+$0x0], $0xffff  }
0x17c: {  	v3 =	vld [tilespmem:$0x1FD00];
	_ =	sdelay $0x1  }
0x17d: {  	v2 =	vld.idx.msk [tilespmem:v4+s17+$0x0], $0xffff;
	_ =	sdelay $0x2  }
0x17e: {  	v3 =	vadd.s32 v3, v1;
	_ =	sdelay $0x1  }
0x17f: {  	v18 =	vadd.f32 v0, v2  }
0x180: {  	[tilespmem:$0x1FB30] =	vst v5;
	v5 =	vor.u32 $0x2C, v62  }
0x181: {  	[tilespmem:v4+s17+$0x0] =	vst.idx.msk $0xffff, v18  }
0x182: {  	v0 =	vld.idx.msk [tilespmem:v3+s2+$0x0], $0xffff  }
0x183: {  	v3 =	vld [tilespmem:$0x1FD10];
	_ =	sdelay $0x1  }
0x184: {  	v2 =	vld.idx.msk [tilespmem:v5+s17+$0x0], $0xffff;
	_ =	sdelay $0x2  }
0x185: {  	v3 =	vadd.s32 v3, v1;
	_ =	sdelay $0x1  }
0x186: {  	v17 =	vadd.f32 v0, v2  }
0x187: {  	[tilespmem:$0x1FB40] =	vst v4;
	v4 =	vor.u32 $0x2D, v62  }
0x188: {  	[tilespmem:v5+s17+$0x0] =	vst.idx.msk $0xffff, v17  }
0x189: {  	v0 =	vld.idx.msk [tilespmem:v3+s2+$0x0], $0xffff  }
0x18a: {  	v3 =	vld [tilespmem:$0x1FD20];
	_ =	sdelay $0x1  }
0x18b: {  	v2 =	vld.idx.msk [tilespmem:v4+s17+$0x0], $0xffff;
	_ =	sdelay $0x2  }
0x18c: {  	v3 =	vadd.s32 v3, v1;
	_ =	sdelay $0x1  }
0x18d: {  	v16 =	vadd.f32 v0, v2  }
0x18e: {  	[tilespmem:$0x1FB50] =	vst v5;
	v5 =	vor.u32 $0x2E, v62  }
0x18f: {  	[tilespmem:v4+s17+$0x0] =	vst.idx.msk $0xffff, v16  }
0x190: {  	v0 =	vld.idx.msk [tilespmem:v3+s2+$0x0], $0xffff  }
0x191: {  	v3 =	vld [tilespmem:$0x1FD30];
	_ =	sdelay $0x1  }
0x192: {  	v2 =	vld.idx.msk [tilespmem:v5+s17+$0x0], $0xffff;
	_ =	sdelay $0x2  }
0x193: {  	v3 =	vadd.s32 v3, v1;
	_ =	sdelay $0x1  }
0x194: {  	v15 =	vadd.f32 v0, v2  }
0x195: {  	[tilespmem:$0x1FB60] =	vst v4;
	v4 =	vor.u32 $0x2F, v62  }
0x196: {  	[tilespmem:v5+s17+$0x0] =	vst.idx.msk $0xffff, v15  }
0x197: {  	v0 =	vld.idx.msk [tilespmem:v3+s2+$0x0], $0xffff  }
0x198: {  	v3 =	vld [tilespmem:$0x1FD40];
	_ =	sdelay $0x1  }
0x199: {  	v2 =	vld.idx.msk [tilespmem:v4+s17+$0x0], $0xffff;
	_ =	sdelay $0x2  }
0x19a: {  	v3 =	vadd.s32 v3, v1;
	_ =	sdelay $0x1  }
0x19b: {  	v14 =	vadd.f32 v0, v2  }
0x19c: {  	[tilespmem:$0x1FB70] =	vst v5;
	v5 =	vor.u32 $0x30, v62  }
0x19d: {  	[tilespmem:v4+s17+$0x0] =	vst.idx.msk $0xffff, v14  }
0x19e: {  	v0 =	vld.idx.msk [tilespmem:v3+s2+$0x0], $0xffff  }
0x19f: {  	v3 =	vld [tilespmem:$0x1FD50];
	_ =	sdelay $0x1  }
0x1a0: {  	v2 =	vld.idx.msk [tilespmem:v5+s17+$0x0], $0xffff;
	_ =	sdelay $0x2  }
0x1a1: {  	v3 =	vadd.s32 v3, v1;
	_ =	sdelay $0x1  }
0x1a2: {  	v13 =	vadd.f32 v0, v2  }
0x1a3: {  	[tilespmem:$0x1FB80] =	vst v4;
	v4 =	vor.u32 $0x31, v62  }
0x1a4: {  	[tilespmem:v5+s17+$0x0] =	vst.idx.msk $0xffff, v13  }
0x1a5: {  	v0 =	vld.idx.msk [tilespmem:v3+s2+$0x0], $0xffff  }
0x1a6: {  	v3 =	vld [tilespmem:$0x1FD60];
	_ =	sdelay $0x1  }
0x1a7: {  	v2 =	vld.idx.msk [tilespmem:v4+s17+$0x0], $0xffff;
	_ =	sdelay $0x2  }
0x1a8: {  	v3 =	vadd.s32 v3, v1;
	_ =	sdelay $0x1  }
0x1a9: {  	v12 =	vadd.f32 v0, v2  }
0x1aa: {  	[tilespmem:$0x1FB90] =	vst v5;
	v5 =	vor.u32 $0x32, v62  }
0x1ab: {  	[tilespmem:v4+s17+$0x0] =	vst.idx.msk $0xffff, v12  }
0x1ac: {  	v0 =	vld.idx.msk [tilespmem:v3+s2+$0x0], $0xffff  }
0x1ad: {  	v3 =	vld [tilespmem:$0x1FD70];
	_ =	sdelay $0x1  }
0x1ae: {  	v2 =	vld.idx.msk [tilespmem:v5+s17+$0x0], $0xffff;
	_ =	sdelay $0x2  }
0x1af: {  	v3 =	vadd.s32 v3, v1;
	_ =	sdelay $0x1  }
0x1b0: {  	v11 =	vadd.f32 v0, v2  }
0x1b1: {  	[tilespmem:$0x1FBA0] =	vst v4;
	v4 =	vor.u32 $0x33, v62  }
0x1b2: {  	[tilespmem:v5+s17+$0x0] =	vst.idx.msk $0xffff, v11  }
0x1b3: {  	v0 =	vld.idx.msk [tilespmem:v3+s2+$0x0], $0xffff  }
0x1b4: {  	v3 =	vld [tilespmem:$0x1FD80];
	_ =	sdelay $0x1  }
0x1b5: {  	v2 =	vld.idx.msk [tilespmem:v4+s17+$0x0], $0xffff;
	_ =	sdelay $0x2  }
0x1b6: {  	v3 =	vadd.s32 v3, v1;
	_ =	sdelay $0x1  }
0x1b7: {  	v10 =	vadd.f32 v0, v2  }
0x1b8: {  	[tilespmem:$0x1FBB0] =	vst v5;
	v5 =	vor.u32 $0x34, v62  }
0x1b9: {  	[tilespmem:v4+s17+$0x0] =	vst.idx.msk $0xffff, v10  }
0x1ba: {  	v0 =	vld.idx.msk [tilespmem:v3+s2+$0x0], $0xffff  }
0x1bb: {  	v3 =	vld [tilespmem:$0x1FD90];
	_ =	sdelay $0x1  }
0x1bc: {  	v2 =	vld.idx.msk [tilespmem:v5+s17+$0x0], $0xffff;
	_ =	sdelay $0x2  }
0x1bd: {  	v3 =	vadd.s32 v3, v1;
	_ =	sdelay $0x1  }
0x1be: {  	v0 =	vadd.f32 v0, v2  }
0x1bf: {  	[tilespmem:$0x1FBC0] =	vst v4;
	v4 =	vor.u32 $0x35, v62  }
0x1c0: {  	[tilespmem:v5+s17+$0x0] =	vst.idx.msk $0xffff, v0  }
0x1c1: {  	[tilespmem:$0x1F880] =	vst v0;
	v0 =	vld.idx.msk [tilespmem:v3+s2+$0x0], $0xffff  }
0x1c2: {  	v3 =	vld [tilespmem:$0x1FDA0];
	_ =	sdelay $0x1  }
0x1c3: {  	v2 =	vld.idx.msk [tilespmem:v4+s17+$0x0], $0xffff;
	_ =	sdelay $0x2  }
0x1c4: {  	v3 =	vadd.s32 v3, v1  }
0x1c5: {  	[tilespmem:$0x1FBD0] =	vst v5;
	v5 =	vor.u32 $0x36, v62  }
0x1c6: {  	v0 =	vadd.f32 v0, v2;
	_ =	sdelay $0x1  }
0x1c7: {  	v2 =	vld [tilespmem:$0x1FDB0];
	[tilespmem:v4+s17+$0x0] =	vst.idx.msk $0xffff, v0  }
0x1c8: {  	[tilespmem:$0x1F890] =	vst v0;
	v0 =	vld.idx.msk [tilespmem:v3+s2+$0x0], $0xffff  }
0x1c9: {  	v3 =	vld.idx.msk [tilespmem:v5+s17+$0x0], $0xffff;
	_ =	sdelay $0x2  }
0x1ca: {  	v2 =	vadd.s32 v2, v1  }
0x1cb: {  	[tilespmem:$0x1FBE0] =	vst v4;
	v4 =	vor.u32 $0x37, v62  }
0x1cc: {  	v61 =	vadd.f32 v0, v3;
	_ =	sdelay $0x1  }
0x1cd: {  	[tilespmem:v5+s17+$0x0] =	vst.idx.msk $0xffff, v61  }
0x1ce: {  	v2 =	vld.idx.msk [tilespmem:v2+s2+$0x0], $0xffff  }
0x1cf: {  	v3 =	vld.idx.msk [tilespmem:v4+s17+$0x0], $0xffff  }
0x1d0: {  	v0 =	vadd.f32 $0.0e+00, v50;
	_ =	sdelay $0x1  }
0x1d1: {  	v7 =	vadd.f32 v57, v0;
	v0 =	vld [tilespmem:$0x1FDC0]  }
0x1d2: {  	[tilespmem:$0x1FBF0] =	vst v5;
	v5 =	vmul.f32 v50, v50;
	v57 =	vmul.f32 v57, v57  }
0x1d3: {  	v50 =	vadd.f32 v2, v3;
	v2 =	vmul.f32 v59, v59;
	v3 =	vmul.f32 v54, v54  }
0x1d4: {  	v9 =	vadd.f32 $0.0e+00, v59;
	v8 =	vadd.f32 v57, v5  }
0x1d5: {  	v2 =	vadd.f32 v3, v2;
	v3 =	vadd.f32 $0.0e+00, v60  }
0x1d6: {  	v5 =	vadd.f32 $0.0e+00, v58;
	v6 =	vadd.s32 v0, v1;
	v0 =	vor.u32 $0x38, v62  }
0x1d7: {  	v59 =	vmul.f32 v56, v56;
	v3 =	vadd.f32 v56, v3;
	v56 =	vmul.f32 v58, v58  }
0x1d8: {  	v58 =	vmul.f32 v55, v55;
	v55 =	vadd.f32 v55, v5;
	v5 =	vmul.f32 v63, v63  }
0x1d9: {  	[tilespmem:$0x1FC00] =	vst v4  }
0x1da: {  	[tilespmem:v4+s17+$0x0] =	vst.idx.msk $0xffff, v50;
	v4 =	vadd.f32 v5, v8;
	v5 =	vld [tilespmem:$0x1FDD0]  }
0x1db: {  	v57 =	vld.idx.msk [tilespmem:v6+s2+$0x0], $0xffff  }
0x1dc: {  	v9 =	vadd.f32 v54, v9;
	v54 =	vmul.f32 v60, v60;
	v60 =	vld.idx.msk [tilespmem:v0+s17+$0x0], $0xffff;
	_ =	sdelay $0x2  }
0x1dd: {  	v54 =	vadd.f32 v59, v54;
	v59 =	vadd.s32 v5, v1  }
0x1de: {  	v6 =	vadd.f32 v63, v7;
	v7 =	vadd.f32 v48, v9;
	v5 =	vor.u32 $0x39, v62  }
0x1df: {  	v56 =	vadd.f32 v58, v56;
	v58 =	vmul.f32 v48, v48;
	v48 =	vadd.f32 v57, v60  }
0x1e0: {  	v63 =	vmul.f32 v53, v53;
	v3 =	vadd.f32 v53, v3  }
0x1e1: {  	v2 =	vadd.f32 v58, v2;
	v58 =	vld [tilespmem:$0x1FFC0];
	v57 =	vmul.f32 v52, v52;
	[tilespmem:v0+s17+$0x0] =	vst.idx.msk $0xffff, v48  }
0x1e2: {  	v53 =	vadd.f32 v63, v54;
	v63 =	vmul.f32 v51, v51;
	v6 =	vadd.f32 v51, v6;
	v51 =	vld.idx.msk [tilespmem:v59+s2+$0x0], $0xffff  }
0x1e3: {  	v52 =	vadd.f32 v52, v55;
	v54 =	vadd.f32 v57, v56;
	v56 =	vmul.f32 v49, v49;
	v55 =	vld.idx.msk [tilespmem:v5+s17+$0x0], $0xffff;
	_ =	sdelay $0x1  }
0x1e4: {  	v4 =	vadd.f32 v63, v4;
	v56 =	vadd.f32 v56, v2;
	v2 =	vmul.f32 v46, v46  }
0x1e5: {  	v63 =	vmul.f32 v47, v47;
	v3 =	vadd.f32 v47, v3;
	v59 =	vadd.s32 v58, v1  }
0x1e6: {  	v60 =	vmovc v0;
	v0 =	vadd.f32 v49, v7;
	v49 =	vadd.f32 v2, v54;
	v2 =	vor.u32 $0x3A, v62  }
0x1e7: {  	v6 =	vadd.f32 v40, v6;
	v57 =	vmul.f32 v40, v40;
	v40 =	vadd.f32 v51, v55  }
0x1e8: {  	v47 =	vadd.f32 v63, v53;
	v46 =	vadd.f32 v46, v52  }
0x1e9: {  	v63 =	vmul.f32 v45, v45;
	v3 =	vadd.f32 v44, v3;
	v52 =	vld [tilespmem:$0x1FFD0];
	[tilespmem:v5+s17+$0x0] =	vst.idx.msk $0xffff, v40  }
0x1ea: {  	v6 =	vadd.f32 v42, v6;
	v58 =	vmul.f32 v43, v43;
	v43 =	vadd.f32 v43, v46;
	v46 =	vld.idx.msk [tilespmem:v59+s2+$0x0], $0xffff  }
0x1eb: {  	v3 =	vadd.f32 v39, v3;
	v4 =	vadd.f32 v57, v4;
	v57 =	vmul.f32 v44, v44;
	v54 =	vld.idx.msk [tilespmem:v2+s17+$0x0], $0xffff  }
0x1ec: {  	v6 =	vadd.f32 v38, v6;
	v56 =	vadd.f32 v63, v56;
	v59 =	vmul.f32 v42, v42  }
0x1ed: {  	v47 =	vadd.f32 v57, v47;
	v63 =	vmul.f32 v41, v41;
	v44 =	vadd.f32 v58, v49  }
0x1ee: {  	v58 =	vadd.s32 v52, v1;
	v51 =	vadd.f32 v59, v4;
	v4 =	vmul.f32 v39, v39  }
0x1ef: {  	v57 =	vmul.f32 v32, v32;
	v43 =	vadd.f32 v32, v43;
	v55 =	vadd.f32 v63, v56  }
0x1f0: {  	v56 =	vadd.f32 v4, v47;
	v4 =	vor.u32 $0x3B, v62;
	v32 =	vadd.f32 v46, v54  }
0x1f1: {  	v0 =	vadd.f32 v45, v0  }
0x1f2: {  	v3 =	vadd.f32 v36, v3;
	v6 =	vadd.f32 v34, v6;
	[tilespmem:v2+s17+$0x0] =	vst.idx.msk $0xffff, v32  }
0x1f3: {  	v0 =	vadd.f32 v41, v0;
	v49 =	vmul.f32 v37, v37;
	v52 =	vld.idx.msk [tilespmem:v58+s2+$0x0], $0xffff  }
0x1f4: {  	v3 =	vadd.f32 v31, v3;
	v6 =	vadd.f32 v29, v6;
	v58 =	vld [tilespmem:$0x1FFE0]  }
0x1f5: {  	v0 =	vadd.f32 v37, v0;
	v41 =	vadd.f32 v49, v55;
	v59 =	vmul.f32 v38, v38;
	v55 =	vld.idx.msk [tilespmem:v4+s17+$0x0], $0xffff  }
0x1f6: {  	v53 =	vmul.f32 v35, v35;
	v3 =	vadd.f32 v27, v3;
	v6 =	vadd.f32 v25, v6  }
0x1f7: {  	v0 =	vadd.f32 v33, v0;
	v63 =	vadd.f32 v59, v51;
	v54 =	vmul.f32 v34, v34  }
0x1f8: {  	v35 =	vadd.f32 v35, v43;
	v3 =	vadd.f32 v23, v3;
	v46 =	vor.u32 $0x3C, v62  }
0x1f9: {  	v42 =	vadd.f32 v57, v44;
	v38 =	vadd.f32 v54, v63;
	v63 =	vadd.s32 v58, v1  }
0x1fa: {  	v6 =	vadd.f32 v21, v6;
	v51 =	vmul.f32 v36, v36;
	v36 =	vadd.f32 v52, v55  }
0x1fb: {  	v0 =	vadd.f32 v28, v0;
	v49 =	vmul.f32 v29, v29;
	v42 =	vadd.f32 v53, v42  }
0x1fc: {  	v53 =	vld [tilespmem:$0x1FFF0];
	v59 =	vmul.f32 v31, v31;
	v31 =	vmul.f32 v30, v30;
	[tilespmem:v4+s17+$0x0] =	vst.idx.msk $0xffff, v36  }
0x1fd: {  	v30 =	vadd.f32 v30, v35;
	v37 =	vadd.f32 v51, v56;
	v56 =	vmul.f32 v33, v33;
	v52 =	vld.idx.msk [tilespmem:v46+s17+$0x0], $0xffff  }
0x1fe: {  	v29 =	vmul.f32 v28, v28;
	v0 =	vadd.f32 v24, v0;
	v51 =	vmul.f32 v27, v27;
	v28 =	vld.idx.msk [tilespmem:v63+s2+$0x0], $0xffff  }
0x1ff: {  	v27 =	vmul.f32 v26, v26;
	v26 =	vadd.f32 v26, v30;
	v57 =	vadd.f32 v56, v41  }
0x200: {  	v30 =	vmul.f32 v25, v25;
	v34 =	vadd.f32 v59, v37;
	v35 =	vadd.f32 v49, v38  }
0x201: {  	v31 =	vadd.f32 v31, v42;
	v25 =	vmul.f32 v24, v24;
	v29 =	vadd.f32 v29, v57  }
0x202: {  	v24 =	vadd.s32 v53, v1;
	v34 =	vadd.f32 v51, v34;
	v30 =	vadd.f32 v30, v35  }
0x203: {  	v25 =	vadd.f32 v25, v29;
	v29 =	vmul.f32 v23, v23;
	v23 =	vadd.f32 v28, v52  }
0x204: {  	v28 =	vmul.f32 v22, v22;
	v22 =	vadd.f32 v22, v26;
	v26 =	vmul.f32 v21, v21  }
0x205: {  	v6 =	vadd.f32 v17, v6;
	v27 =	vadd.f32 v27, v31;
	v57 =	vor.u32 $0x3D, v62  }
0x206: {  	v29 =	vadd.f32 v29, v34;
	v21 =	vadd.f32 v26, v30;
	v26 =	vmul.f32 v19, v19  }
0x207: {  	v7 =	vld [tilespmem:$0x1F880];
	v3 =	vadd.f32 v19, v3;
	v27 =	vadd.f32 v28, v27;
	v28 =	vmul.f32 v20, v20  }
0x208: {  	v6 =	vadd.f32 v13, v6;
	[tilespmem:v46+s17+$0x0] =	vst.idx.msk $0xffff, v23;
	v19 =	vadd.f32 v26, v29;
	v29 =	vld [tilespmem:$0x1FDE0]  }
0x209: {  	v0 =	vadd.f32 v20, v0;
	v24 =	vld.idx.msk [tilespmem:v24+s2+$0x0], $0xffff;
	v20 =	vadd.f32 v28, v25  }
0x20a: {  	v25 =	vld.idx.msk [tilespmem:v57+s17+$0x0], $0xffff;
	v26 =	vmul.f32 v18, v18;
	v18 =	vadd.f32 v18, v22;
	v22 =	vmul.f32 v17, v17  }
0x20b: {  	v3 =	vadd.f32 v15, v3  }
0x20c: {  	v6 =	vadd.f32 v7, v6;
	v21 =	vadd.f32 v22, v21;
	v22 =	vmul.f32 v16, v16  }
0x20d: {  	v0 =	vadd.f32 v16, v0;
	v63 =	vor.u32 $0x3E, v62;
	v28 =	vor.u32 $0x3450, v29  }
0x20e: {  	v26 =	vadd.f32 v26, v27;
	v20 =	vadd.f32 v22, v20;
	v17 =	vadd.s32 v28, v1  }
0x20f: {  	v22 =	vmul.f32 v13, v13;
	v16 =	vadd.f32 v24, v25;
	v24 =	vmul.f32 v15, v15  }
0x210: {  	v15 =	vmul.f32 v14, v14;
	v14 =	vadd.f32 v14, v18;
	v18 =	vmul.f32 v12, v12  }
0x211: {  	v0 =	vadd.f32 v12, v0;
	v13 =	vadd.f32 v22, v21;
	[tilespmem:v57+s17+$0x0] =	vst.idx.msk $0xffff, v16  }
0x212: {  	v22 =	vlaneseq.u32;
	v15 =	vadd.f32 v15, v26;
	v12 =	vadd.f32 v18, v20;
	v21 =	vld.idx.msk [tilespmem:v63+s17+$0x0], $0xffff  }
0x213: {  	v18 =	vmul.f32 v11, v11;
	v11 =	vadd.f32 v11, v3;
	v3 =	vmul.f32 v10, v10;
	v17 =	vld.idx.msk [tilespmem:v17+s2+$0x0], $0xffff  }
0x214: {  	v6 =	vadd.f32 v48, v6;
	v20 =	vor.u32 $0x3528, v22  }
0x215: {  	v10 =	vadd.f32 v10, v14;
	v14 =	vadd.f32 v3, v15;
	v15 =	vmul.f32 v7, v7;
	v7 =	vld [tilespmem:$0x1F890]  }
0x216: {  	v19 =	vadd.f32 v24, v19;
	v1 =	vadd.s32 v20, v1  }
0x217: {  	v6 =	vadd.f32 v23, v6;
	v3 =	vor.u32 $0x3F, v62  }
0x218: {  	v18 =	vadd.f32 v18, v19;
	v9 =	vadd.f32 v17, v21  }
0x219: {  	v8 =	vmul.f32 v61, v61;
	v10 =	vadd.f32 v50, v10;
	v13 =	vadd.f32 v15, v13  }
0x21a: {  	v15 =	vmul.f32 v50, v50;
	v17 =	vmul.f32 v7, v7;
	[tilespmem:v63+s17+$0x0] =	vst.idx.msk $0xffff, v9  }
0x21b: {  	v0 =	vadd.f32 v7, v0;
	v7 =	vadd.f32 v61, v11;
	v11 =	vmul.f32 v48, v48;
	v1 =	vld.idx.msk [tilespmem:v1+s2+$0x0], $0xffff  }
0x21c: {  	v14 =	vadd.f32 v15, v14;
	v15 =	vmul.f32 v40, v40;
	v12 =	vadd.f32 v17, v12;
	v17 =	vld.idx.msk [tilespmem:v3+s17+$0x0], $0xffff  }
0x21d: {  	v8 =	vadd.f32 v8, v18;
	v11 =	vadd.f32 v11, v13  }
0x21e: {  	v13 =	vmul.f32 v32, v32;
	v12 =	vadd.f32 v15, v12;
	v15 =	vmul.f32 v36, v36  }
0x21f: {  	v10 =	vadd.f32 v36, v10;
	v0 =	vadd.f32 v40, v0  }
0x220: {  	v8 =	vadd.f32 v13, v8;
	v13 =	vadd.f32 v15, v14;
	v14 =	vmul.f32 v23, v23  }
0x221: {  	v7 =	vadd.f32 v32, v7;
	v15 =	vadd.f32 v1, v17  }
0x222: {  	v0 =	vadd.f32 v16, v0;
	v1 =	vadd.f32 v14, v11;
	v11 =	vmul.f32 v16, v16  }
0x223: {  	v7 =	vadd.f32 v9, v7;
	v10 =	vadd.f32 v15, v10  }
0x224: {  	v9 =	vmul.f32 v9, v9;
	v11 =	vadd.f32 v11, v12;
	v12 =	vmul.f32 v15, v15  }
0x225: {  	v0 =	vadd.f32 v0, v6;
	v6 =	vadd.f32 v10, v7  }
0x226: {  	v7 =	vadd.f32 v9, v8;
	v8 =	vadd.f32 v12, v13  }
0x227: {  	v1 =	vadd.f32 v11, v1  }
0x228: {  	v0 =	vadd.f32 v6, v0;
	v6 =	vadd.f32 v8, v7;
	_ =	sdelay $0x1  }
0x229: {  	v6 =	vadd.f32 v6, v1;
	v1 =	vmul.f32 $1.562500000e-02, v0;
	_ =	sdelay $0x1  }
0x22a: {  	v0 =	vmul.f32 $1.562500000e-02, v6;
	v6 =	vmul.f32 v1, v1;
	_ =	sdelay $0x1  }
0x22b: {  	v0 =	vsub.f32 v0, v6;
	_ =	sdelay $0x1  }
0x22c: {  	v0 =	vadd.f32 $9.999999960e-13, v0;
	_ =	sdelay $0x1  }
0x22d: {  	v6 =	vshra.s32 v0, $0x1;
	v0 =	vmul.f32 $5.000000000e-01, v0  }
0x22e: {  	v6 =	vsub.s32 $0x5F3759DF, v6  }
0x22f: {  	v7 =	vmul.f32 v6, v0;
	_ =	sdelay $0x1  }
0x230: {  	v7 =	vmul.f32 v6, v7;
	_ =	sdelay $0x1  }
0x231: {  	v7 =	vsub.f32 $1.500000000e+00, v7;
	_ =	sdelay $0x1  }
0x232: {  	v6 =	vmul.f32 v6, v7;
	_ =	sdelay $0x1  }
0x233: {  	v7 =	vmul.f32 v6, v0;
	_ =	sdelay $0x1  }
0x234: {  	v7 =	vmul.f32 v7, v6;
	_ =	sdelay $0x1  }
0x235: {  	v7 =	vsub.f32 $1.500000000e+00, v7;
	_ =	sdelay $0x1  }
0x236: {  	v6 =	vmul.f32 v7, v6;
	_ =	sdelay $0x1  }
0x237: {  	[tilespmem:v3+s17+$0x0] =	vst.idx.msk $0xffff, v15;
	v0 =	vmul.f32 v6, v0  }
0x238: {  	v7 =	vld.idx.msk [tilespmem:v62+s17+$0x0], $0xffff  }
0x239: {  	v0 =	vmul.f32 v0, v6;
	_ =	sdelay $0x1  }
0x23a: {  	v0 =	vsub.f32 $1.500000000e+00, v0  }
0x23b: {  	v8 =	vld [tilespmem:$0x6C00]  }
0x23c: {  	v54 =	vld [tilespmem:$0x1F8A0];
	v0 =	vmul.f32 v0, v6;
	v6 =	vsub.f32 v7, v1  }
0x23d: {  	v7 =	vld [tilespmem:$0x7000]  }
0x23e: {  	v6 =	vmul.f32 v0, v6;
	_ =	sdelay $0x1  }
0x23f: {  	v6 =	vmul.f32 v6, v8;
	_ =	sdelay $0x1  }
0x240: {  	v6 =	vadd.f32 v6, v7;
	_ =	sdelay $0x1  }
0x241: {  	[tilespmem:v62+s17+$0x0] =	vst.idx.msk $0xffff, v6  }
0x242: {  	v6 =	vld.idx.msk [tilespmem:v54+s17+$0x0], $0xffff;
	_ =	sdelay $0x3  }
0x243: {  	v7 =	vld [tilespmem:$0x6C10]  }
0x244: {  	v55 =	vld [tilespmem:$0x1F8B0];
	v6 =	vsub.f32 v6, v1  }
0x245: {  	v8 =	vld [tilespmem:$0x7010]  }
0x246: {  	v6 =	vmul.f32 v0, v6;
	_ =	sdelay $0x1  }
0x247: {  	v6 =	vmul.f32 v6, v7;
	_ =	sdelay $0x1  }
0x248: {  	v6 =	vadd.f32 v6, v8;
	_ =	sdelay $0x1  }
0x249: {  	[tilespmem:v54+s17+$0x0] =	vst.idx.msk $0xffff, v6  }
0x24a: {  	v6 =	vld.idx.msk [tilespmem:v55+s17+$0x0], $0xffff;
	_ =	sdelay $0x3  }
0x24b: {  	v7 =	vld [tilespmem:$0x6C20]  }
0x24c: {  	v56 =	vld [tilespmem:$0x1F8C0];
	v6 =	vsub.f32 v6, v1  }
0x24d: {  	v8 =	vld [tilespmem:$0x7020]  }
0x24e: {  	v6 =	vmul.f32 v0, v6;
	_ =	sdelay $0x1  }
0x24f: {  	v6 =	vmul.f32 v6, v7;
	_ =	sdelay $0x1  }
0x250: {  	v6 =	vadd.f32 v6, v8;
	_ =	sdelay $0x1  }
0x251: {  	[tilespmem:v55+s17+$0x0] =	vst.idx.msk $0xffff, v6  }
0x252: {  	v6 =	vld.idx.msk [tilespmem:v56+s17+$0x0], $0xffff;
	_ =	sdelay $0x3  }
0x253: {  	v7 =	vld [tilespmem:$0x6C30]  }
0x254: {  	v58 =	vld [tilespmem:$0x1F8D0];
	v6 =	vsub.f32 v6, v1  }
0x255: {  	v8 =	vld [tilespmem:$0x7030]  }
0x256: {  	v6 =	vmul.f32 v0, v6;
	_ =	sdelay $0x1  }
0x257: {  	v6 =	vmul.f32 v6, v7;
	_ =	sdelay $0x1  }
0x258: {  	v6 =	vadd.f32 v6, v8;
	_ =	sdelay $0x1  }
0x259: {  	[tilespmem:v56+s17+$0x0] =	vst.idx.msk $0xffff, v6  }
0x25a: {  	v6 =	vld.idx.msk [tilespmem:v58+s17+$0x0], $0xffff;
	_ =	sdelay $0x3  }
0x25b: {  	v7 =	vld [tilespmem:$0x6C40]  }
0x25c: {  	v59 =	vld [tilespmem:$0x1F8E0];
	v6 =	vsub.f32 v6, v1  }
0x25d: {  	v8 =	vld [tilespmem:$0x7040]  }
0x25e: {  	v6 =	vmul.f32 v0, v6;
	_ =	sdelay $0x1  }
0x25f: {  	v6 =	vmul.f32 v6, v7;
	_ =	sdelay $0x1  }
0x260: {  	v6 =	vadd.f32 v6, v8;
	_ =	sdelay $0x1  }
0x261: {  	[tilespmem:v58+s17+$0x0] =	vst.idx.msk $0xffff, v6  }
0x262: {  	v6 =	vld.idx.msk [tilespmem:v59+s17+$0x0], $0xffff;
	_ =	sdelay $0x3  }
0x263: {  	v7 =	vld [tilespmem:$0x6C50]  }
0x264: {  	v61 =	vld [tilespmem:$0x1F8F0];
	v6 =	vsub.f32 v6, v1  }
0x265: {  	v8 =	vld [tilespmem:$0x7050]  }
0x266: {  	v6 =	vmul.f32 v0, v6;
	_ =	sdelay $0x1  }
0x267: {  	v6 =	vmul.f32 v6, v7;
	_ =	sdelay $0x1  }
0x268: {  	v6 =	vadd.f32 v6, v8;
	_ =	sdelay $0x1  }
0x269: {  	[tilespmem:v59+s17+$0x0] =	vst.idx.msk $0xffff, v6  }
0x26a: {  	v6 =	vld.idx.msk [tilespmem:v61+s17+$0x0], $0xffff;
	_ =	sdelay $0x3  }
0x26b: {  	v7 =	vld [tilespmem:$0x6C60]  }
0x26c: {  	v62 =	vld [tilespmem:$0x1F900];
	v6 =	vsub.f32 v6, v1  }
0x26d: {  	v8 =	vld [tilespmem:$0x7060]  }
0x26e: {  	v6 =	vmul.f32 v6, v0;
	_ =	sdelay $0x1  }
0x26f: {  	v6 =	vmul.f32 v6, v7;
	_ =	sdelay $0x1  }
0x270: {  	v6 =	vadd.f32 v6, v8;
	_ =	sdelay $0x1  }
0x271: {  	[tilespmem:v61+s17+$0x0] =	vst.idx.msk $0xffff, v6  }
0x272: {  	v6 =	vld.idx.msk [tilespmem:v62+s17+$0x0], $0xffff;
	_ =	sdelay $0x3  }
0x273: {  	v7 =	vld [tilespmem:$0x6C70]  }
0x274: {  	v36 =	vld [tilespmem:$0x1F910];
	v6 =	vsub.f32 v6, v1  }
0x275: {  	v8 =	vld [tilespmem:$0x7070]  }
0x276: {  	v6 =	vmul.f32 v6, v0;
	_ =	sdelay $0x1  }
0x277: {  	v6 =	vmul.f32 v6, v7;
	_ =	sdelay $0x1  }
0x278: {  	v6 =	vadd.f32 v6, v8;
	_ =	sdelay $0x1  }
0x279: {  	[tilespmem:v62+s17+$0x0] =	vst.idx.msk $0xffff, v6  }
0x27a: {  	v6 =	vld.idx.msk [tilespmem:v36+s17+$0x0], $0xffff;
	_ =	sdelay $0x3  }
0x27b: {  	v7 =	vld [tilespmem:$0x6C80]  }
0x27c: {  	v37 =	vld [tilespmem:$0x1F920];
	v6 =	vsub.f32 v6, v1  }
0x27d: {  	v8 =	vld [tilespmem:$0x7080]  }
0x27e: {  	v6 =	vmul.f32 v6, v0;
	_ =	sdelay $0x1  }
0x27f: {  	v6 =	vmul.f32 v6, v7;
	_ =	sdelay $0x1  }
0x280: {  	v6 =	vadd.f32 v6, v8;
	_ =	sdelay $0x1  }
0x281: {  	[tilespmem:v36+s17+$0x0] =	vst.idx.msk $0xffff, v6  }
0x282: {  	v6 =	vld.idx.msk [tilespmem:v37+s17+$0x0], $0xffff;
	_ =	sdelay $0x3  }
0x283: {  	v7 =	vld [tilespmem:$0x6C90]  }
0x284: {  	v38 =	vld [tilespmem:$0x1F930];
	v6 =	vsub.f32 v6, v1  }
0x285: {  	v8 =	vld [tilespmem:$0x7090]  }
0x286: {  	v6 =	vmul.f32 v6, v0;
	_ =	sdelay $0x1  }
0x287: {  	v6 =	vmul.f32 v6, v7;
	_ =	sdelay $0x1  }
0x288: {  	v6 =	vadd.f32 v6, v8;
	_ =	sdelay $0x1  }
0x289: {  	[tilespmem:v37+s17+$0x0] =	vst.idx.msk $0xffff, v6  }
0x28a: {  	v6 =	vld.idx.msk [tilespmem:v38+s17+$0x0], $0xffff;
	_ =	sdelay $0x3  }
0x28b: {  	v7 =	vld [tilespmem:$0x6CA0]  }
0x28c: {  	v39 =	vld [tilespmem:$0x1F940];
	v6 =	vsub.f32 v6, v1  }
0x28d: {  	v8 =	vld [tilespmem:$0x70A0]  }
0x28e: {  	v6 =	vmul.f32 v6, v0;
	_ =	sdelay $0x1  }
0x28f: {  	v6 =	vmul.f32 v6, v7;
	_ =	sdelay $0x1  }
0x290: {  	v6 =	vadd.f32 v6, v8;
	_ =	sdelay $0x1  }
0x291: {  	[tilespmem:v38+s17+$0x0] =	vst.idx.msk $0xffff, v6  }
0x292: {  	v6 =	vld.idx.msk [tilespmem:v39+s17+$0x0], $0xffff;
	_ =	sdelay $0x3  }
0x293: {  	v7 =	vld [tilespmem:$0x6CB0]  }
0x294: {  	v40 =	vld [tilespmem:$0x1F950];
	v6 =	vsub.f32 v6, v1  }
0x295: {  	v8 =	vld [tilespmem:$0x70B0]  }
0x296: {  	v6 =	vmul.f32 v6, v0;
	_ =	sdelay $0x1  }
0x297: {  	v6 =	vmul.f32 v6, v7;
	_ =	sdelay $0x1  }
0x298: {  	v6 =	vadd.f32 v6, v8;
	_ =	sdelay $0x1  }
0x299: {  	[tilespmem:v39+s17+$0x0] =	vst.idx.msk $0xffff, v6  }
0x29a: {  	v6 =	vld.idx.msk [tilespmem:v40+s17+$0x0], $0xffff;
	_ =	sdelay $0x3  }
0x29b: {  	v7 =	vld [tilespmem:$0x6CC0]  }
0x29c: {  	v41 =	vld [tilespmem:$0x1F960];
	v6 =	vsub.f32 v6, v1  }
0x29d: {  	v8 =	vld [tilespmem:$0x70C0]  }
0x29e: {  	v6 =	vmul.f32 v6, v0;
	_ =	sdelay $0x1  }
0x29f: {  	v6 =	vmul.f32 v6, v7;
	_ =	sdelay $0x1  }
0x2a0: {  	v6 =	vadd.f32 v6, v8;
	_ =	sdelay $0x1  }
0x2a1: {  	[tilespmem:v40+s17+$0x0] =	vst.idx.msk $0xffff, v6  }
0x2a2: {  	v6 =	vld.idx.msk [tilespmem:v41+s17+$0x0], $0xffff;
	_ =	sdelay $0x3  }
0x2a3: {  	v7 =	vld [tilespmem:$0x6CD0]  }
0x2a4: {  	v42 =	vld [tilespmem:$0x1F970];
	v6 =	vsub.f32 v6, v1  }
0x2a5: {  	v8 =	vld [tilespmem:$0x70D0]  }
0x2a6: {  	v6 =	vmul.f32 v6, v0;
	_ =	sdelay $0x1  }
0x2a7: {  	v6 =	vmul.f32 v6, v7;
	_ =	sdelay $0x1  }
0x2a8: {  	v6 =	vadd.f32 v6, v8;
	_ =	sdelay $0x1  }
0x2a9: {  	[tilespmem:v41+s17+$0x0] =	vst.idx.msk $0xffff, v6  }
0x2aa: {  	v6 =	vld.idx.msk [tilespmem:v42+s17+$0x0], $0xffff;
	_ =	sdelay $0x3  }
0x2ab: {  	v7 =	vld [tilespmem:$0x6CE0]  }
0x2ac: {  	v43 =	vld [tilespmem:$0x1F980];
	v6 =	vsub.f32 v6, v1  }
0x2ad: {  	v8 =	vld [tilespmem:$0x70E0]  }
0x2ae: {  	v6 =	vmul.f32 v6, v0;
	_ =	sdelay $0x1  }
0x2af: {  	v6 =	vmul.f32 v6, v7;
	_ =	sdelay $0x1  }
0x2b0: {  	v6 =	vadd.f32 v6, v8;
	_ =	sdelay $0x1  }
0x2b1: {  	[tilespmem:v42+s17+$0x0] =	vst.idx.msk $0xffff, v6  }
0x2b2: {  	v6 =	vld.idx.msk [tilespmem:v43+s17+$0x0], $0xffff;
	_ =	sdelay $0x3  }
0x2b3: {  	v7 =	vld [tilespmem:$0x6CF0]  }
0x2b4: {  	v44 =	vld [tilespmem:$0x1F990];
	v6 =	vsub.f32 v6, v1  }
0x2b5: {  	v8 =	vld [tilespmem:$0x70F0]  }
0x2b6: {  	v6 =	vmul.f32 v6, v0;
	_ =	sdelay $0x1  }
0x2b7: {  	v6 =	vmul.f32 v6, v7;
	_ =	sdelay $0x1  }
0x2b8: {  	v6 =	vadd.f32 v6, v8;
	_ =	sdelay $0x1  }
0x2b9: {  	[tilespmem:v43+s17+$0x0] =	vst.idx.msk $0xffff, v6  }
0x2ba: {  	v6 =	vld.idx.msk [tilespmem:v44+s17+$0x0], $0xffff;
	_ =	sdelay $0x3  }
0x2bb: {  	v7 =	vld [tilespmem:$0x6D00]  }
0x2bc: {  	v45 =	vld [tilespmem:$0x1F9A0];
	v6 =	vsub.f32 v6, v1  }
0x2bd: {  	v8 =	vld [tilespmem:$0x7100]  }
0x2be: {  	v6 =	vmul.f32 v6, v0;
	_ =	sdelay $0x1  }
0x2bf: {  	v6 =	vmul.f32 v6, v7;
	_ =	sdelay $0x1  }
0x2c0: {  	v6 =	vadd.f32 v6, v8;
	_ =	sdelay $0x1  }
0x2c1: {  	[tilespmem:v44+s17+$0x0] =	vst.idx.msk $0xffff, v6  }
0x2c2: {  	v6 =	vld.idx.msk [tilespmem:v45+s17+$0x0], $0xffff;
	_ =	sdelay $0x3  }
0x2c3: {  	v7 =	vld [tilespmem:$0x6D10]  }
0x2c4: {  	v47 =	vld [tilespmem:$0x1F9B0];
	v6 =	vsub.f32 v6, v1  }
0x2c5: {  	v8 =	vld [tilespmem:$0x7110]  }
0x2c6: {  	v6 =	vmul.f32 v6, v0;
	_ =	sdelay $0x1  }
0x2c7: {  	v6 =	vmul.f32 v6, v7;
	_ =	sdelay $0x1  }
0x2c8: {  	v6 =	vadd.f32 v6, v8;
	_ =	sdelay $0x1  }
0x2c9: {  	[tilespmem:v45+s17+$0x0] =	vst.idx.msk $0xffff, v6  }
0x2ca: {  	v6 =	vld.idx.msk [tilespmem:v47+s17+$0x0], $0xffff;
	_ =	sdelay $0x3  }
0x2cb: {  	v7 =	vld [tilespmem:$0x6D20]  }
0x2cc: {  	v48 =	vld [tilespmem:$0x1F9C0];
	v6 =	vsub.f32 v6, v1  }
0x2cd: {  	v8 =	vld [tilespmem:$0x7120]  }
0x2ce: {  	v6 =	vmul.f32 v6, v0;
	_ =	sdelay $0x1  }
0x2cf: {  	v6 =	vmul.f32 v6, v7;
	_ =	sdelay $0x1  }
0x2d0: {  	v6 =	vadd.f32 v6, v8;
	_ =	sdelay $0x1  }
0x2d1: {  	[tilespmem:v47+s17+$0x0] =	vst.idx.msk $0xffff, v6  }
0x2d2: {  	v6 =	vld.idx.msk [tilespmem:v48+s17+$0x0], $0xffff;
	_ =	sdelay $0x3  }
0x2d3: {  	v7 =	vld [tilespmem:$0x6D30]  }
0x2d4: {  	v49 =	vld [tilespmem:$0x1F9D0];
	v6 =	vsub.f32 v6, v1  }
0x2d5: {  	v8 =	vld [tilespmem:$0x7130]  }
0x2d6: {  	v6 =	vmul.f32 v6, v0;
	_ =	sdelay $0x1  }
0x2d7: {  	v6 =	vmul.f32 v6, v7;
	_ =	sdelay $0x1  }
0x2d8: {  	v6 =	vadd.f32 v6, v8;
	_ =	sdelay $0x1  }
0x2d9: {  	[tilespmem:v48+s17+$0x0] =	vst.idx.msk $0xffff, v6  }
0x2da: {  	v6 =	vld.idx.msk [tilespmem:v49+s17+$0x0], $0xffff;
	_ =	sdelay $0x3  }
0x2db: {  	v7 =	vld [tilespmem:$0x6D40]  }
0x2dc: {  	v50 =	vld [tilespmem:$0x1F9E0];
	v6 =	vsub.f32 v6, v1  }
0x2dd: {  	v8 =	vld [tilespmem:$0x7140]  }
0x2de: {  	v6 =	vmul.f32 v6, v0;
	_ =	sdelay $0x1  }
0x2df: {  	v6 =	vmul.f32 v6, v7;
	_ =	sdelay $0x1  }
0x2e0: {  	v6 =	vadd.f32 v6, v8;
	_ =	sdelay $0x1  }
0x2e1: {  	[tilespmem:v49+s17+$0x0] =	vst.idx.msk $0xffff, v6  }
0x2e2: {  	v6 =	vld.idx.msk [tilespmem:v50+s17+$0x0], $0xffff;
	_ =	sdelay $0x3  }
0x2e3: {  	v7 =	vld [tilespmem:$0x6D50]  }
0x2e4: {  	v51 =	vld [tilespmem:$0x1F9F0];
	v6 =	vsub.f32 v6, v1  }
0x2e5: {  	v8 =	vld [tilespmem:$0x7150]  }
0x2e6: {  	v6 =	vmul.f32 v6, v0;
	_ =	sdelay $0x1  }
0x2e7: {  	v6 =	vmul.f32 v6, v7;
	_ =	sdelay $0x1  }
0x2e8: {  	v6 =	vadd.f32 v6, v8;
	_ =	sdelay $0x1  }
0x2e9: {  	[tilespmem:v50+s17+$0x0] =	vst.idx.msk $0xffff, v6  }
0x2ea: {  	v6 =	vld.idx.msk [tilespmem:v51+s17+$0x0], $0xffff;
	_ =	sdelay $0x3  }
0x2eb: {  	v7 =	vld [tilespmem:$0x6D60]  }
0x2ec: {  	v52 =	vld [tilespmem:$0x1FA00];
	v6 =	vsub.f32 v6, v1  }
0x2ed: {  	v8 =	vld [tilespmem:$0x7160]  }
0x2ee: {  	v6 =	vmul.f32 v6, v0;
	_ =	sdelay $0x1  }
0x2ef: {  	v6 =	vmul.f32 v6, v7;
	_ =	sdelay $0x1  }
0x2f0: {  	v6 =	vadd.f32 v6, v8;
	_ =	sdelay $0x1  }
0x2f1: {  	[tilespmem:v51+s17+$0x0] =	vst.idx.msk $0xffff, v6  }
0x2f2: {  	v6 =	vld.idx.msk [tilespmem:v52+s17+$0x0], $0xffff;
	_ =	sdelay $0x3  }
0x2f3: {  	v7 =	vld [tilespmem:$0x6D70]  }
0x2f4: {  	v53 =	vld [tilespmem:$0x1FA10];
	v6 =	vsub.f32 v6, v1  }
0x2f5: {  	v8 =	vld [tilespmem:$0x7170]  }
0x2f6: {  	v6 =	vmul.f32 v6, v0;
	_ =	sdelay $0x1  }
0x2f7: {  	v6 =	vmul.f32 v6, v7;
	_ =	sdelay $0x1  }
0x2f8: {  	v6 =	vadd.f32 v6, v8;
	_ =	sdelay $0x1  }
0x2f9: {  	[tilespmem:v52+s17+$0x0] =	vst.idx.msk $0xffff, v6  }
0x2fa: {  	v6 =	vld.idx.msk [tilespmem:v53+s17+$0x0], $0xffff;
	_ =	sdelay $0x3  }
0x2fb: {  	v7 =	vld [tilespmem:$0x6D80]  }
0x2fc: {  	v54 =	vld [tilespmem:$0x1FA20];
	v6 =	vsub.f32 v6, v1  }
0x2fd: {  	v8 =	vld [tilespmem:$0x7180]  }
0x2fe: {  	v6 =	vmul.f32 v6, v0;
	_ =	sdelay $0x1  }
0x2ff: {  	v6 =	vmul.f32 v6, v7;
	_ =	sdelay $0x1  }
0x300: {  	v6 =	vadd.f32 v6, v8;
	_ =	sdelay $0x1  }
0x301: {  	[tilespmem:v53+s17+$0x0] =	vst.idx.msk $0xffff, v6  }
0x302: {  	v6 =	vld.idx.msk [tilespmem:v54+s17+$0x0], $0xffff;
	_ =	sdelay $0x3  }
0x303: {  	v7 =	vld [tilespmem:$0x6D90]  }
0x304: {  	v55 =	vld [tilespmem:$0x1FA30];
	v6 =	vsub.f32 v6, v1  }
0x305: {  	v8 =	vld [tilespmem:$0x7190]  }
0x306: {  	v6 =	vmul.f32 v6, v0;
	_ =	sdelay $0x1  }
0x307: {  	v6 =	vmul.f32 v6, v7;
	_ =	sdelay $0x1  }
0x308: {  	v6 =	vadd.f32 v6, v8;
	_ =	sdelay $0x1  }
0x309: {  	[tilespmem:v54+s17+$0x0] =	vst.idx.msk $0xffff, v6  }
0x30a: {  	v6 =	vld.idx.msk [tilespmem:v55+s17+$0x0], $0xffff;
	_ =	sdelay $0x3  }
0x30b: {  	v7 =	vld [tilespmem:$0x6DA0]  }
0x30c: {  	v56 =	vld [tilespmem:$0x1FA40];
	v6 =	vsub.f32 v6, v1  }
0x30d: {  	v8 =	vld [tilespmem:$0x71A0]  }
0x30e: {  	v6 =	vmul.f32 v6, v0;
	_ =	sdelay $0x1  }
0x30f: {  	v6 =	vmul.f32 v6, v7;
	_ =	sdelay $0x1  }
0x310: {  	v6 =	vadd.f32 v6, v8;
	_ =	sdelay $0x1  }
0x311: {  	[tilespmem:v55+s17+$0x0] =	vst.idx.msk $0xffff, v6  }
0x312: {  	v6 =	vld.idx.msk [tilespmem:v56+s17+$0x0], $0xffff;
	_ =	sdelay $0x3  }
0x313: {  	v7 =	vld [tilespmem:$0x6DB0]  }
0x314: {  	v58 =	vld [tilespmem:$0x1FA50];
	v6 =	vsub.f32 v6, v1  }
0x315: {  	v8 =	vld [tilespmem:$0x71B0]  }
0x316: {  	v6 =	vmul.f32 v6, v0;
	_ =	sdelay $0x1  }
0x317: {  	v6 =	vmul.f32 v6, v7;
	_ =	sdelay $0x1  }
0x318: {  	v6 =	vadd.f32 v6, v8;
	_ =	sdelay $0x1  }
0x319: {  	[tilespmem:v56+s17+$0x0] =	vst.idx.msk $0xffff, v6  }
0x31a: {  	v6 =	vld.idx.msk [tilespmem:v58+s17+$0x0], $0xffff;
	_ =	sdelay $0x3  }
0x31b: {  	v7 =	vld [tilespmem:$0x6DC0]  }
0x31c: {  	v59 =	vld [tilespmem:$0x1FA60];
	v6 =	vsub.f32 v6, v1  }
0x31d: {  	v8 =	vld [tilespmem:$0x71C0]  }
0x31e: {  	v6 =	vmul.f32 v6, v0;
	_ =	sdelay $0x1  }
0x31f: {  	v6 =	vmul.f32 v6, v7;
	_ =	sdelay $0x1  }
0x320: {  	v6 =	vadd.f32 v6, v8;
	_ =	sdelay $0x1  }
0x321: {  	[tilespmem:v58+s17+$0x0] =	vst.idx.msk $0xffff, v6  }
0x322: {  	v6 =	vld.idx.msk [tilespmem:v59+s17+$0x0], $0xffff;
	_ =	sdelay $0x3  }
0x323: {  	v7 =	vld [tilespmem:$0x6DD0]  }
0x324: {  	v61 =	vld [tilespmem:$0x1FA70];
	v6 =	vsub.f32 v6, v1  }
0x325: {  	v8 =	vld [tilespmem:$0x71D0]  }
0x326: {  	v6 =	vmul.f32 v6, v0;
	_ =	sdelay $0x1  }
0x327: {  	v6 =	vmul.f32 v6, v7;
	_ =	sdelay $0x1  }
0x328: {  	v6 =	vadd.f32 v6, v8;
	_ =	sdelay $0x1  }
0x329: {  	[tilespmem:v59+s17+$0x0] =	vst.idx.msk $0xffff, v6  }
0x32a: {  	v6 =	vld.idx.msk [tilespmem:v61+s17+$0x0], $0xffff;
	_ =	sdelay $0x3  }
0x32b: {  	v7 =	vld [tilespmem:$0x6DE0]  }
0x32c: {  	v62 =	vld [tilespmem:$0x1FA80];
	v6 =	vsub.f32 v6, v1  }
0x32d: {  	v8 =	vld [tilespmem:$0x71E0]  }
0x32e: {  	v6 =	vmul.f32 v6, v0;
	_ =	sdelay $0x1  }
0x32f: {  	v6 =	vmul.f32 v6, v7;
	_ =	sdelay $0x1  }
0x330: {  	v6 =	vadd.f32 v6, v8;
	_ =	sdelay $0x1  }
0x331: {  	[tilespmem:v61+s17+$0x0] =	vst.idx.msk $0xffff, v6  }
0x332: {  	v6 =	vld.idx.msk [tilespmem:v62+s17+$0x0], $0xffff;
	_ =	sdelay $0x3  }
0x333: {  	v7 =	vld [tilespmem:$0x6DF0]  }
0x334: {  	v36 =	vld [tilespmem:$0x1FA90];
	v6 =	vsub.f32 v6, v1  }
0x335: {  	v8 =	vld [tilespmem:$0x71F0]  }
0x336: {  	v6 =	vmul.f32 v6, v0;
	_ =	sdelay $0x1  }
0x337: {  	v6 =	vmul.f32 v6, v7;
	_ =	sdelay $0x1  }
0x338: {  	v6 =	vadd.f32 v6, v8;
	_ =	sdelay $0x1  }
0x339: {  	[tilespmem:v62+s17+$0x0] =	vst.idx.msk $0xffff, v6  }
0x33a: {  	v6 =	vld.idx.msk [tilespmem:v36+s17+$0x0], $0xffff;
	_ =	sdelay $0x3  }
0x33b: {  	v7 =	vld [tilespmem:$0x6E00]  }
0x33c: {  	v37 =	vld [tilespmem:$0x1FAA0];
	v6 =	vsub.f32 v6, v1  }
0x33d: {  	v8 =	vld [tilespmem:$0x7200]  }
0x33e: {  	v6 =	vmul.f32 v6, v0;
	_ =	sdelay $0x1  }
0x33f: {  	v6 =	vmul.f32 v6, v7;
	_ =	sdelay $0x1  }
0x340: {  	v6 =	vadd.f32 v6, v8;
	_ =	sdelay $0x1  }
0x341: {  	[tilespmem:v36+s17+$0x0] =	vst.idx.msk $0xffff, v6  }
0x342: {  	v6 =	vld.idx.msk [tilespmem:v37+s17+$0x0], $0xffff;
	_ =	sdelay $0x3  }
0x343: {  	v7 =	vld [tilespmem:$0x6E10]  }
0x344: {  	v38 =	vld [tilespmem:$0x1FAB0];
	v6 =	vsub.f32 v6, v1  }
0x345: {  	v8 =	vld [tilespmem:$0x7210]  }
0x346: {  	v6 =	vmul.f32 v6, v0;
	_ =	sdelay $0x1  }
0x347: {  	v6 =	vmul.f32 v6, v7;
	_ =	sdelay $0x1  }
0x348: {  	v6 =	vadd.f32 v6, v8;
	_ =	sdelay $0x1  }
0x349: {  	[tilespmem:v37+s17+$0x0] =	vst.idx.msk $0xffff, v6  }
0x34a: {  	v6 =	vld.idx.msk [tilespmem:v38+s17+$0x0], $0xffff;
	_ =	sdelay $0x3  }
0x34b: {  	v7 =	vld [tilespmem:$0x6E20]  }
0x34c: {  	v39 =	vld [tilespmem:$0x1FAC0];
	v6 =	vsub.f32 v6, v1  }
0x34d: {  	v8 =	vld [tilespmem:$0x7220]  }
0x34e: {  	v6 =	vmul.f32 v6, v0;
	_ =	sdelay $0x1  }
0x34f: {  	v6 =	vmul.f32 v6, v7;
	_ =	sdelay $0x1  }
0x350: {  	v6 =	vadd.f32 v6, v8;
	_ =	sdelay $0x1  }
0x351: {  	[tilespmem:v38+s17+$0x0] =	vst.idx.msk $0xffff, v6  }
0x352: {  	v6 =	vld.idx.msk [tilespmem:v39+s17+$0x0], $0xffff;
	_ =	sdelay $0x3  }
0x353: {  	v7 =	vld [tilespmem:$0x6E30]  }
0x354: {  	v40 =	vld [tilespmem:$0x1FAD0];
	v6 =	vsub.f32 v6, v1  }
0x355: {  	v8 =	vld [tilespmem:$0x7230]  }
0x356: {  	v6 =	vmul.f32 v6, v0;
	_ =	sdelay $0x1  }
0x357: {  	v6 =	vmul.f32 v6, v7;
	_ =	sdelay $0x1  }
0x358: {  	v6 =	vadd.f32 v6, v8;
	_ =	sdelay $0x1  }
0x359: {  	[tilespmem:v39+s17+$0x0] =	vst.idx.msk $0xffff, v6  }
0x35a: {  	v6 =	vld.idx.msk [tilespmem:v40+s17+$0x0], $0xffff;
	_ =	sdelay $0x3  }
0x35b: {  	v7 =	vld [tilespmem:$0x6E40]  }
0x35c: {  	v41 =	vld [tilespmem:$0x1FAE0];
	v6 =	vsub.f32 v6, v1  }
0x35d: {  	v8 =	vld [tilespmem:$0x7240]  }
0x35e: {  	v6 =	vmul.f32 v6, v0;
	_ =	sdelay $0x1  }
0x35f: {  	v6 =	vmul.f32 v6, v7;
	_ =	sdelay $0x1  }
0x360: {  	v6 =	vadd.f32 v6, v8;
	_ =	sdelay $0x1  }
0x361: {  	[tilespmem:v40+s17+$0x0] =	vst.idx.msk $0xffff, v6  }
0x362: {  	v6 =	vld.idx.msk [tilespmem:v41+s17+$0x0], $0xffff;
	_ =	sdelay $0x3  }
0x363: {  	v7 =	vld [tilespmem:$0x6E50]  }
0x364: {  	v42 =	vld [tilespmem:$0x1FAF0];
	v6 =	vsub.f32 v6, v1  }
0x365: {  	v8 =	vld [tilespmem:$0x7250]  }
0x366: {  	v6 =	vmul.f32 v6, v0;
	_ =	sdelay $0x1  }
0x367: {  	v6 =	vmul.f32 v6, v7;
	_ =	sdelay $0x1  }
0x368: {  	v6 =	vadd.f32 v6, v8;
	_ =	sdelay $0x1  }
0x369: {  	[tilespmem:v41+s17+$0x0] =	vst.idx.msk $0xffff, v6  }
0x36a: {  	v6 =	vld.idx.msk [tilespmem:v42+s17+$0x0], $0xffff;
	_ =	sdelay $0x3  }
0x36b: {  	v7 =	vld [tilespmem:$0x6E60]  }
0x36c: {  	v43 =	vld [tilespmem:$0x1FB00];
	v6 =	vsub.f32 v6, v1  }
0x36d: {  	v8 =	vld [tilespmem:$0x7260]  }
0x36e: {  	v6 =	vmul.f32 v6, v0;
	_ =	sdelay $0x1  }
0x36f: {  	v6 =	vmul.f32 v6, v7;
	_ =	sdelay $0x1  }
0x370: {  	v6 =	vadd.f32 v6, v8;
	_ =	sdelay $0x1  }
0x371: {  	[tilespmem:v42+s17+$0x0] =	vst.idx.msk $0xffff, v6  }
0x372: {  	v6 =	vld.idx.msk [tilespmem:v43+s17+$0x0], $0xffff;
	_ =	sdelay $0x3  }
0x373: {  	v7 =	vld [tilespmem:$0x6E70]  }
0x374: {  	v44 =	vld [tilespmem:$0x1FB10];
	v6 =	vsub.f32 v6, v1  }
0x375: {  	v8 =	vld [tilespmem:$0x7270]  }
0x376: {  	v6 =	vmul.f32 v6, v0;
	_ =	sdelay $0x1  }
0x377: {  	v6 =	vmul.f32 v6, v7;
	_ =	sdelay $0x1  }
0x378: {  	v6 =	vadd.f32 v6, v8;
	_ =	sdelay $0x1  }
0x379: {  	[tilespmem:v43+s17+$0x0] =	vst.idx.msk $0xffff, v6  }
0x37a: {  	v6 =	vld.idx.msk [tilespmem:v44+s17+$0x0], $0xffff;
	_ =	sdelay $0x3  }
0x37b: {  	v7 =	vld [tilespmem:$0x6E80]  }
0x37c: {  	v45 =	vld [tilespmem:$0x1FB20];
	v6 =	vsub.f32 v6, v1  }
0x37d: {  	v8 =	vld [tilespmem:$0x7280]  }
0x37e: {  	v6 =	vmul.f32 v6, v0;
	_ =	sdelay $0x1  }
0x37f: {  	v6 =	vmul.f32 v6, v7;
	_ =	sdelay $0x1  }
0x380: {  	v6 =	vadd.f32 v6, v8;
	_ =	sdelay $0x1  }
0x381: {  	[tilespmem:v44+s17+$0x0] =	vst.idx.msk $0xffff, v6  }
0x382: {  	v6 =	vld.idx.msk [tilespmem:v45+s17+$0x0], $0xffff;
	_ =	sdelay $0x3  }
0x383: {  	v7 =	vld [tilespmem:$0x6E90]  }
0x384: {  	v47 =	vld [tilespmem:$0x1FB30];
	v6 =	vsub.f32 v6, v1  }
0x385: {  	v8 =	vld [tilespmem:$0x7290]  }
0x386: {  	v6 =	vmul.f32 v6, v0;
	_ =	sdelay $0x1  }
0x387: {  	v6 =	vmul.f32 v6, v7;
	_ =	sdelay $0x1  }
0x388: {  	v6 =	vadd.f32 v6, v8;
	_ =	sdelay $0x1  }
0x389: {  	[tilespmem:v45+s17+$0x0] =	vst.idx.msk $0xffff, v6  }
0x38a: {  	v6 =	vld.idx.msk [tilespmem:v47+s17+$0x0], $0xffff;
	_ =	sdelay $0x3  }
0x38b: {  	v7 =	vld [tilespmem:$0x6EA0]  }
0x38c: {  	v48 =	vld [tilespmem:$0x1FB40];
	v6 =	vsub.f32 v6, v1  }
0x38d: {  	v8 =	vld [tilespmem:$0x72A0]  }
0x38e: {  	v6 =	vmul.f32 v6, v0;
	_ =	sdelay $0x1  }
0x38f: {  	v6 =	vmul.f32 v6, v7;
	_ =	sdelay $0x1  }
0x390: {  	v6 =	vadd.f32 v6, v8;
	_ =	sdelay $0x1  }
0x391: {  	[tilespmem:v47+s17+$0x0] =	vst.idx.msk $0xffff, v6  }
0x392: {  	v6 =	vld.idx.msk [tilespmem:v48+s17+$0x0], $0xffff;
	_ =	sdelay $0x3  }
0x393: {  	v7 =	vld [tilespmem:$0x6EB0]  }
0x394: {  	v49 =	vld [tilespmem:$0x1FB50];
	v6 =	vsub.f32 v6, v1  }
0x395: {  	v8 =	vld [tilespmem:$0x72B0]  }
0x396: {  	v6 =	vmul.f32 v6, v0;
	_ =	sdelay $0x1  }
0x397: {  	v6 =	vmul.f32 v6, v7;
	_ =	sdelay $0x1  }
0x398: {  	v6 =	vadd.f32 v6, v8;
	_ =	sdelay $0x1  }
0x399: {  	[tilespmem:v48+s17+$0x0] =	vst.idx.msk $0xffff, v6  }
0x39a: {  	v6 =	vld.idx.msk [tilespmem:v49+s17+$0x0], $0xffff;
	_ =	sdelay $0x3  }
0x39b: {  	v7 =	vld [tilespmem:$0x6EC0]  }
0x39c: {  	v50 =	vld [tilespmem:$0x1FB60];
	v6 =	vsub.f32 v6, v1  }
0x39d: {  	v8 =	vld [tilespmem:$0x72C0]  }
0x39e: {  	v6 =	vmul.f32 v6, v0;
	_ =	sdelay $0x1  }
0x39f: {  	v6 =	vmul.f32 v6, v7;
	_ =	sdelay $0x1  }
0x3a0: {  	v6 =	vadd.f32 v6, v8;
	_ =	sdelay $0x1  }
0x3a1: {  	[tilespmem:v49+s17+$0x0] =	vst.idx.msk $0xffff, v6  }
0x3a2: {  	v6 =	vld.idx.msk [tilespmem:v50+s17+$0x0], $0xffff;
	_ =	sdelay $0x3  }
0x3a3: {  	v7 =	vld [tilespmem:$0x6ED0]  }
0x3a4: {  	v51 =	vld [tilespmem:$0x1FB70];
	v6 =	vsub.f32 v6, v1  }
0x3a5: {  	v8 =	vld [tilespmem:$0x72D0]  }
0x3a6: {  	v6 =	vmul.f32 v6, v0;
	_ =	sdelay $0x1  }
0x3a7: {  	v6 =	vmul.f32 v6, v7;
	_ =	sdelay $0x1  }
0x3a8: {  	v6 =	vadd.f32 v6, v8;
	_ =	sdelay $0x1  }
0x3a9: {  	[tilespmem:v50+s17+$0x0] =	vst.idx.msk $0xffff, v6  }
0x3aa: {  	v6 =	vld.idx.msk [tilespmem:v51+s17+$0x0], $0xffff;
	_ =	sdelay $0x3  }
0x3ab: {  	v7 =	vld [tilespmem:$0x6EE0]  }
0x3ac: {  	v52 =	vld [tilespmem:$0x1FB80];
	v6 =	vsub.f32 v6, v1  }
0x3ad: {  	v8 =	vld [tilespmem:$0x72E0]  }
0x3ae: {  	v6 =	vmul.f32 v6, v0;
	_ =	sdelay $0x1  }
0x3af: {  	v6 =	vmul.f32 v6, v7;
	_ =	sdelay $0x1  }
0x3b0: {  	v6 =	vadd.f32 v6, v8;
	_ =	sdelay $0x1  }
0x3b1: {  	[tilespmem:v51+s17+$0x0] =	vst.idx.msk $0xffff, v6  }
0x3b2: {  	v6 =	vld.idx.msk [tilespmem:v52+s17+$0x0], $0xffff;
	_ =	sdelay $0x3  }
0x3b3: {  	v7 =	vld [tilespmem:$0x6EF0]  }
0x3b4: {  	v53 =	vld [tilespmem:$0x1FB90];
	v6 =	vsub.f32 v6, v1  }
0x3b5: {  	v8 =	vld [tilespmem:$0x72F0]  }
0x3b6: {  	v6 =	vmul.f32 v6, v0;
	_ =	sdelay $0x1  }
0x3b7: {  	v6 =	vmul.f32 v6, v7;
	_ =	sdelay $0x1  }
0x3b8: {  	v6 =	vadd.f32 v6, v8;
	_ =	sdelay $0x1  }
0x3b9: {  	[tilespmem:v52+s17+$0x0] =	vst.idx.msk $0xffff, v6  }
0x3ba: {  	v6 =	vld.idx.msk [tilespmem:v53+s17+$0x0], $0xffff;
	_ =	sdelay $0x3  }
0x3bb: {  	v7 =	vld [tilespmem:$0x6F00]  }
0x3bc: {  	v54 =	vld [tilespmem:$0x1FBA0];
	v6 =	vsub.f32 v6, v1  }
0x3bd: {  	v8 =	vld [tilespmem:$0x7300]  }
0x3be: {  	v6 =	vmul.f32 v6, v0;
	_ =	sdelay $0x1  }
0x3bf: {  	v6 =	vmul.f32 v6, v7;
	_ =	sdelay $0x1  }
0x3c0: {  	v6 =	vadd.f32 v6, v8;
	_ =	sdelay $0x1  }
0x3c1: {  	[tilespmem:v53+s17+$0x0] =	vst.idx.msk $0xffff, v6  }
0x3c2: {  	v6 =	vld.idx.msk [tilespmem:v54+s17+$0x0], $0xffff;
	_ =	sdelay $0x3  }
0x3c3: {  	v7 =	vld [tilespmem:$0x6F10]  }
0x3c4: {  	v55 =	vld [tilespmem:$0x1FBB0];
	v6 =	vsub.f32 v6, v1  }
0x3c5: {  	v8 =	vld [tilespmem:$0x7310]  }
0x3c6: {  	v6 =	vmul.f32 v6, v0;
	_ =	sdelay $0x1  }
0x3c7: {  	v6 =	vmul.f32 v6, v7;
	_ =	sdelay $0x1  }
0x3c8: {  	v6 =	vadd.f32 v6, v8;
	_ =	sdelay $0x1  }
0x3c9: {  	[tilespmem:v54+s17+$0x0] =	vst.idx.msk $0xffff, v6  }
0x3ca: {  	v6 =	vld.idx.msk [tilespmem:v55+s17+$0x0], $0xffff;
	_ =	sdelay $0x3  }
0x3cb: {  	v7 =	vld [tilespmem:$0x6F20]  }
0x3cc: {  	v56 =	vld [tilespmem:$0x1FBC0];
	v6 =	vsub.f32 v6, v1  }
0x3cd: {  	v8 =	vld [tilespmem:$0x7320]  }
0x3ce: {  	v6 =	vmul.f32 v6, v0;
	_ =	sdelay $0x1  }
0x3cf: {  	v6 =	vmul.f32 v6, v7;
	_ =	sdelay $0x1  }
0x3d0: {  	v6 =	vadd.f32 v6, v8;
	_ =	sdelay $0x1  }
0x3d1: {  	[tilespmem:v55+s17+$0x0] =	vst.idx.msk $0xffff, v6  }
0x3d2: {  	v6 =	vld.idx.msk [tilespmem:v56+s17+$0x0], $0xffff;
	_ =	sdelay $0x3  }
0x3d3: {  	v7 =	vld [tilespmem:$0x6F30]  }
0x3d4: {  	v58 =	vld [tilespmem:$0x1FBD0];
	v6 =	vsub.f32 v6, v1  }
0x3d5: {  	v8 =	vld [tilespmem:$0x7330]  }
0x3d6: {  	v6 =	vmul.f32 v6, v0;
	_ =	sdelay $0x1  }
0x3d7: {  	v6 =	vmul.f32 v6, v7;
	_ =	sdelay $0x1  }
0x3d8: {  	v6 =	vadd.f32 v6, v8;
	_ =	sdelay $0x1  }
0x3d9: {  	[tilespmem:v56+s17+$0x0] =	vst.idx.msk $0xffff, v6  }
0x3da: {  	v6 =	vld.idx.msk [tilespmem:v58+s17+$0x0], $0xffff;
	_ =	sdelay $0x3  }
0x3db: {  	v7 =	vld [tilespmem:$0x6F40]  }
0x3dc: {  	v59 =	vld [tilespmem:$0x1FBE0];
	v6 =	vsub.f32 v6, v1  }
0x3dd: {  	v8 =	vld [tilespmem:$0x7340]  }
0x3de: {  	v6 =	vmul.f32 v6, v0;
	_ =	sdelay $0x1  }
0x3df: {  	v6 =	vmul.f32 v6, v7;
	_ =	sdelay $0x1  }
0x3e0: {  	v6 =	vadd.f32 v6, v8;
	_ =	sdelay $0x1  }
0x3e1: {  	[tilespmem:v58+s17+$0x0] =	vst.idx.msk $0xffff, v6  }
0x3e2: {  	v6 =	vld.idx.msk [tilespmem:v59+s17+$0x0], $0xffff;
	_ =	sdelay $0x3  }
0x3e3: {  	v7 =	vld [tilespmem:$0x6F50]  }
0x3e4: {  	v61 =	vld [tilespmem:$0x1FBF0];
	v6 =	vsub.f32 v6, v1  }
0x3e5: {  	v8 =	vld [tilespmem:$0x7350]  }
0x3e6: {  	v6 =	vmul.f32 v6, v0;
	_ =	sdelay $0x1  }
0x3e7: {  	v6 =	vmul.f32 v6, v7;
	_ =	sdelay $0x1  }
0x3e8: {  	v6 =	vadd.f32 v6, v8;
	_ =	sdelay $0x1  }
0x3e9: {  	[tilespmem:v59+s17+$0x0] =	vst.idx.msk $0xffff, v6  }
0x3ea: {  	v6 =	vld.idx.msk [tilespmem:v61+s17+$0x0], $0xffff;
	_ =	sdelay $0x3  }
0x3eb: {  	v7 =	vld [tilespmem:$0x6F60]  }
0x3ec: {  	v62 =	vld [tilespmem:$0x1FC00];
	v6 =	vsub.f32 v6, v1  }
0x3ed: {  	v8 =	vld [tilespmem:$0x7360]  }
0x3ee: {  	v6 =	vmul.f32 v6, v0;
	_ =	sdelay $0x1  }
0x3ef: {  	v6 =	vmul.f32 v6, v7;
	_ =	sdelay $0x1  }
0x3f0: {  	v6 =	vadd.f32 v6, v8;
	_ =	sdelay $0x1  }
0x3f1: {  	[tilespmem:v61+s17+$0x0] =	vst.idx.msk $0xffff, v6  }
0x3f2: {  	v6 =	vld.idx.msk [tilespmem:v62+s17+$0x0], $0xffff;
	_ =	sdelay $0x3  }
0x3f3: {  	v7 =	vld [tilespmem:$0x6F70]  }
0x3f4: {  	v6 =	vsub.f32 v6, v1  }
0x3f5: {  	v8 =	vld [tilespmem:$0x7370]  }
0x3f6: {  	v6 =	vmul.f32 v6, v0;
	_ =	sdelay $0x1  }
0x3f7: {  	v6 =	vmul.f32 v6, v7;
	_ =	sdelay $0x1  }
0x3f8: {  	v6 =	vadd.f32 v6, v8;
	_ =	sdelay $0x1  }
0x3f9: {  	[tilespmem:v62+s17+$0x0] =	vst.idx.msk $0xffff, v6  }
0x3fa: {  	v6 =	vld.idx.msk [tilespmem:v60+s17+$0x0], $0xffff;
	_ =	sdelay $0x3  }
0x3fb: {  	v7 =	vld [tilespmem:$0x6F80]  }
0x3fc: {  	v6 =	vsub.f32 v6, v1  }
0x3fd: {  	v8 =	vld [tilespmem:$0x7380]  }
0x3fe: {  	v6 =	vmul.f32 v6, v0;
	_ =	sdelay $0x1  }
0x3ff: {  	v6 =	vmul.f32 v6, v7;
	_ =	sdelay $0x1  }
0x400: {  	v6 =	vadd.f32 v6, v8;
	_ =	sdelay $0x1  }
0x401: {  	[tilespmem:v60+s17+$0x0] =	vst.idx.msk $0xffff, v6  }
0x402: {  	v6 =	vld.idx.msk [tilespmem:v5+s17+$0x0], $0xffff;
	_ =	sdelay $0x3  }
0x403: {  	v7 =	vld [tilespmem:$0x6F90]  }
0x404: {  	v6 =	vsub.f32 v6, v1  }
0x405: {  	v8 =	vld [tilespmem:$0x7390]  }
0x406: {  	v6 =	vmul.f32 v6, v0;
	_ =	sdelay $0x1  }
0x407: {  	v6 =	vmul.f32 v6, v7;
	_ =	sdelay $0x1  }
0x408: {  	v6 =	vadd.f32 v6, v8;
	_ =	sdelay $0x1  }
0x409: {  	[tilespmem:v5+s17+$0x0] =	vst.idx.msk $0xffff, v6  }
0x40a: {  	v5 =	vld.idx.msk [tilespmem:v2+s17+$0x0], $0xffff;
	_ =	sdelay $0x3  }
0x40b: {  	v6 =	vld [tilespmem:$0x6FA0]  }
0x40c: {  	v5 =	vsub.f32 v5, v1  }
0x40d: {  	v7 =	vld [tilespmem:$0x73A0]  }
0x40e: {  	v5 =	vmul.f32 v5, v0;
	_ =	sdelay $0x1  }
0x40f: {  	v5 =	vmul.f32 v5, v6;
	_ =	sdelay $0x1  }
0x410: {  	v5 =	vadd.f32 v5, v7;
	_ =	sdelay $0x1  }
0x411: {  	[tilespmem:v2+s17+$0x0] =	vst.idx.msk $0xffff, v5  }
0x412: {  	v2 =	vld.idx.msk [tilespmem:v4+s17+$0x0], $0xffff;
	_ =	sdelay $0x3  }
0x413: {  	v5 =	vld [tilespmem:$0x6FB0]  }
0x414: {  	v2 =	vsub.f32 v2, v1  }
0x415: {  	v6 =	vld [tilespmem:$0x73B0]  }
0x416: {  	v2 =	vmul.f32 v2, v0;
	_ =	sdelay $0x1  }
0x417: {  	v2 =	vmul.f32 v2, v5;
	_ =	sdelay $0x1  }
0x418: {  	v2 =	vadd.f32 v2, v6;
	_ =	sdelay $0x1  }
0x419: {  	[tilespmem:v4+s17+$0x0] =	vst.idx.msk $0xffff, v2  }
0x41a: {  	v2 =	vld.idx.msk [tilespmem:v46+s17+$0x0], $0xffff;
	_ =	sdelay $0x3  }
0x41b: {  	v4 =	vld [tilespmem:$0x6FC0]  }
0x41c: {  	v2 =	vsub.f32 v2, v1  }
0x41d: {  	v5 =	vld [tilespmem:$0x73C0]  }
0x41e: {  	v2 =	vmul.f32 v2, v0;
	_ =	sdelay $0x1  }
0x41f: {  	v2 =	vmul.f32 v2, v4;
	_ =	sdelay $0x1  }
0x420: {  	v2 =	vadd.f32 v2, v5;
	_ =	sdelay $0x1  }
0x421: {  	[tilespmem:v46+s17+$0x0] =	vst.idx.msk $0xffff, v2  }
0x422: {  	v2 =	vld.idx.msk [tilespmem:v57+s17+$0x0], $0xffff;
	_ =	sdelay $0x3  }
0x423: {  	v4 =	vld [tilespmem:$0x6FD0]  }
0x424: {  	v2 =	vsub.f32 v2, v1  }
0x425: {  	v5 =	vld [tilespmem:$0x73D0]  }
0x426: {  	v33 =	vld [tilespmem:$0x1FFA0];
	v2 =	vmul.f32 v2, v0  }
0x427: {  	v31 =	vld [tilespmem:$0x1FF90]  }
0x428: {  	v34 =	vld [tilespmem:$0x1FFB0];
	v2 =	vmul.f32 v2, v4  }
0x429: {  	v30 =	vld [tilespmem:$0x1FF80]  }
0x42a: {  	v27 =	vld [tilespmem:$0x1FF60];
	v2 =	vadd.f32 v2, v5  }
0x42b: {  	v25 =	vld [tilespmem:$0x1FF40]  }
0x42c: {  	v28 =	vld [tilespmem:$0x1FF70];
	[tilespmem:v57+s17+$0x0] =	vst.idx.msk $0xffff, v2  }
0x42d: {  	v2 =	vld.idx.msk [tilespmem:v63+s17+$0x0], $0xffff  }
0x42e: {  	v24 =	vld [tilespmem:$0x1FF30]  }
0x42f: {  	v26 =	vld [tilespmem:$0x1FF50]  }
0x430: {  	v20 =	vld [tilespmem:$0x1FF00]  }
0x431: {  	v4 =	vld [tilespmem:$0x6FE0]  }
0x432: {  	v19 =	vld [tilespmem:$0x1FEF0];
	v2 =	vsub.f32 v2, v1  }
0x433: {  	v5 =	vld [tilespmem:$0x73E0]  }
0x434: {  	v18 =	vld [tilespmem:$0x1FEE0];
	v2 =	vmul.f32 v2, v0  }
0x435: {  	v21 =	vld [tilespmem:$0x1FF10]  }
0x436: {  	v23 =	vld [tilespmem:$0x1FF20];
	v2 =	vmul.f32 v2, v4  }
0x437: {  	v17 =	vld [tilespmem:$0x1FED0]  }
0x438: {  	v14 =	vld [tilespmem:$0x1FEA0];
	v2 =	vadd.f32 v2, v5  }
0x439: {  	v16 =	vld [tilespmem:$0x1FEC0]  }
0x43a: {  	v15 =	vld [tilespmem:$0x1FEB0];
	[tilespmem:v63+s17+$0x0] =	vst.idx.msk $0xffff, v2  }
0x43b: {  	v2 =	vld.idx.msk [tilespmem:v3+s17+$0x0], $0xffff  }
0x43c: {  	v10 =	vld [tilespmem:$0x1FE60]  }
0x43d: {  	v9 =	vld [tilespmem:$0x1FE50]  }
0x43e: {  	v13 =	vld [tilespmem:$0x1FE90]  }
0x43f: {  	v4 =	vld [tilespmem:$0x6FF0]  }
0x440: {  	v12 =	vld [tilespmem:$0x1FE80];
	v1 =	vsub.f32 v2, v1  }
0x441: {  	v2 =	vld [tilespmem:$0x73F0]  }
0x442: {  	v11 =	vld [tilespmem:$0x1FE70];
	v0 =	vmul.f32 v1, v0  }
0x443: {  	p0 =	sne.s32 s23, $0x70;
	v8 =	vld [tilespmem:$0x1FE40]  }
.Ltmp0:
0x444: {  	v7 =	vld [tilespmem:$0x1FE30];
	v0 =	vmul.f32 v0, v4;
	(pc) =	sbr.rel @p0 .LBB2_3-.Ltmp0, $4  }
0x445: {  	v6 =	vld [tilespmem:$0x1FE20]  }
0x446: {  	v5 =	vld [tilespmem:$0x1FE10];
	v0 =	vadd.f32 v0, v2  }
0x447: {  	v4 =	vld [tilespmem:$0x1FE00]  }
0x448: {  	s25 =	sadd.s32 $0x10, s25;
	s24 =	sadd.s32 $0x10, s24;
	s23 =	sadd.s32 $0x10, s23;
	[tilespmem:v3+s17+$0x0] =	vst.idx.msk $0xffff, v0;
	v3 =	vld [tilespmem:$0x1FDF0]  }
0x449: {  	s21 =	sadd.s32 $0x1, s21  }
0x44a: {  	s22 =	sshll.u32 s22, $0x3;
	p0 =	sne.s32 s21, $0xC8  }
.Ltmp1:
0x44b: {  	s22 =	sadd.s32 s1, s22;
	(pc) =	sbr.rel @p0 .LBB2_2-.Ltmp1, $4  }
0x44c: {  	[hbm4b:s22+s2] =	stream.linear.scatter [tilespmem:s17], [sflag:$0x2], $0x2000, $0x38;
	[tilespmem:$0x9500] =	vst v63  }
0x44d: {  	_ =	swait.ge [sflag:s12], $0x2000  }
0x44e: {  	[sflag:s12] =	ssyncset.done $0x0  }
0x44f: {  	s20 =	sadd.s32 $0x80, s20;
	[sflag:s12] =	ssyncadd.s32 $0xFFFFE000  }
0x450: {  	s19 =	sadd.s32 $0x1, s19  }
0x451: {  	p0 =	sne.s32 s19, s11  }
.Ltmp2:
0x452: {  	_ = 	snop;
	(pc) =	sbr.rel @p0 .LBB2_1-.Ltmp2, $1  }
0x453: {  	_ =	sdelay $0x3  }
0x454: {  	_ =	sfence.sel $0x180000  }
0x455: {  	[bflag:$0x0] =	sbarrier.arrive $0xFFFF  }
0x456: {  	p0 =	sne.s32 s5, $0x0;
	_ =	strace $0x90000047  }
0x457: {  	s0 =	sadd.s32 @!p0 $0x100000, s0;
	[bflag:$0x2] =	sbarrier.arrive $0xFFFF  }
0x458: {  	[sflag:s0] =	ssyncadd.tile.s32 @!p0 $0x1;
	_ =	shalt  }
.Lfunc_end2:
_tile_overlayer_lowered:
.L_overlay_start_2:
0x459: {  	(tag) =	ssettag $0x2  }
0x45a: {  	s0 =	rddreg [dreg:$0x0];
	s2 =	stileid.u32  }
0x45b: {  	s1 =	rddreg [dreg:$0x1];
	p0 =	sne.s32 s2, $0x0  }
0x45c: {  	s3 =	rddreg [dreg:$0x2];
	[bflag:$0x3] =	sbarrier.arrive $0xFFFF;
	s2 =	simm.s32 @!p0 $0x1C02  }
0x45d: {  	[timem:s3], [sflag:s2] =	dma.local @!p0 [hbm:s0], s1  }
0x45e: {  	s0 =	simm.s32 @!p0 $0x2  }
0x45f: {  	_ =	swait.ge @!p0 [sflag:s0], s1  }
0x460: {  	s1 =	ssub.s32 @!p0 $0x0, s1;
	[sflag:s0] =	ssyncset.done @!p0 $0x0  }
0x461: {  	[sflag:s0] =	ssyncadd.s32 @!p0 s1  }
0x462: {  	[bflag:$0x3] =	sbarrier.arrive $0xFFFF  }
0x463: {  	_ =	shalt  }

// kernel: sparse-core-data-format-call.cloned.1.call-start
scs
called_computation_lowered:
.L_overlay_start_0:
0x0: {  	s2 =	sld [smem:$0x3FD9]  }
0x1: {  	s3 =	sld [smem:$0x3FFE];
	_ =	sdelay $0x1  }
0x2: {  	s1 =	srdreg.scid  }
0x3: {  	s0 =	sand.u32 $0x1, s1  }
0x4: {  	s18 =	sshll.u32 s0, $0xA;
	s2 =	sadd.s32 s3, s2  }
0x5: {  	s2 =	sadd.s32 s2, s18  }
0x6: {  	[smem:$0x3FC1] =	sst s2  }
0x7: {  	_ = 	snop  }
0x8: {  	s2 =	sld [smem:$0x3FD0];
	(tm) =	ssettm $0x1  }
0x9: {  	s19 =	sld [smem:$0x3FFB];
	_ =	sdelay $0x3  }
0xa: {  	_ =	strace s19  }
0xb: {  	s3 =	sld [smem:$0x3FFC];
	_ =	sdelay $0x3  }
0xc: {  	_ =	strace s3  }
0xd: {  	s3 =	sld [smem:$0x3FFD];
	_ =	sdelay $0x3  }
0xe: {  	_ =	strace s3  }
0xf: {  	_ =	strace $0x8FFFFFFF  }
0x10: {  	s20 =	sld [smem:$0x3FDB];
	_ =	sdelay $0x1  }
0x11: {  	s4 =	simm.s32 $_scs_section_size  }
0x12: {  	s5 =	simm.s32 $_size__tile_overlayer_lowered;
	s6 =	simm.s32 $_tile_overlayer_lowered  }
0x13: {  	s23 =	simm.s32 $0x1BFF;
	s22 =	sshll.u32 s6, $0x1;
	s3 =	sadd.s32 s4, s20  }
0x14: {  	s7 =	simm.s32 $0x0;
	s21 =	sshll.u32 s5, $0x1;
	s5 =	sadd.s32 s22, s3  }
0x15: {  	[timem:s7], [sflag:s23] =	dma.local [hbm:s5], s21  }
0x16: {  	_ =	swait.ge [sflag:s23], s21  }
0x17: {  	s4 =	ssub.s32 $0x0, s21;
	[sflag:s23] =	ssyncset.done $0x0  }
0x18: {  	[sflag:s23] =	ssyncadd.s32 s4;
	_ =	sdelay $0x1  }
0x19: {  	s24 =	simm.s32 $0x1B8B  }
0x1a: {  	_ =	swait.ge [sflag:s24], $0x1  }
0x1b: {  	[sflag:s24] =	ssyncset.done $0x0  }
0x1c: {  	s26 =	simm.s32 $0x1B8E;
	s25 =	sld [smem:$0x3FFE];
	[sflag:s24] =	ssyncadd.s32 $0xFFFFFFFF  }
0x1d: {  	s27 =	simm.s32 $execute0_lowered;
	[smem:$0x3FD2] =	sst s26  }
0x1e: {  	s5 =	sshll.u32 s27, $0x1;
	_ =	strace $0x80000049;
	[dreg:$0x1] =	wrdreg $0xFFFFFFFF  }
0x1f: {  	s28 =	simm.s32 $_size_execute0_lowered;
	s3 =	sadd.s32 s3, s5;
	[dreg:$0x0] =	wrdreg $0x0  }
0x20: {  	s5 =	sshll.u32 s28, $0x1;
	[dreg:$0x2] =	wrdreg s3  }
0x21: {  	[dreg:$0x3] =	wrdreg s5  }
0x22: {  	[dreg:$0x4] =	wrdreg $0xC0  }
0x23: {  	_ =	task [dreg:s7], $0x5FFFF  }
0x24: {  	[dreg:$0x1] =	wrdreg $0xFFFFFFFF  }
0x25: {  	[dreg:$0x0] =	wrdreg $0x60  }
0x26: {  	[dreg:$0x2] =	wrdreg s25  }
0x27: {  	[dreg:$0x3] =	wrdreg s2  }
0x28: {  	[dreg:$0x4] =	wrdreg $0x9  }
0x29: {  	_ =	task.clear_ibuf [dreg:s7], $0x5FFFF;
	_ =	strace $0x90000049  }
0x2a: {  	s29 =	simm.s32 $0x9;
	_ =	strace $0x8000004B  }
0x2b: {  	_ =	swait.ge [sflag:s29], $0x1  }
0x2c: {  	[sflag:s29] =	ssyncadd.s32 $0xFFFFFFFF  }
0x2d: {  	_ =	strace $0x9000004B  }
0x2e: {  	_ =	sfence  }
0x2f: {  	s30 =	sld [smem:$0x0];
	_ =	sdelay $0x2  }
0x30: {  	s31 =	sshll.u32 s1, $0xD;
	s1 =	sshrl.u32 s1, $0x2  }
0x31: {  	s3 =	sand.u32 $0x4000, s31;
	s1 =	sadd.s32 s1, s30  }
0x32: {  	s0 =	sor.u32 s3, s0;
	s1 =	sshll.u32 s1, $0x11  }
0x33: {  	s0 =	sor.u32 s1, s0  }
0x34: {  	s0 =	sadd.s32 $0x8F2B, s0  }
0x35: {  	[sflag:s0] =	ssyncadd.remote.s32 $0x1  }
0x36: {  	_ =	sfence.sel $0xFFFF  }
0x37: {  	[dreg:$0x0] =	wrdreg $0xFFFFFFFF;
	(pc) =	sbr.abs _section_cstart, $3  }
0x38: {  	[dreg:$0x1] =	wrdreg $0xFFFFFFFF  }
0x39: {  	_ =	task.clear_ibuf [dreg:s7], $0x2FFFF;
	_ =	strace $0x9FFFFFFF  }
0x3a: {  	(tm) =	ssettm $0x7FFFFFFF  }
0x3b: {  	_ =	shalt  }
tec
execute0_lowered:
.L_overlay_start_1:
0x0: {  	(tag) =	ssettag $0x1  }
0x1: {  	s0 =	srdreg.scid  }
0x2: {  	s1 =	sshll.u32 s0, $0x4  }
0x3: {  	s0 =	stileid.u32;
	s1 =	sand.u32 $0x10, s1  }
0x4: {  	s1 =	sor.u32 s0, s1  }
0x5: {  	s6 =	rddreg [dreg:$0x0];
	s4 =	simm.s32 $0x1;
	s2 =	sshll.u32 s1, $0x7  }
0x6: {  	s7 =	simm.s32 $0x2;
	s12 =	simm.s32 $0x0;
	s1 =	ssub.s32 $0x1000, s2  }
0x7: {  	s8 =	simm.s32 $0x8000;
	s13 =	simm.s32 $0x0;
	s3 =	sand.u32 $0xF80, s1  }
0x8: {  	s9 =	simm.s32 $0x0;
	s5 =	sshrl.u32 s1, $0xC;
	p0 =	sne.s32 s3, $0x0  }
.Ltmp0:
0x9: {  	s1 =	rddreg [dreg:$0x2];
	s4 =	simm.s32 @!p0 $0x0;
	(pc) =	sbr.rel .LBB1_1-.Ltmp0, $4  }
0xa: {  	s11 =	simm.s32 $0x0;
	s3 =	rddreg [dreg:$0x1];
	s5 =	sadd.s32 s4, s5  }
0xb: {  	_ =	strace $0x8000004A;
	s4 =	simm.s32 $0x1;
	s5 =	smul.u32 $0xC8, s5  }
0xc: {  	s6 =	sadd.s32 $0x1000, s6;
	s10 =	smov.u32 s2;
	[sflag:s4] =	ssyncpa.u1 $0x0  }
0xd: {  	p0 =	por $0x0, $0x0;
	[sflag:s7] =	ssyncpa.u1 $0x0;
	s7 =	sor.u32 $0x1, s5  }
.LBB1_4:
0xe: {  	s16 =	sshll.u32 s13, $0x3;
	s17 =	sand.u32 $0x78, s13  }
0xf: {  	s30 =	sand.u32 $0x7E00, s13;
	s12 =	sshll.u32 s12, $0xF;
	s16 =	sand.u32 $0xC00, s16  }
0x10: {  	[tilespmem:s15+$0x810 ss:$0x81] =	vst.msk $0xffff, v2;
	s31 =	sand.u32 $0x7, s13;
	s16 =	sor.u32 s17, s16;
	s17 =	sadd.s32 s3, s30  }
0x11: {  	[tilespmem:s15+$0x1020 ss:$0x81] =	vst.msk $0xffff, v0;
	s13 =	sshll.u32 s31, $0x12;
	s12 =	sadd.s32 s12, s17;
	s16 =	sshrl.u32 s16, $0x3  }
0x12: {  	[tilespmem:s15+$0x0 ss:$0x81] =	vst.msk $0xffff, v1;
	s13 =	sor.u32 $0x400, s13;
	s12 =	sadd.s32 s16, s12  }
0x13: {  	[hbm4b:s12+s13] =	stream.strided.scatter [tilespmem:s14], [sflag:$0x2], $0x2000, s8, s13, $0x20;
	[tilespmem:$0x8080] =	vst v63  }
.LBB1_5:
0x14: {  	s14 =	sadd.s32 $0x1, s9  }
0x15: {  	s12 =	sadd.s32 $0x1000, s10;
	s16 =	smov.u32 s10;
	p2 =	sgt.s32 s14, $0xC7  }
0x16: {  	s16 =	smov.u32 @p2 s12  }
0x17: {  	s14 =	simm.s32 @p2 $0x0;
	p2 =	sgt.s32 s16, $0xFFF  }
0x18: {  	s16 =	smov.u32 @p2 s2;
	p2 =	sne.s32 s11, s7  }
.Ltmp1:
0x19: {  	p1 =	slt.u32 s11, $0x2;
	(pc) =	sbr.rel @!p2 .LBB1_6-.Ltmp1, $4  }
0x1a: {  	s15 =	simm.s32 @!p1 $0x2  }
0x1b: {  	s13 =	smov.u32 s10;
	p0 =	por !p0, !p0;
	_ =	swait.ge @!p1 [sflag:s15], $0x2000  }
0x1c: {  	s12 =	smov.u32 s9;
	[sflag:s15] =	ssyncset.done @!p1 $0x0;
	s9 =	smov.u32 s14  }
0x1d: {  	s11 =	sadd.s32 $0x1, s11;
	[sflag:s15] =	ssyncadd.s32 @!p1 $0xFFFFE000;
	s10 =	smov.u32 s16  }
.LBB1_1:
0x1e: {  	p1 =	sge.u32 s11, s5  }
0x1f: {  	s14 =	sand.u32 @!p1 $0x1FFFFFF, s9  }
0x20: {  	s15 =	smulhi.u32 @!p1 $0x147AE15, s14;
	_ =	sdelay $0x1  }
0x21: {  	s15 =	smul.u32 @!p1 $0xC8, s15  }
0x22: {  	s16 =	sxor.u32 @!p1 $0xFFFFFFFF, s11;
	s17 =	smul.u32 @!p1 $0xC80, s10  }
0x23: {  	s31 =	sadd.s32 $0xFFFFFFFF, s11;
	s16 =	sshll.u32 @!p1 s16, $0xD;
	s14 =	ssub.s32 @!p1 s14, s15  }
0x24: {  	s15 =	sand.u32 @!p1 $0x2000, s16;
	s16 =	sadd.s32 @!p1 s6, s17;
	s14 =	sshll.u32 @!p1 s14, $0x4  }
0x25: {  	s17 =	simm.s32 @!p1 $0x6400;
	s14 =	sadd.s32 @!p1 s14, s16;
	s16 =	simm.s32 @!p1 $0x40  }
0x26: {  	[tilespmem:s15], [sflag:$0x1] =	stream.strided.gather @!p1 [hbm4b:s14+s16], $0x2000, s17, s16, $0x38;
	[tilespmem:$0x8080] =	vst v63  }
0x27: {  	p1 =	sge.u32 s31, s5  }
.Ltmp2:
0x28: {  	_ = 	snop;
	(pc) =	sbr.rel @p1 .LBB1_5-.Ltmp2, $1  }
0x29: {  	_ =	sdelay $0x3  }
0x2a: {  	s14 =	simm.s32 $0x1  }
0x2b: {  	_ =	swait.ge [sflag:s4], $0x2000;
	s14 =	simm.s32 @!p0 $0x0  }
0x2c: {  	[sflag:s4] =	ssyncset.done $0x0;
	s15 =	sshll.u32 s14, $0xD  }
0x2d: {  	[sflag:s4] =	ssyncadd.s32 $0xFFFFE000;
	s18 =	sor.u32 $0x20, s15  }
0x2e: {  	s14 =	smul.u32 $0x8100, s14;
	v3 =	vld [tilespmem:s18+$0x10]  }
0x2f: {  	s30 =	sand.u32 $0x1, s11;
	v2 =	vld [tilespmem:s18+$0xFFFFFFF0]  }
0x30: {  	s15 =	smul.u32 $0x8100, s30;
	s14 =	sshrl.u32 s14, $0x2;
	v0 =	vld [tilespmem:s18+$0x0]  }
0x31: {  	v1 =	vld [tilespmem:s18+$0xFFFFFFE0];
	s16 =	sor.u32 $0x4000, s14  }
0x32: {  	s31 =	sshrl.u32 s15, $0x2;
	s15 =	sadd.s32 $0x0, s16  }
0x33: {  	s17 =	simm.s32 $0x4;
	s18 =	sadd.s32 $0x40, s18;
	s14 =	sor.u32 $0x4000, s31;
	[tilespmem:s15+$0x1830 ss:$0x81] =	vst.msk $0xffff, v3  }
.LBB1_3:
0x34: {  	v3 =	vld [tilespmem:s18+$0x10];
	p1 =	sne.s32 s17, $0x1FC;
	[tilespmem:s15+$0x810 ss:$0x81] =	vst.msk $0xffff, v2;
	s19 =	smov.u32 s17;
	s17 =	sadd.s32 $0x4, s17  }
.Ltmp3:
0x35: {  	v2 =	vld [tilespmem:s18+$0xFFFFFFF0];
	[tilespmem:s15+$0x1020 ss:$0x81] =	vst.msk $0xffff, v0;
	(pc) =	sbr.rel @p1 .LBB1_3-.Ltmp3, $4  }
0x36: {  	v0 =	vld [tilespmem:s18+$0x0];
	[tilespmem:s15+$0x0 ss:$0x81] =	vst.msk $0xffff, v1  }
0x37: {  	s15 =	sshra.s32 s19, $0x2;
	v1 =	vld [tilespmem:s18+$0xFFFFFFE0]  }
0x38: {  	s15 =	sadd.s32 s15, s16  }
0x39: {  	s18 =	sadd.s32 $0x40, s18;
	[tilespmem:s15+$0x1830 ss:$0x81] =	vst.msk $0xffff, v3  }
.Ltmp4:
0x3a: {  	_ = 	snop;
	(pc) =	sbr.rel .LBB1_4-.Ltmp4, $1  }
0x3b: {  	_ =	sdelay $0x3  }
.LBB1_6:
0x3c: {  	_ =	sfence.sel $0x180000  }
0x3d: {  	s2 =	simm.s32 $0x1;
	[bflag:$0x0] =	sbarrier.arrive $0xFFFF  }
0x3e: {  	s31 =	simm.s32 $0x2;
	[sflag:s2] =	ssyncpa.u1 $0x1  }
0x3f: {  	[sflag:s31] =	ssyncpa.u1 $0x1  }
0x40: {  	p0 =	sne.s32 s0, $0x0;
	_ =	strace $0x9000004A  }
0x41: {  	s0 =	sadd.s32 @!p0 $0x100000, s1;
	[bflag:$0x2] =	sbarrier.arrive $0xFFFF  }
0x42: {  	[sflag:s0] =	ssyncadd.tile.s32 @!p0 $0x1;
	_ =	shalt  }
.Lfunc_end1:
_tile_overlayer_lowered:
.L_overlay_start_2:
0x43: {  	(tag) =	ssettag $0x2  }
0x44: {  	s0 =	rddreg [dreg:$0x0];
	s2 =	stileid.u32  }
0x45: {  	s1 =	rddreg [dreg:$0x1];
	p0 =	sne.s32 s2, $0x0  }
0x46: {  	s3 =	rddreg [dreg:$0x2];
	[bflag:$0x3] =	sbarrier.arrive $0xFFFF;
	s2 =	simm.s32 @!p0 $0x1C01  }
0x47: {  	[timem:s3], [sflag:s2] =	dma.local @!p0 [hbm:s0], s1  }
0x48: {  	s0 =	simm.s32 @!p0 $0x1  }
0x49: {  	_ =	swait.ge @!p0 [sflag:s0], s1  }
0x4a: {  	s1 =	ssub.s32 @!p0 $0x0, s1;
	[sflag:s0] =	ssyncset.done @!p0 $0x0  }
0x4b: {  	[sflag:s0] =	ssyncadd.s32 @!p0 s1  }
0x4c: {  	[bflag:$0x3] =	sbarrier.arrive $0xFFFF  }
0x4d: {  	_ =	shalt  }

</sc_bundles>
